<compile_context>
chip_gen: v7x
topology: tpu7x:2x2x1
jax: 0.10.2.dev20260603
libtpu: 0.0.44.dev20260713+nightly
codegen_flags: <defaults>
</compile_context>

<pallas_src>
import functools

import jax
import jax.numpy as jnp
from jax import lax
from jax.experimental import pallas as pl
from jax.experimental.pallas import tpu as pltpu
from jax.experimental.pallas import tpu_sc as plsc

LANES = 128
SCL = 16
SC_NC = 2
SC_NS = 16
BT = 128
G = 32


def _gelu(v):
    return 0.5 * v * (1.0 + jax.lax.erf(v * (2.0 ** -0.5)))



def _gate_body(x_ref, gw_ref, gb_ref, tv_ref, idx_ref, r_ref, off_ref,
               tof_ref, eof_ref, fst_ref, lst_ref, npn_ref, loss_ref,
               imp_ref, carry_ref, *, E, BTG):
    t = pl.program_id(0)
    logits = jnp.dot(x_ref[...], gw_ref[...], preferred_element_type=jnp.float32)
    logits = logits + gb_ref[...]
    lane = jax.lax.broadcasted_iota(jnp.int32, logits.shape, 1)
    valid = lane < E
    lm = jnp.where(valid, logits, -1e30)
    m = jnp.max(lm, axis=1, keepdims=True)
    idx = jnp.min(jnp.where(lm == m, lane, LANES), axis=1, keepdims=True)
    onehot = (idx == lane).astype(jnp.float32)
    p = jnp.where(valid, jnp.exp(lm - m), 0.0)
    p = p / jnp.sum(p, axis=1, keepdims=True)
    tv = jnp.sum(p * onehot, axis=1, keepdims=True)
    tv_ref[...] = tv
    idx_ref[...] = idx

    @pl.when(t == 0)
    def _():
        imp_ref[...] = jnp.zeros_like(imp_ref)
        carry_ref[...] = jnp.zeros_like(carry_ref)

    imp_ref[...] += jnp.sum(p, axis=0, keepdims=True)

    ir = jax.lax.broadcasted_iota(jnp.int32, (BTG, BTG), 0)
    ic = jax.lax.broadcasted_iota(jnp.int32, (BTG, BTG), 1)
    tri = (ic < ir).astype(jnp.float32)
    rank_blk = jnp.dot(tri, onehot, preferred_element_type=jnp.float32)
    r_tok = jnp.sum(rank_blk * onehot, axis=1, keepdims=True)
    c_tok = jnp.sum(carry_ref[...] * onehot, axis=1, keepdims=True)
    r_ref[...] = (r_tok + c_tok).astype(jnp.int32)
    carry_ref[...] += jnp.sum(onehot, axis=0, keepdims=True)

    @pl.when(t == pl.num_programs(0) - 1)
    def _():
        lr = jax.lax.broadcasted_iota(jnp.int32, (1, LANES), 1)
        jr = jax.lax.broadcasted_iota(jnp.int32, (LANES, LANES), 0)
        jc = jax.lax.broadcasted_iota(jnp.int32, (LANES, LANES), 1)

        def rowdot(v, mm):
            return jnp.dot(v, mm, preferred_element_type=jnp.float32,
                           precision=jax.lax.Precision.HIGHEST)

        def transpose_row(v):
            d = jnp.broadcast_to(v, (LANES, LANES)) * (jr == jc)
            return rowdot(d, jnp.ones((LANES, 1), jnp.float32))

        cnt = carry_ref[...]
        tri_up = (jr < jc).astype(jnp.float32)
        off = rowdot(cnt, tri_up)
        off_ref[...] = off.astype(jnp.int32)

        tt = lr // E
        ee = lr % E
        sel_e = (jr == (jc % E)).astype(jnp.float32)
        sel_e1 = (jr == (jc % E) + 1).astype(jnp.float32)
        offe = rowdot(off, sel_e)
        ende = rowdot(off, sel_e1)
        ttf = tt.astype(jnp.float32)
        flag = ((offe < (ttf + 1.0) * BT) & (ende > ttf * BT)
                & (ende > offe)).astype(jnp.float32)
        pos = rowdot(flag, tri_up)
        n = jnp.sum(flag)
        pos_c = transpose_row(pos)
        flag_c = transpose_row(flag)
        stt = ((pos_c == jc.astype(jnp.float32)) & (flag_c > 0.5)
               ).astype(jnp.float32)
        ttv = ttf * flag
        eev = ee.astype(jnp.float32) * flag
        tof = rowdot(ttv, stt)
        eof = rowdot(eev, stt)
        is_last_pos = (pos == n - 1.0).astype(jnp.float32) * flag
        tlast = jnp.sum(ttv * is_last_pos)
        elast = jnp.sum(eev * is_last_pos)
        lrf = lr.astype(jnp.float32)
        tof = jnp.where(lrf <= n - 1.0, tof, tlast)
        eof = jnp.where(lrf <= n - 1.0, eof, elast)
        shl = (jr == jc - 1).astype(jnp.float32)
        shr = (jr == jc + 1).astype(jnp.float32)
        prev = rowdot(tof, shl)
        nxt = rowdot(tof, shr)
        fst = (lr == 0) | (tof != prev)
        lst = (lrf == n - 1.0) | (nxt != tof)
        tof_ref[...] = tof.astype(jnp.int32)
        eof_ref[...] = eof.astype(jnp.int32)
        fst_ref[...] = fst.astype(jnp.int32)
        lst_ref[...] = lst.astype(jnp.int32)
        npn_ref[...] = n.astype(jnp.int32) * jnp.ones_like(npn_ref)

        imp = imp_ref[...]
        vmask = jax.lax.broadcasted_iota(jnp.int32, imp.shape, 1) < E
        mean = jnp.sum(imp) / E
        var = jnp.sum(jnp.where(vmask, (imp - mean) ** 2, 0.0)) / (E - 1)
        loss_ref[...] = var / (mean * mean + 1e-10) * jnp.ones_like(loss_ref)


def _gate(x_flat, gate_W, gate_b):
    N, D = x_flat.shape
    E = gate_W.shape[1]
    BTG = 256
    T = N // BTG
    gwp = jnp.zeros((D, LANES), jnp.float32).at[:, :E].set(gate_W)
    gbp = jnp.zeros((1, LANES), jnp.float32).at[0, :E].set(gate_b)
    return pl.pallas_call(
        functools.partial(_gate_body, E=E, BTG=BTG),
        grid=(T,),
        in_specs=[
            pl.BlockSpec((BTG, D), lambda t: (t, 0)),
            pl.BlockSpec((D, LANES), lambda t: (0, 0)),
            pl.BlockSpec((1, LANES), lambda t: (0, 0)),
        ],
        out_specs=[
            pl.BlockSpec((BTG, 1), lambda t: (t, 0)),
            pl.BlockSpec((BTG, 1), lambda t: (t, 0)),
            pl.BlockSpec((BTG, 1), lambda t: (t, 0)),
            pl.BlockSpec((1, LANES), lambda t: (0, 0)),
            pl.BlockSpec((1, LANES), lambda t: (0, 0)),
            pl.BlockSpec((1, LANES), lambda t: (0, 0)),
            pl.BlockSpec((1, LANES), lambda t: (0, 0)),
            pl.BlockSpec((1, LANES), lambda t: (0, 0)),
            pl.BlockSpec((1, 1), lambda t: (0, 0)),
            pl.BlockSpec((1, 1), lambda t: (0, 0)),
        ],
        out_shape=[
            jax.ShapeDtypeStruct((N, 1), jnp.float32),
            jax.ShapeDtypeStruct((N, 1), jnp.int32),
            jax.ShapeDtypeStruct((N, 1), jnp.int32),
            jax.ShapeDtypeStruct((1, LANES), jnp.int32),
            jax.ShapeDtypeStruct((1, LANES), jnp.int32),
            jax.ShapeDtypeStruct((1, LANES), jnp.int32),
            jax.ShapeDtypeStruct((1, LANES), jnp.int32),
            jax.ShapeDtypeStruct((1, LANES), jnp.int32),
            jax.ShapeDtypeStruct((1, 1), jnp.int32),
            jax.ShapeDtypeStruct((1, 1), jnp.float32),
        ],
        scratch_shapes=[pltpu.VMEM((1, LANES), jnp.float32),
                        pltpu.VMEM((1, LANES), jnp.float32)],
    )(x_flat, gwp, gbp)



def _dispatch_sc(x_flat, idxf, rf, tvf, offsets):
    N, D = x_flat.shape
    NW = SC_NC * SC_NS
    CHUNK = N // NW
    mesh = plsc.VectorSubcoreMesh(core_axis_name="c", subcore_axis_name="s")
    gdn = lax.GatherDimensionNumbers(
        offset_dims=(), collapsed_slice_dims=(0,), start_index_map=(0,))

    @functools.partial(
        pl.kernel, mesh=mesh,
        out_type=[
            jax.ShapeDtypeStruct((N, D), jnp.float32),
            jax.ShapeDtypeStruct((N, LANES), jnp.float32),
            jax.ShapeDtypeStruct((N,), jnp.int32),
        ],
        scratch_types=[
            pltpu.VMEM((SCL,), jnp.int32),
            pltpu.VMEM((CHUNK,), jnp.int32),
            pltpu.VMEM((CHUNK,), jnp.int32),
            pltpu.VMEM((1, CHUNK), jnp.int32),
            pltpu.VMEM((CHUNK,), jnp.float32),
            pltpu.VMEM((CHUNK, D), jnp.float32),
            pltpu.VMEM((CHUNK, LANES), jnp.float32),
            pltpu.SemaphoreType.DMA,
        ],
    )
    def k(x_hbm, idx_hbm, r_hbm, tv_hbm, offs_hbm,
          xs_hbm, tvp_hbm, dest_hbm,
          off_v, idx_v, r_v, dest_v, tv_v, rows_v, tvrow_v, sem):
        wid = lax.axis_index("s") * SC_NC + lax.axis_index("c")
        base = wid * CHUNK
        pltpu.sync_copy(offs_hbm, off_v)
        pltpu.sync_copy(idx_hbm.at[pl.ds(base, CHUNK)], idx_v)
        pltpu.sync_copy(r_hbm.at[pl.ds(base, CHUNK)], r_v)
        pltpu.sync_copy(tv_hbm.at[pl.ds(base, CHUNK)], tv_v)
        pltpu.sync_copy(x_hbm.at[pl.ds(base, CHUNK)], rows_v)
        off_vec = off_v[...]
        lane = lax.iota(jnp.int32, SCL)
        for j in range(CHUNK // SCL):
            sl = pl.ds(j * SCL, SCL)
            ev = idx_v[sl]
            offe = lax.gather(off_vec, ev[:, None], dimension_numbers=gdn,
                              slice_sizes=(1,),
                              mode=lax.GatherScatterMode.PROMISE_IN_BOUNDS)
            dest_v[0, sl] = offe + r_v[sl]
            tvg = tv_v[sl]
            for jj in range(SCL):
                tvrow_v[j * SCL + jj, pl.ds(0, SCL)] = jnp.where(
                    lane == 0, tvg[jj], 0.0)
        pltpu.sync_copy(dest_v.at[0], dest_hbm.at[pl.ds(base, CHUNK)])
        pltpu.async_copy(rows_v, xs_hbm.at[dest_v.at[0]], sem).wait()
        pltpu.async_copy(tvrow_v, tvp_hbm.at[dest_v.at[0]], sem).wait()

    return k(x_flat, idxf, rf, tvf, offsets)



def _ffn_body(tof_ref, eof_ref, fst_ref, lst_ref, np_ref, off_ref,
              xs_ref, w1_ref, b1_ref, w2_ref, b2_ref, tvp_ref, g_ref,
              out_ref, *, D):
    g = pl.program_id(0)

    @pl.when(g < np_ref[0])
    def _():
        t = tof_ref[g]
        e = eof_ref[g]
        xb = xs_ref[...]
        h = _gelu(jnp.dot(xb, w1_ref[0], preferred_element_type=jnp.float32)
                  + b1_ref[0])
        o = jnp.dot(h, w2_ref[0], preferred_element_type=jnp.float32) + b2_ref[0]
        rows = t * BT + jax.lax.broadcasted_iota(jnp.int32, (BT, 1), 0)
        seg = (rows >= off_ref[e]) & (rows < off_ref[e + 1])
        contrib = jnp.where(seg, o, 0.0)

        @pl.when(fst_ref[g] == 1)
        def _():
            out_ref[...] = contrib

        @pl.when(fst_ref[g] == 0)
        def _():
            out_ref[...] += contrib

        @pl.when(lst_ref[g] == 1)
        def _():
            y = xb + out_ref[...] * tvp_ref[:, 0:1]
            nrm = jnp.sqrt(jnp.sum(y * y, axis=1, keepdims=True))
            y_n = y / jnp.maximum(nrm, 1e-12) * g_ref[...] * (D ** 0.5)
            out_ref[...] = _gelu(y_n)


def _grouped_ffn(xs, tvp, W1, b1, W2, b2, gamma, tof, eof, fst, lst, npv, off):
    N, D = xs.shape
    E, _, H = W1.shape
    grid_spec = pltpu.PrefetchScalarGridSpec(
        num_scalar_prefetch=6,
        grid=(G,),
        in_specs=[
            pl.BlockSpec((BT, D), lambda g, tof, eof, fst, lst, npv, off: (tof[g], 0)),
            pl.BlockSpec((1, D, H), lambda g, tof, eof, fst, lst, npv, off: (eof[g], 0, 0)),
            pl.BlockSpec((1, 1, H), lambda g, tof, eof, fst, lst, npv, off: (eof[g], 0, 0)),
            pl.BlockSpec((1, H, D), lambda g, tof, eof, fst, lst, npv, off: (eof[g], 0, 0)),
            pl.BlockSpec((1, 1, D), lambda g, tof, eof, fst, lst, npv, off: (eof[g], 0, 0)),
            pl.BlockSpec((BT, LANES), lambda g, tof, eof, fst, lst, npv, off: (tof[g], 0)),
            pl.BlockSpec((1, D), lambda g, tof, eof, fst, lst, npv, off: (0, 0)),
        ],
        out_specs=pl.BlockSpec((BT, D), lambda g, tof, eof, fst, lst, npv, off: (tof[g], 0)),
    )
    return pl.pallas_call(
        functools.partial(_ffn_body, D=D),
        grid_spec=grid_spec,
        out_shape=jax.ShapeDtypeStruct((N, D), jnp.float32),
    )(tof, eof, fst, lst, npv, off,
      xs, W1, b1.reshape(E, 1, H), W2, b2.reshape(E, 1, D), tvp,
      gamma.reshape(1, D))



def _unsort_sc(y_sorted, dest):
    N, D = y_sorted.shape
    NW = SC_NC * SC_NS
    CHUNK = N // NW
    mesh = plsc.VectorSubcoreMesh(core_axis_name="c", subcore_axis_name="s")

    @functools.partial(
        pl.kernel, mesh=mesh,
        out_type=jax.ShapeDtypeStruct((N, D), jnp.float32),
        scratch_types=[
            pltpu.VMEM((CHUNK,), jnp.int32),
            pltpu.VMEM((CHUNK, D), jnp.float32),
            pltpu.SemaphoreType.DMA,
        ],
    )
    def k(y_hbm, dest_hbm, out_hbm, d_v, rows_v, sem):
        wid = lax.axis_index("s") * SC_NC + lax.axis_index("c")
        base = wid * CHUNK
        pltpu.sync_copy(dest_hbm.at[pl.ds(base, CHUNK)], d_v)
        pltpu.async_copy(y_hbm.at[d_v], rows_v, sem).wait()
        pltpu.sync_copy(rows_v, out_hbm.at[pl.ds(base, CHUNK)])

    return k(y_sorted, dest)



def kernel(x, gate_W, gate_b, W1, b1, W2, b2, gamma):
    B, N, D = x.shape
    x_flat = x.reshape(N, D)

    (tv, idx, r, offp, tofp, eofp, fstp, lstp, npn, loss) = _gate(
        x_flat, gate_W, gate_b)

    xs, tvp, dest = _dispatch_sc(
        x_flat, idx.reshape(N), r.reshape(N), tv.reshape(N), offp[0, :SCL])

    y_sorted = _grouped_ffn(
        xs, tvp, W1, b1, W2, b2, gamma,
        tofp[0, :G], eofp[0, :G], fstp[0, :G], lstp[0, :G],
        npn.reshape(1), offp[0, :SCL])

    out = _unsort_sc(y_sorted, dest)
    return out.reshape(B, N, D), loss.reshape(())

# --- scband reference (transcript-rebuilt; emitter-appended) ---
"""Pipeline reference for scband-mo-eblock-36507222016564 (READ-ONLY COPY).

The authoritative reference and input builder live on the scoring server;
editing this copy changes nothing except your own understanding.
"""

import jax, jax.numpy as jnp
import numpy as np

B, N, DIM, HID, E = 1, 2048, 768, 768, 8

def setup_inputs(seed: int = 0) -> dict:
    key = jax.random.key(seed)
    ks = jax.random.split(key, 8)
    x = jax.random.normal(ks[0], (B, N, DIM), dtype=jnp.float32)
    gate_W = jax.random.normal(ks[1], (DIM, E), dtype=jnp.float32) / np.sqrt(DIM)
    gate_b = jnp.zeros((E,), dtype=jnp.float32)
    W1 = jax.random.normal(ks[2], (E, DIM, HID), dtype=jnp.float32) / np.sqrt(DIM)
    b1 = jnp.zeros((E, HID), dtype=jnp.float32)
    W2 = jax.random.normal(ks[3], (E, HID, DIM), dtype=jnp.float32) / np.sqrt(HID)
    b2 = jnp.zeros((E, DIM), dtype=jnp.float32)
    gamma = jnp.ones((DIM,), dtype=jnp.float32)
    return {"x": x, "gate_W": gate_W, "gate_b": gate_b, "W1": W1, "b1": b1, "W2": W2, "b2": b2, "gamma": gamma}

def reference(x, gate_W, gate_b, W1, b1, W2, b2, gamma):
    Bq, Nq, D = x.shape
    num_experts = W1.shape[0]
    x_flat = x.reshape(Bq * Nq, D)
    logits = jax.nn.softmax(x_flat @ gate_W + gate_b, axis=-1)
    top_val, top_idx = jax.lax.top_k(logits, 1)
    top_idx_s = top_idx[:, 0]
    out = jnp.zeros_like(x_flat)
    for i in range(num_experts):
        h = jax.nn.gelu(x_flat @ W1[i] + b1[i], approximate=False)
        # Dropout(0.15) is identity in eval mode
        e = h @ W2[i] + b2[i]
        out = jnp.where((top_idx_s == i)[:, None], e, out)
    y = x_flat + out * top_val
    y = y.reshape(Bq, Nq, D)
    # RMSNorm: F.normalize(y, dim=-1) * gamma * sqrt(D)
    nrm = jnp.sqrt(jnp.sum(y * y, axis=-1, keepdims=True))
    y_n = y / jnp.maximum(nrm, 1e-12) * gamma * (D ** 0.5)
    importance = jnp.sum(logits, axis=0)
    eps = 1e-10
    load_loss = jnp.var(importance, ddof=1) / (jnp.mean(importance) ** 2 + eps)
    return (jax.nn.gelu(y_n, approximate=False), load_loss)

if __name__ == "__main__":
    import jax
    _d = setup_inputs()
    print(jax.jit(kernel)(*tuple(_d.values())))

</pallas_src>

<mosaic_0001>
#map = affine_map<(d0, d1) -> (0, 0)>
#map1 = affine_map<(d0, d1) -> (0)>
module attributes {stable_mosaic.version = 14 : i64} {
  func.func @k(%arg0: i32, %arg1: i32, %arg2: memref<2048x768xf32, #tpu.memory_space<hbm>>, %arg3: memref<2048xi32, #tpu.memory_space<hbm>>, %arg4: memref<2048xi32, #tpu.memory_space<hbm>>, %arg5: memref<2048xf32, #tpu.memory_space<hbm>>, %arg6: memref<16xi32, #tpu.memory_space<hbm>>, %arg7: memref<2048x768xf32, #tpu.memory_space<hbm>>, %arg8: memref<2048x128xf32, #tpu.memory_space<hbm>>, %arg9: memref<2048xi32, #tpu.memory_space<hbm>>, %arg10: memref<16xi32, #tpu.memory_space<vmem>>, %arg11: memref<64xi32, #tpu.memory_space<vmem>>, %arg12: memref<64xi32, #tpu.memory_space<vmem>>, %arg13: memref<1x64xi32, #tpu.memory_space<vmem>>, %arg14: memref<64xf32, #tpu.memory_space<vmem>>, %arg15: memref<64x768xf32, #tpu.memory_space<vmem>>, %arg16: memref<64x128xf32, #tpu.memory_space<vmem>>, %arg17: memref<!tpu.dma_semaphore, #tpu.memory_space<semaphore_mem>>) attributes {dimension_semantics = [#tpu.dimension_semantics<core_parallel>, #tpu.dimension_semantics<subcore_parallel>], iteration_bounds = array<i64: 2, 16>, scalar_prefetch = 0 : i64, scratch_operands = 8 : i64, tpu.core_type = #tpu.core_type<sc_vector_subcore>, window_params = [{transform_indices = #map}, {transform_indices = #map1}, {transform_indices = #map1}, {transform_indices = #map1}, {transform_indices = #map1}, {transform_indices = #map}, {transform_indices = #map}, {transform_indices = #map1}]} {
    %mul3A = arith.constant 2 : i32
    %mul3A_0 = arith.muli %arg1, %mul3A : i32
    %add3A = arith.addi %mul3A_0, %arg0 : i32
    %mul3A_1 = arith.constant 64 : i32
    %mul3A_2 = arith.muli %add3A, %mul3A_1 : i32
    "tpu.region"() ({
      %run_scoped3A_1059 = tpu.sem_alloc : memref<!tpu.dma_semaphore, #tpu.memory_space<semaphore_mem>>
      tpu.enqueue_dma source(%arg6 : memref<16xi32, #tpu.memory_space<hbm>>) target(%arg10 : memref<16xi32, #tpu.memory_space<vmem>>) target_semaphore(%run_scoped3A_1059 : memref<!tpu.dma_semaphore, #tpu.memory_space<semaphore_mem>>)
      tpu.wait_dma2 semaphore(%run_scoped3A_1059 : memref<!tpu.dma_semaphore, #tpu.memory_space<semaphore_mem>>) src(%arg6 : memref<16xi32, #tpu.memory_space<hbm>>) dst(%arg10 : memref<16xi32, #tpu.memory_space<vmem>>)
      tpu.yield
    }) : () -> ()
    "tpu.region"() ({
      %run_scoped3A_1059 = tpu.sem_alloc : memref<!tpu.dma_semaphore, #tpu.memory_space<semaphore_mem>>
      %dma_start3A_1060 = tpu.memref_slice %arg3[%mul3A_2] : memref<2048xi32, #tpu.memory_space<hbm>> -> memref<64xi32, #tpu.memory_space<hbm>>
      %dma_start3A_1061 = tpu.memref_slice %arg3[%mul3A_2] : memref<2048xi32, #tpu.memory_space<hbm>> -> memref<64xi32, #tpu.memory_space<hbm>>
      tpu.enqueue_dma source(%dma_start3A_1061 : memref<64xi32, #tpu.memory_space<hbm>>) target(%arg11 : memref<64xi32, #tpu.memory_space<vmem>>) target_semaphore(%run_scoped3A_1059 : memref<!tpu.dma_semaphore, #tpu.memory_space<semaphore_mem>>)
      %dma_wait3A_1062 = tpu.memref_slice %arg3[%mul3A_2] : memref<2048xi32, #tpu.memory_space<hbm>> -> memref<64xi32, #tpu.memory_space<hbm>>
      %dma_wait3A_1063 = tpu.memref_slice %arg3[%mul3A_2] : memref<2048xi32, #tpu.memory_space<hbm>> -> memref<64xi32, #tpu.memory_space<hbm>>
      tpu.wait_dma2 semaphore(%run_scoped3A_1059 : memref<!tpu.dma_semaphore, #tpu.memory_space<semaphore_mem>>) src(%dma_wait3A_1063 : memref<64xi32, #tpu.memory_space<hbm>>) dst(%arg11 : memref<64xi32, #tpu.memory_space<vmem>>)
      tpu.yield
    }) : () -> ()
    "tpu.region"() ({
      %run_scoped3A_1059 = tpu.sem_alloc : memref<!tpu.dma_semaphore, #tpu.memory_space<semaphore_mem>>
      %dma_start3A_1060 = tpu.memref_slice %arg4[%mul3A_2] : memref<2048xi32, #tpu.memory_space<hbm>> -> memref<64xi32, #tpu.memory_space<hbm>>
      %dma_start3A_1061 = tpu.memref_slice %arg4[%mul3A_2] : memref<2048xi32, #tpu.memory_space<hbm>> -> memref<64xi32, #tpu.memory_space<hbm>>
      tpu.enqueue_dma source(%dma_start3A_1061 : memref<64xi32, #tpu.memory_space<hbm>>) target(%arg12 : memref<64xi32, #tpu.memory_space<vmem>>) target_semaphore(%run_scoped3A_1059 : memref<!tpu.dma_semaphore, #tpu.memory_space<semaphore_mem>>)
      %dma_wait3A_1062 = tpu.memref_slice %arg4[%mul3A_2] : memref<2048xi32, #tpu.memory_space<hbm>> -> memref<64xi32, #tpu.memory_space<hbm>>
      %dma_wait3A_1063 = tpu.memref_slice %arg4[%mul3A_2] : memref<2048xi32, #tpu.memory_space<hbm>> -> memref<64xi32, #tpu.memory_space<hbm>>
      tpu.wait_dma2 semaphore(%run_scoped3A_1059 : memref<!tpu.dma_semaphore, #tpu.memory_space<semaphore_mem>>) src(%dma_wait3A_1063 : memref<64xi32, #tpu.memory_space<hbm>>) dst(%arg12 : memref<64xi32, #tpu.memory_space<vmem>>)
      tpu.yield
    }) : () -> ()
    "tpu.region"() ({
      %run_scoped3A_1059 = tpu.sem_alloc : memref<!tpu.dma_semaphore, #tpu.memory_space<semaphore_mem>>
      %dma_start3A_1060 = tpu.memref_slice %arg5[%mul3A_2] : memref<2048xf32, #tpu.memory_space<hbm>> -> memref<64xf32, #tpu.memory_space<hbm>>
      %dma_start3A_1061 = tpu.memref_slice %arg5[%mul3A_2] : memref<2048xf32, #tpu.memory_space<hbm>> -> memref<64xf32, #tpu.memory_space<hbm>>
      tpu.enqueue_dma source(%dma_start3A_1061 : memref<64xf32, #tpu.memory_space<hbm>>) target(%arg14 : memref<64xf32, #tpu.memory_space<vmem>>) target_semaphore(%run_scoped3A_1059 : memref<!tpu.dma_semaphore, #tpu.memory_space<semaphore_mem>>)
      %dma_wait3A_1062 = tpu.memref_slice %arg5[%mul3A_2] : memref<2048xf32, #tpu.memory_space<hbm>> -> memref<64xf32, #tpu.memory_space<hbm>>
      %dma_wait3A_1063 = tpu.memref_slice %arg5[%mul3A_2] : memref<2048xf32, #tpu.memory_space<hbm>> -> memref<64xf32, #tpu.memory_space<hbm>>
      tpu.wait_dma2 semaphore(%run_scoped3A_1059 : memref<!tpu.dma_semaphore, #tpu.memory_space<semaphore_mem>>) src(%dma_wait3A_1063 : memref<64xf32, #tpu.memory_space<hbm>>) dst(%arg14 : memref<64xf32, #tpu.memory_space<vmem>>)
      tpu.yield
    }) : () -> ()
    "tpu.region"() ({
      %run_scoped3A_1059 = tpu.sem_alloc : memref<!tpu.dma_semaphore, #tpu.memory_space<semaphore_mem>>
      %dma_start3A_1060 = arith.constant 0 : i32
      %dma_start3A_1061 = tpu.memref_slice %arg2[%mul3A_2, %dma_start3A_1060] : memref<2048x768xf32, #tpu.memory_space<hbm>> -> memref<64x768xf32, #tpu.memory_space<hbm>>
      %dma_start3A_1062 = arith.constant 0 : i32
      %dma_start3A_1063 = tpu.memref_slice %arg2[%mul3A_2, %dma_start3A_1062] : memref<2048x768xf32, #tpu.memory_space<hbm>> -> memref<64x768xf32, #tpu.memory_space<hbm>>
      tpu.enqueue_dma source(%dma_start3A_1063 : memref<64x768xf32, #tpu.memory_space<hbm>>) target(%arg15 : memref<64x768xf32, #tpu.memory_space<vmem>>) target_semaphore(%run_scoped3A_1059 : memref<!tpu.dma_semaphore, #tpu.memory_space<semaphore_mem>>)
      %dma_wait3A_1064 = arith.constant 0 : i32
      %dma_wait3A_1065 = tpu.memref_slice %arg2[%mul3A_2, %dma_wait3A_1064] : memref<2048x768xf32, #tpu.memory_space<hbm>> -> memref<64x768xf32, #tpu.memory_space<hbm>>
      %dma_wait3A_1066 = arith.constant 0 : i32
      %dma_wait3A_1067 = tpu.memref_slice %arg2[%mul3A_2, %dma_wait3A_1066] : memref<2048x768xf32, #tpu.memory_space<hbm>> -> memref<64x768xf32, #tpu.memory_space<hbm>>
      tpu.wait_dma2 semaphore(%run_scoped3A_1059 : memref<!tpu.dma_semaphore, #tpu.memory_space<semaphore_mem>>) src(%dma_wait3A_1067 : memref<64x768xf32, #tpu.memory_space<hbm>>) dst(%arg15 : memref<64x768xf32, #tpu.memory_space<vmem>>)
      tpu.yield
    }) : () -> ()
    %get3A = arith.constant 0 : index
    %get3A_3 = tpu.vector_load %arg10[%get3A] {strides = array<i32>} : memref<16xi32, #tpu.memory_space<vmem>>, vector<16xi32>,
    %get3A_4 = vector.shape_cast %get3A_3 : vector<16xi32> to vector<16xi32>
    %iota3A = tpu.iota {dimensions = array<i32: 0>} : vector<16xi32>
    %get3A_5 = arith.constant 0 : index
    %get3A_6 = tpu.vector_load %arg11[%get3A_5] {strides = array<i32>} : memref<64xi32, #tpu.memory_space<vmem>>, vector<16xi32>,
    %get3A_7 = vector.shape_cast %get3A_6 : vector<16xi32> to vector<16xi32>
    %broadcast_in_dim3A = vector.shape_cast %get3A_7 : vector<16xi32> to vector<16x1xi32>
    %gather3A = vector.shape_cast %broadcast_in_dim3A : vector<16x1xi32> to vector<16xi32>
    %gather3A_8 = tpu.dynamic_gather %get3A_4[%gather3A] in [0] : vector<16xi32>, vector<16xi32> -> vector<16xi32>
    %get3A_9 = arith.constant 0 : index
    %get3A_10 = tpu.vector_load %arg12[%get3A_9] {strides = array<i32>} : memref<64xi32, #tpu.memory_space<vmem>>, vector<16xi32>,
    %get3A_11 = vector.shape_cast %get3A_10 : vector<16xi32> to vector<16xi32>
    %add3A_12 = arith.addi %gather3A_8, %get3A_11 : vector<16xi32>
    %swap3A = arith.constant 0 : i32
    %swap3A_13 = arith.index_cast %swap3A : i32 to index
    %swap3A_14 = arith.constant 0 : index
    %swap3A_15 = tpu.vector_load %arg13[%swap3A_13, %swap3A_14] {strides = array<i32>} : memref<1x64xi32, #tpu.memory_space<vmem>>, vector<1x16xi32>,
    %swap3A_16 = vector.shape_cast %swap3A_15 : vector<1x16xi32> to vector<16xi32>
    %swap3A_17 = vector.shape_cast %add3A_12 : vector<16xi32> to vector<1x16xi32>
    tpu.vector_store %arg13[%swap3A_13, %swap3A_14], %swap3A_17 {strides = array<i32>} : memref<1x64xi32, #tpu.memory_space<vmem>>, vector<1x16xi32>,
    %get3A_18 = arith.constant 0 : index
    %get3A_19 = tpu.vector_load %arg14[%get3A_18] {strides = array<i32>} : memref<64xf32, #tpu.memory_space<vmem>>, vector<16xf32>,
    %get3A_20 = vector.shape_cast %get3A_19 : vector<16xf32> to vector<16xf32>
    %eq3A = arith.constant 0 : i32
    %eq3A_21 = vector.broadcast %eq3A : i32 to vector<16xi32>
    %eq3A_22 = arith.cmpi eq, %iota3A, %eq3A_21 : vector<16xi32>
    %slice3A = vector.extract_strided_slice %get3A_20 {offsets = [0], sizes = [1], strides = [1]} : vector<16xf32> to vector<1xf32>
    %squeeze3A = vector.extract %slice3A[0] : f32 from vector<1xf32>
    %jit3A = arith.constant 0.000000e+00 : f32
    %broadcast_in_dim3A_23 = vector.broadcast %squeeze3A : f32 to vector<16xf32>
    %broadcast_in_dim3A_24 = vector.broadcast %jit3A : f32 to vector<16xf32>
    %select_n3A = arith.select %eq3A_22, %broadcast_in_dim3A_23, %broadcast_in_dim3A_24 : vector<16xi1>, vector<16xf32>
    %swap3A_25 = arith.constant 0 : i32
    %swap3A_26 = arith.index_cast %swap3A_25 : i32 to index
    %swap3A_27 = arith.constant 0 : index
    %swap3A_28 = tpu.vector_load %arg16[%swap3A_26, %swap3A_27] {strides = array<i32>} : memref<64x128xf32, #tpu.memory_space<vmem>>, vector<1x16xf32>,
    %swap3A_29 = vector.shape_cast %swap3A_28 : vector<1x16xf32> to vector<16xf32>
    %swap3A_30 = vector.shape_cast %select_n3A : vector<16xf32> to vector<1x16xf32>
    tpu.vector_store %arg16[%swap3A_26, %swap3A_27], %swap3A_30 {strides = array<i32>} : memref<64x128xf32, #tpu.memory_space<vmem>>, vector<1x16xf32>,
    %eq3A_31 = arith.constant 0 : i32
    %eq3A_32 = vector.broadcast %eq3A_31 : i32 to vector<16xi32>
    %eq3A_33 = arith.cmpi eq, %iota3A, %eq3A_32 : vector<16xi32>
    %slice3A_34 = vector.extract_strided_slice %get3A_20 {offsets = [1], sizes = [1], strides = [1]} : vector<16xf32> to vector<1xf32>
    %squeeze3A_35 = vector.extract %slice3A_34[0] : f32 from vector<1xf32>
    %jit3A_36 = arith.constant 0.000000e+00 : f32
    %broadcast_in_dim3A_37 = vector.broadcast %squeeze3A_35 : f32 to vector<16xf32>
    %broadcast_in_dim3A_38 = vector.broadcast %jit3A_36 : f32 to vector<16xf32>
    %select_n3A_39 = arith.select %eq3A_33, %broadcast_in_dim3A_37, %broadcast_in_dim3A_38 : vector<16xi1>, vector<16xf32>
    %swap3A_40 = arith.constant 1 : i32
    %swap3A_41 = arith.index_cast %swap3A_40 : i32 to index
    %swap3A_42 = arith.constant 0 : index
    %swap3A_43 = tpu.vector_load %arg16[%swap3A_41, %swap3A_42] {strides = array<i32>} : memref<64x128xf32, #tpu.memory_space<vmem>>, vector<1x16xf32>,
    %swap3A_44 = vector.shape_cast %swap3A_43 : vector<1x16xf32> to vector<16xf32>
    %swap3A_45 = vector.shape_cast %select_n3A_39 : vector<16xf32> to vector<1x16xf32>
    tpu.vector_store %arg16[%swap3A_41, %swap3A_42], %swap3A_45 {strides = array<i32>} : memref<64x128xf32, #tpu.memory_space<vmem>>, vector<1x16xf32>,
    %eq3A_46 = arith.constant 0 : i32
    %eq3A_47 = vector.broadcast %eq3A_46 : i32 to vector<16xi32>
    %eq3A_48 = arith.cmpi eq, %iota3A, %eq3A_47 : vector<16xi32>
    %slice3A_49 = vector.extract_strided_slice %get3A_20 {offsets = [2], sizes = [1], strides = [1]} : vector<16xf32> to vector<1xf32>
    %squeeze3A_50 = vector.extract %slice3A_49[0] : f32 from vector<1xf32>
    %jit3A_51 = arith.constant 0.000000e+00 : f32
    %broadcast_in_dim3A_52 = vector.broadcast %squeeze3A_50 : f32 to vector<16xf32>
    %broadcast_in_dim3A_53 = vector.broadcast %jit3A_51 : f32 to vector<16xf32>
    %select_n3A_54 = arith.select %eq3A_48, %broadcast_in_dim3A_52, %broadcast_in_dim3A_53 : vector<16xi1>, vector<16xf32>
    %swap3A_55 = arith.constant 2 : i32
    %swap3A_56 = arith.index_cast %swap3A_55 : i32 to index
    %swap3A_57 = arith.constant 0 : index
    %swap3A_58 = tpu.vector_load %arg16[%swap3A_56, %swap3A_57] {strides = array<i32>} : memref<64x128xf32, #tpu.memory_space<vmem>>, vector<1x16xf32>,
    %swap3A_59 = vector.shape_cast %swap3A_58 : vector<1x16xf32> to vector<16xf32>
    %swap3A_60 = vector.shape_cast %select_n3A_54 : vector<16xf32> to vector<1x16xf32>
    tpu.vector_store %arg16[%swap3A_56, %swap3A_57], %swap3A_60 {strides = array<i32>} : memref<64x128xf32, #tpu.memory_space<vmem>>, vector<1x16xf32>,
    %eq3A_61 = arith.constant 0 : i32
    %eq3A_62 = vector.broadcast %eq3A_61 : i32 to vector<16xi32>
    %eq3A_63 = arith.cmpi eq, %iota3A, %eq3A_62 : vector<16xi32>
    %slice3A_64 = vector.extract_strided_slice %get3A_20 {offsets = [3], sizes = [1], strides = [1]} : vector<16xf32> to vector<1xf32>
    %squeeze3A_65 = vector.extract %slice3A_64[0] : f32 from vector<1xf32>
    %jit3A_66 = arith.constant 0.000000e+00 : f32
    %broadcast_in_dim3A_67 = vector.broadcast %squeeze3A_65 : f32 to vector<16xf32>
    %broadcast_in_dim3A_68 = vector.broadcast %jit3A_66 : f32 to vector<16xf32>
    %select_n3A_69 = arith.select %eq3A_63, %broadcast_in_dim3A_67, %broadcast_in_dim3A_68 : vector<16xi1>, vector<16xf32>
    %swap3A_70 = arith.constant 3 : i32
    %swap3A_71 = arith.index_cast %swap3A_70 : i32 to index
    %swap3A_72 = arith.constant 0 : index
    %swap3A_73 = tpu.vector_load %arg16[%swap3A_71, %swap3A_72] {strides = array<i32>} : memref<64x128xf32, #tpu.memory_space<vmem>>, vector<1x16xf32>,
    %swap3A_74 = vector.shape_cast %swap3A_73 : vector<1x16xf32> to vector<16xf32>
    %swap3A_75 = vector.shape_cast %select_n3A_69 : vector<16xf32> to vector<1x16xf32>
    tpu.vector_store %arg16[%swap3A_71, %swap3A_72], %swap3A_75 {strides = array<i32>} : memref<64x128xf32, #tpu.memory_space<vmem>>, vector<1x16xf32>,
    %eq3A_76 = arith.constant 0 : i32
    %eq3A_77 = vector.broadcast %eq3A_76 : i32 to vector<16xi32>
    %eq3A_78 = arith.cmpi eq, %iota3A, %eq3A_77 : vector<16xi32>
    %slice3A_79 = vector.extract_strided_slice %get3A_20 {offsets = [4], sizes = [1], strides = [1]} : vector<16xf32> to vector<1xf32>
    %squeeze3A_80 = vector.extract %slice3A_79[0] : f32 from vector<1xf32>
    %jit3A_81 = arith.constant 0.000000e+00 : f32
    %broadcast_in_dim3A_82 = vector.broadcast %squeeze3A_80 : f32 to vector<16xf32>
    %broadcast_in_dim3A_83 = vector.broadcast %jit3A_81 : f32 to vector<16xf32>
    %select_n3A_84 = arith.select %eq3A_78, %broadcast_in_dim3A_82, %broadcast_in_dim3A_83 : vector<16xi1>, vector<16xf32>
    %swap3A_85 = arith.constant 4 : i32
    %swap3A_86 = arith.index_cast %swap3A_85 : i32 to index
    %swap3A_87 = arith.constant 0 : index
    %swap3A_88 = tpu.vector_load %arg16[%swap3A_86, %swap3A_87] {strides = array<i32>} : memref<64x128xf32, #tpu.memory_space<vmem>>, vector<1x16xf32>,
    %swap3A_89 = vector.shape_cast %swap3A_88 : vector<1x16xf32> to vector<16xf32>
    %swap3A_90 = vector.shape_cast %select_n3A_84 : vector<16xf32> to vector<1x16xf32>
    tpu.vector_store %arg16[%swap3A_86, %swap3A_87], %swap3A_90 {strides = array<i32>} : memref<64x128xf32, #tpu.memory_space<vmem>>, vector<1x16xf32>,
    %eq3A_91 = arith.constant 0 : i32
    %eq3A_92 = vector.broadcast %eq3A_91 : i32 to vector<16xi32>
    %eq3A_93 = arith.cmpi eq, %iota3A, %eq3A_92 : vector<16xi32>
    %slice3A_94 = vector.extract_strided_slice %get3A_20 {offsets = [5], sizes = [1], strides = [1]} : vector<16xf32> to vector<1xf32>
    %squeeze3A_95 = vector.extract %slice3A_94[0] : f32 from vector<1xf32>
    %jit3A_96 = arith.constant 0.000000e+00 : f32
    %broadcast_in_dim3A_97 = vector.broadcast %squeeze3A_95 : f32 to vector<16xf32>
    %broadcast_in_dim3A_98 = vector.broadcast %jit3A_96 : f32 to vector<16xf32>
    %select_n3A_99 = arith.select %eq3A_93, %broadcast_in_dim3A_97, %broadcast_in_dim3A_98 : vector<16xi1>, vector<16xf32>
    %swap3A_100 = arith.constant 5 : i32
    %swap3A_101 = arith.index_cast %swap3A_100 : i32 to index
    %swap3A_102 = arith.constant 0 : index
    %swap3A_103 = tpu.vector_load %arg16[%swap3A_101, %swap3A_102] {strides = array<i32>} : memref<64x128xf32, #tpu.memory_space<vmem>>, vector<1x16xf32>,
    %swap3A_104 = vector.shape_cast %swap3A_103 : vector<1x16xf32> to vector<16xf32>
    %swap3A_105 = vector.shape_cast %select_n3A_99 : vector<16xf32> to vector<1x16xf32>
    tpu.vector_store %arg16[%swap3A_101, %swap3A_102], %swap3A_105 {strides = array<i32>} : memref<64x128xf32, #tpu.memory_space<vmem>>, vector<1x16xf32>,
    %eq3A_106 = arith.constant 0 : i32
    %eq3A_107 = vector.broadcast %eq3A_106 : i32 to vector<16xi32>
    %eq3A_108 = arith.cmpi eq, %iota3A, %eq3A_107 : vector<16xi32>
    %slice3A_109 = vector.extract_strided_slice %get3A_20 {offsets = [6], sizes = [1], strides = [1]} : vector<16xf32> to vector<1xf32>
    %squeeze3A_110 = vector.extract %slice3A_109[0] : f32 from vector<1xf32>
    %jit3A_111 = arith.constant 0.000000e+00 : f32
    %broadcast_in_dim3A_112 = vector.broadcast %squeeze3A_110 : f32 to vector<16xf32>
    %broadcast_in_dim3A_113 = vector.broadcast %jit3A_111 : f32 to vector<16xf32>
    %select_n3A_114 = arith.select %eq3A_108, %broadcast_in_dim3A_112, %broadcast_in_dim3A_113 : vector<16xi1>, vector<16xf32>
    %swap3A_115 = arith.constant 6 : i32
    %swap3A_116 = arith.index_cast %swap3A_115 : i32 to index
    %swap3A_117 = arith.constant 0 : index
    %swap3A_118 = tpu.vector_load %arg16[%swap3A_116, %swap3A_117] {strides = array<i32>} : memref<64x128xf32, #tpu.memory_space<vmem>>, vector<1x16xf32>,
    %swap3A_119 = vector.shape_cast %swap3A_118 : vector<1x16xf32> to vector<16xf32>
    %swap3A_120 = vector.shape_cast %select_n3A_114 : vector<16xf32> to vector<1x16xf32>
    tpu.vector_store %arg16[%swap3A_116, %swap3A_117], %swap3A_120 {strides = array<i32>} : memref<64x128xf32, #tpu.memory_space<vmem>>, vector<1x16xf32>,
    %eq3A_121 = arith.constant 0 : i32
    %eq3A_122 = vector.broadcast %eq3A_121 : i32 to vector<16xi32>
    %eq3A_123 = arith.cmpi eq, %iota3A, %eq3A_122 : vector<16xi32>
    %slice3A_124 = vector.extract_strided_slice %get3A_20 {offsets = [7], sizes = [1], strides = [1]} : vector<16xf32> to vector<1xf32>
    %squeeze3A_125 = vector.extract %slice3A_124[0] : f32 from vector<1xf32>
    %jit3A_126 = arith.constant 0.000000e+00 : f32
    %broadcast_in_dim3A_127 = vector.broadcast %squeeze3A_125 : f32 to vector<16xf32>
    %broadcast_in_dim3A_128 = vector.broadcast %jit3A_126 : f32 to vector<16xf32>
    %select_n3A_129 = arith.select %eq3A_123, %broadcast_in_dim3A_127, %broadcast_in_dim3A_128 : vector<16xi1>, vector<16xf32>
    %swap3A_130 = arith.constant 7 : i32
    %swap3A_131 = arith.index_cast %swap3A_130 : i32 to index
    %swap3A_132 = arith.constant 0 : index
    %swap3A_133 = tpu.vector_load %arg16[%swap3A_131, %swap3A_132] {strides = array<i32>} : memref<64x128xf32, #tpu.memory_space<vmem>>, vector<1x16xf32>,
    %swap3A_134 = vector.shape_cast %swap3A_133 : vector<1x16xf32> to vector<16xf32>
    %swap3A_135 = vector.shape_cast %select_n3A_129 : vector<16xf32> to vector<1x16xf32>
    tpu.vector_store %arg16[%swap3A_131, %swap3A_132], %swap3A_135 {strides = array<i32>} : memref<64x128xf32, #tpu.memory_space<vmem>>, vector<1x16xf32>,
    %eq3A_136 = arith.constant 0 : i32
    %eq3A_137 = vector.broadcast %eq3A_136 : i32 to vector<16xi32>
    %eq3A_138 = arith.cmpi eq, %iota3A, %eq3A_137 : vector<16xi32>
    %slice3A_139 = vector.extract_strided_slice %get3A_20 {offsets = [8], sizes = [1], strides = [1]} : vector<16xf32> to vector<1xf32>
    %squeeze3A_140 = vector.extract %slice3A_139[0] : f32 from vector<1xf32>
    %jit3A_141 = arith.constant 0.000000e+00 : f32
    %broadcast_in_dim3A_142 = vector.broadcast %squeeze3A_140 : f32 to vector<16xf32>
    %broadcast_in_dim3A_143 = vector.broadcast %jit3A_141 : f32 to vector<16xf32>
    %select_n3A_144 = arith.select %eq3A_138, %broadcast_in_dim3A_142, %broadcast_in_dim3A_143 : vector<16xi1>, vector<16xf32>
    %swap3A_145 = arith.constant 8 : i32
    %swap3A_146 = arith.index_cast %swap3A_145 : i32 to index
    %swap3A_147 = arith.constant 0 : index
    %swap3A_148 = tpu.vector_load %arg16[%swap3A_146, %swap3A_147] {strides = array<i32>} : memref<64x128xf32, #tpu.memory_space<vmem>>, vector<1x16xf32>,
    %swap3A_149 = vector.shape_cast %swap3A_148 : vector<1x16xf32> to vector<16xf32>
    %swap3A_150 = vector.shape_cast %select_n3A_144 : vector<16xf32> to vector<1x16xf32>
    tpu.vector_store %arg16[%swap3A_146, %swap3A_147], %swap3A_150 {strides = array<i32>} : memref<64x128xf32, #tpu.memory_space<vmem>>, vector<1x16xf32>,
    %eq3A_151 = arith.constant 0 : i32
    %eq3A_152 = vector.broadcast %eq3A_151 : i32 to vector<16xi32>
    %eq3A_153 = arith.cmpi eq, %iota3A, %eq3A_152 : vector<16xi32>
    %slice3A_154 = vector.extract_strided_slice %get3A_20 {offsets = [9], sizes = [1], strides = [1]} : vector<16xf32> to vector<1xf32>
    %squeeze3A_155 = vector.extract %slice3A_154[0] : f32 from vector<1xf32>
    %jit3A_156 = arith.constant 0.000000e+00 : f32
    %broadcast_in_dim3A_157 = vector.broadcast %squeeze3A_155 : f32 to vector<16xf32>
    %broadcast_in_dim3A_158 = vector.broadcast %jit3A_156 : f32 to vector<16xf32>
    %select_n3A_159 = arith.select %eq3A_153, %broadcast_in_dim3A_157, %broadcast_in_dim3A_158 : vector<16xi1>, vector<16xf32>
    %swap3A_160 = arith.constant 9 : i32
    %swap3A_161 = arith.index_cast %swap3A_160 : i32 to index
    %swap3A_162 = arith.constant 0 : index
    %swap3A_163 = tpu.vector_load %arg16[%swap3A_161, %swap3A_162] {strides = array<i32>} : memref<64x128xf32, #tpu.memory_space<vmem>>, vector<1x16xf32>,
    %swap3A_164 = vector.shape_cast %swap3A_163 : vector<1x16xf32> to vector<16xf32>
    %swap3A_165 = vector.shape_cast %select_n3A_159 : vector<16xf32> to vector<1x16xf32>
    tpu.vector_store %arg16[%swap3A_161, %swap3A_162], %swap3A_165 {strides = array<i32>} : memref<64x128xf32, #tpu.memory_space<vmem>>, vector<1x16xf32>,
    %eq3A_166 = arith.constant 0 : i32
    %eq3A_167 = vector.broadcast %eq3A_166 : i32 to vector<16xi32>
    %eq3A_168 = arith.cmpi eq, %iota3A, %eq3A_167 : vector<16xi32>
    %slice3A_169 = vector.extract_strided_slice %get3A_20 {offsets = [10], sizes = [1], strides = [1]} : vector<16xf32> to vector<1xf32>
    %squeeze3A_170 = vector.extract %slice3A_169[0] : f32 from vector<1xf32>
    %jit3A_171 = arith.constant 0.000000e+00 : f32
    %broadcast_in_dim3A_172 = vector.broadcast %squeeze3A_170 : f32 to vector<16xf32>
    %broadcast_in_dim3A_173 = vector.broadcast %jit3A_171 : f32 to vector<16xf32>
    %select_n3A_174 = arith.select %eq3A_168, %broadcast_in_dim3A_172, %broadcast_in_dim3A_173 : vector<16xi1>, vector<16xf32>
    %swap3A_175 = arith.constant 10 : i32
    %swap3A_176 = arith.index_cast %swap3A_175 : i32 to index
    %swap3A_177 = arith.constant 0 : index
    %swap3A_178 = tpu.vector_load %arg16[%swap3A_176, %swap3A_177] {strides = array<i32>} : memref<64x128xf32, #tpu.memory_space<vmem>>, vector<1x16xf32>,
    %swap3A_179 = vector.shape_cast %swap3A_178 : vector<1x16xf32> to vector<16xf32>
    %swap3A_180 = vector.shape_cast %select_n3A_174 : vector<16xf32> to vector<1x16xf32>
    tpu.vector_store %arg16[%swap3A_176, %swap3A_177], %swap3A_180 {strides = array<i32>} : memref<64x128xf32, #tpu.memory_space<vmem>>, vector<1x16xf32>,
    %eq3A_181 = arith.constant 0 : i32
    %eq3A_182 = vector.broadcast %eq3A_181 : i32 to vector<16xi32>
    %eq3A_183 = arith.cmpi eq, %iota3A, %eq3A_182 : vector<16xi32>
    %slice3A_184 = vector.extract_strided_slice %get3A_20 {offsets = [11], sizes = [1], strides = [1]} : vector<16xf32> to vector<1xf32>
    %squeeze3A_185 = vector.extract %slice3A_184[0] : f32 from vector<1xf32>
    %jit3A_186 = arith.constant 0.000000e+00 : f32
    %broadcast_in_dim3A_187 = vector.broadcast %squeeze3A_185 : f32 to vector<16xf32>
    %broadcast_in_dim3A_188 = vector.broadcast %jit3A_186 : f32 to vector<16xf32>
    %select_n3A_189 = arith.select %eq3A_183, %broadcast_in_dim3A_187, %broadcast_in_dim3A_188 : vector<16xi1>, vector<16xf32>
    %swap3A_190 = arith.constant 11 : i32
    %swap3A_191 = arith.index_cast %swap3A_190 : i32 to index
    %swap3A_192 = arith.constant 0 : index
    %swap3A_193 = tpu.vector_load %arg16[%swap3A_191, %swap3A_192] {strides = array<i32>} : memref<64x128xf32, #tpu.memory_space<vmem>>, vector<1x16xf32>,
    %swap3A_194 = vector.shape_cast %swap3A_193 : vector<1x16xf32> to vector<16xf32>
    %swap3A_195 = vector.shape_cast %select_n3A_189 : vector<16xf32> to vector<1x16xf32>
    tpu.vector_store %arg16[%swap3A_191, %swap3A_192], %swap3A_195 {strides = array<i32>} : memref<64x128xf32, #tpu.memory_space<vmem>>, vector<1x16xf32>,
    %eq3A_196 = arith.constant 0 : i32
    %eq3A_197 = vector.broadcast %eq3A_196 : i32 to vector<16xi32>
    %eq3A_198 = arith.cmpi eq, %iota3A, %eq3A_197 : vector<16xi32>
    %slice3A_199 = vector.extract_strided_slice %get3A_20 {offsets = [12], sizes = [1], strides = [1]} : vector<16xf32> to vector<1xf32>
    %squeeze3A_200 = vector.extract %slice3A_199[0] : f32 from vector<1xf32>
    %jit3A_201 = arith.constant 0.000000e+00 : f32
    %broadcast_in_dim3A_202 = vector.broadcast %squeeze3A_200 : f32 to vector<16xf32>
    %broadcast_in_dim3A_203 = vector.broadcast %jit3A_201 : f32 to vector<16xf32>
    %select_n3A_204 = arith.select %eq3A_198, %broadcast_in_dim3A_202, %broadcast_in_dim3A_203 : vector<16xi1>, vector<16xf32>
    %swap3A_205 = arith.constant 12 : i32
    %swap3A_206 = arith.index_cast %swap3A_205 : i32 to index
    %swap3A_207 = arith.constant 0 : index
    %swap3A_208 = tpu.vector_load %arg16[%swap3A_206, %swap3A_207] {strides = array<i32>} : memref<64x128xf32, #tpu.memory_space<vmem>>, vector<1x16xf32>,
    %swap3A_209 = vector.shape_cast %swap3A_208 : vector<1x16xf32> to vector<16xf32>
    %swap3A_210 = vector.shape_cast %select_n3A_204 : vector<16xf32> to vector<1x16xf32>
    tpu.vector_store %arg16[%swap3A_206, %swap3A_207], %swap3A_210 {strides = array<i32>} : memref<64x128xf32, #tpu.memory_space<vmem>>, vector<1x16xf32>,
    %eq3A_211 = arith.constant 0 : i32
    %eq3A_212 = vector.broadcast %eq3A_211 : i32 to vector<16xi32>
    %eq3A_213 = arith.cmpi eq, %iota3A, %eq3A_212 : vector<16xi32>
    %slice3A_214 = vector.extract_strided_slice %get3A_20 {offsets = [13], sizes = [1], strides = [1]} : vector<16xf32> to vector<1xf32>
    %squeeze3A_215 = vector.extract %slice3A_214[0] : f32 from vector<1xf32>
    %jit3A_216 = arith.constant 0.000000e+00 : f32
    %broadcast_in_dim3A_217 = vector.broadcast %squeeze3A_215 : f32 to vector<16xf32>
    %broadcast_in_dim3A_218 = vector.broadcast %jit3A_216 : f32 to vector<16xf32>
    %select_n3A_219 = arith.select %eq3A_213, %broadcast_in_dim3A_217, %broadcast_in_dim3A_218 : vector<16xi1>, vector<16xf32>
    %swap3A_220 = arith.constant 13 : i32
    %swap3A_221 = arith.index_cast %swap3A_220 : i32 to index
    %swap3A_222 = arith.constant 0 : index
    %swap3A_223 = tpu.vector_load %arg16[%swap3A_221, %swap3A_222] {strides = array<i32>} : memref<64x128xf32, #tpu.memory_space<vmem>>, vector<1x16xf32>,
    %swap3A_224 = vector.shape_cast %swap3A_223 : vector<1x16xf32> to vector<16xf32>
    %swap3A_225 = vector.shape_cast %select_n3A_219 : vector<16xf32> to vector<1x16xf32>
    tpu.vector_store %arg16[%swap3A_221, %swap3A_222], %swap3A_225 {strides = array<i32>} : memref<64x128xf32, #tpu.memory_space<vmem>>, vector<1x16xf32>,
    %eq3A_226 = arith.constant 0 : i32
    %eq3A_227 = vector.broadcast %eq3A_226 : i32 to vector<16xi32>
    %eq3A_228 = arith.cmpi eq, %iota3A, %eq3A_227 : vector<16xi32>
    %slice3A_229 = vector.extract_strided_slice %get3A_20 {offsets = [14], sizes = [1], strides = [1]} : vector<16xf32> to vector<1xf32>
    %squeeze3A_230 = vector.extract %slice3A_229[0] : f32 from vector<1xf32>
    %jit3A_231 = arith.constant 0.000000e+00 : f32
    %broadcast_in_dim3A_232 = vector.broadcast %squeeze3A_230 : f32 to vector<16xf32>
    %broadcast_in_dim3A_233 = vector.broadcast %jit3A_231 : f32 to vector<16xf32>
    %select_n3A_234 = arith.select %eq3A_228, %broadcast_in_dim3A_232, %broadcast_in_dim3A_233 : vector<16xi1>, vector<16xf32>
    %swap3A_235 = arith.constant 14 : i32
    %swap3A_236 = arith.index_cast %swap3A_235 : i32 to index
    %swap3A_237 = arith.constant 0 : index
    %swap3A_238 = tpu.vector_load %arg16[%swap3A_236, %swap3A_237] {strides = array<i32>} : memref<64x128xf32, #tpu.memory_space<vmem>>, vector<1x16xf32>,
    %swap3A_239 = vector.shape_cast %swap3A_238 : vector<1x16xf32> to vector<16xf32>
    %swap3A_240 = vector.shape_cast %select_n3A_234 : vector<16xf32> to vector<1x16xf32>
    tpu.vector_store %arg16[%swap3A_236, %swap3A_237], %swap3A_240 {strides = array<i32>} : memref<64x128xf32, #tpu.memory_space<vmem>>, vector<1x16xf32>,
    %eq3A_241 = arith.constant 0 : i32
    %eq3A_242 = vector.broadcast %eq3A_241 : i32 to vector<16xi32>
    %eq3A_243 = arith.cmpi eq, %iota3A, %eq3A_242 : vector<16xi32>
    %slice3A_244 = vector.extract_strided_slice %get3A_20 {offsets = [15], sizes = [1], strides = [1]} : vector<16xf32> to vector<1xf32>
    %squeeze3A_245 = vector.extract %slice3A_244[0] : f32 from vector<1xf32>
    %jit3A_246 = arith.constant 0.000000e+00 : f32
    %broadcast_in_dim3A_247 = vector.broadcast %squeeze3A_245 : f32 to vector<16xf32>
    %broadcast_in_dim3A_248 = vector.broadcast %jit3A_246 : f32 to vector<16xf32>
    %select_n3A_249 = arith.select %eq3A_243, %broadcast_in_dim3A_247, %broadcast_in_dim3A_248 : vector<16xi1>, vector<16xf32>
    %swap3A_250 = arith.constant 15 : i32
    %swap3A_251 = arith.index_cast %swap3A_250 : i32 to index
    %swap3A_252 = arith.constant 0 : index
    %swap3A_253 = tpu.vector_load %arg16[%swap3A_251, %swap3A_252] {strides = array<i32>} : memref<64x128xf32, #tpu.memory_space<vmem>>, vector<1x16xf32>,
    %swap3A_254 = vector.shape_cast %swap3A_253 : vector<1x16xf32> to vector<16xf32>
    %swap3A_255 = vector.shape_cast %select_n3A_249 : vector<16xf32> to vector<1x16xf32>
    tpu.vector_store %arg16[%swap3A_251, %swap3A_252], %swap3A_255 {strides = array<i32>} : memref<64x128xf32, #tpu.memory_space<vmem>>, vector<1x16xf32>,
    %get3A_256 = arith.constant 16 : index
    %get3A_257 = tpu.vector_load %arg11[%get3A_256] {strides = array<i32>} : memref<64xi32, #tpu.memory_space<vmem>>, vector<16xi32>,
    %get3A_258 = vector.shape_cast %get3A_257 : vector<16xi32> to vector<16xi32>
    %broadcast_in_dim3A_259 = vector.shape_cast %get3A_258 : vector<16xi32> to vector<16x1xi32>
    %gather3A_260 = vector.shape_cast %broadcast_in_dim3A_259 : vector<16x1xi32> to vector<16xi32>
    %gather3A_261 = tpu.dynamic_gather %get3A_4[%gather3A_260] in [0] : vector<16xi32>, vector<16xi32> -> vector<16xi32>
    %get3A_262 = arith.constant 16 : index
    %get3A_263 = tpu.vector_load %arg12[%get3A_262] {strides = array<i32>} : memref<64xi32, #tpu.memory_space<vmem>>, vector<16xi32>,
    %get3A_264 = vector.shape_cast %get3A_263 : vector<16xi32> to vector<16xi32>
    %add3A_265 = arith.addi %gather3A_261, %get3A_264 : vector<16xi32>
    %swap3A_266 = arith.constant 0 : i32
    %swap3A_267 = arith.index_cast %swap3A_266 : i32 to index
    %swap3A_268 = arith.constant 16 : index
    %swap3A_269 = tpu.vector_load %arg13[%swap3A_267, %swap3A_268] {strides = array<i32>} : memref<1x64xi32, #tpu.memory_space<vmem>>, vector<1x16xi32>,
    %swap3A_270 = vector.shape_cast %swap3A_269 : vector<1x16xi32> to vector<16xi32>
    %swap3A_271 = vector.shape_cast %add3A_265 : vector<16xi32> to vector<1x16xi32>
    tpu.vector_store %arg13[%swap3A_267, %swap3A_268], %swap3A_271 {strides = array<i32>} : memref<1x64xi32, #tpu.memory_space<vmem>>, vector<1x16xi32>,
    %get3A_272 = arith.constant 16 : index
    %get3A_273 = tpu.vector_load %arg14[%get3A_272] {strides = array<i32>} : memref<64xf32, #tpu.memory_space<vmem>>, vector<16xf32>,
    %get3A_274 = vector.shape_cast %get3A_273 : vector<16xf32> to vector<16xf32>
    %eq3A_275 = arith.constant 0 : i32
    %eq3A_276 = vector.broadcast %eq3A_275 : i32 to vector<16xi32>
    %eq3A_277 = arith.cmpi eq, %iota3A, %eq3A_276 : vector<16xi32>
    %slice3A_278 = vector.extract_strided_slice %get3A_274 {offsets = [0], sizes = [1], strides = [1]} : vector<16xf32> to vector<1xf32>
    %squeeze3A_279 = vector.extract %slice3A_278[0] : f32 from vector<1xf32>
    %jit3A_280 = arith.constant 0.000000e+00 : f32
    %broadcast_in_dim3A_281 = vector.broadcast %squeeze3A_279 : f32 to vector<16xf32>
    %broadcast_in_dim3A_282 = vector.broadcast %jit3A_280 : f32 to vector<16xf32>
    %select_n3A_283 = arith.select %eq3A_277, %broadcast_in_dim3A_281, %broadcast_in_dim3A_282 : vector<16xi1>, vector<16xf32>
    %swap3A_284 = arith.constant 16 : i32
    %swap3A_285 = arith.index_cast %swap3A_284 : i32 to index
    %swap3A_286 = arith.constant 0 : index
    %swap3A_287 = tpu.vector_load %arg16[%swap3A_285, %swap3A_286] {strides = array<i32>} : memref<64x128xf32, #tpu.memory_space<vmem>>, vector<1x16xf32>,
    %swap3A_288 = vector.shape_cast %swap3A_287 : vector<1x16xf32> to vector<16xf32>
    %swap3A_289 = vector.shape_cast %select_n3A_283 : vector<16xf32> to vector<1x16xf32>
    tpu.vector_store %arg16[%swap3A_285, %swap3A_286], %swap3A_289 {strides = array<i32>} : memref<64x128xf32, #tpu.memory_space<vmem>>, vector<1x16xf32>,
    %eq3A_290 = arith.constant 0 : i32
    %eq3A_291 = vector.broadcast %eq3A_290 : i32 to vector<16xi32>
    %eq3A_292 = arith.cmpi eq, %iota3A, %eq3A_291 : vector<16xi32>
    %slice3A_293 = vector.extract_strided_slice %get3A_274 {offsets = [1], sizes = [1], strides = [1]} : vector<16xf32> to vector<1xf32>
    %squeeze3A_294 = vector.extract %slice3A_293[0] : f32 from vector<1xf32>
    %jit3A_295 = arith.constant 0.000000e+00 : f32
    %broadcast_in_dim3A_296 = vector.broadcast %squeeze3A_294 : f32 to vector<16xf32>
    %broadcast_in_dim3A_297 = vector.broadcast %jit3A_295 : f32 to vector<16xf32>
    %select_n3A_298 = arith.select %eq3A_292, %broadcast_in_dim3A_296, %broadcast_in_dim3A_297 : vector<16xi1>, vector<16xf32>
    %swap3A_299 = arith.constant 17 : i32
    %swap3A_300 = arith.index_cast %swap3A_299 : i32 to index
    %swap3A_301 = arith.constant 0 : index
    %swap3A_302 = tpu.vector_load %arg16[%swap3A_300, %swap3A_301] {strides = array<i32>} : memref<64x128xf32, #tpu.memory_space<vmem>>, vector<1x16xf32>,
    %swap3A_303 = vector.shape_cast %swap3A_302 : vector<1x16xf32> to vector<16xf32>
    %swap3A_304 = vector.shape_cast %select_n3A_298 : vector<16xf32> to vector<1x16xf32>
    tpu.vector_store %arg16[%swap3A_300, %swap3A_301], %swap3A_304 {strides = array<i32>} : memref<64x128xf32, #tpu.memory_space<vmem>>, vector<1x16xf32>,
    %eq3A_305 = arith.constant 0 : i32
    %eq3A_306 = vector.broadcast %eq3A_305 : i32 to vector<16xi32>
    %eq3A_307 = arith.cmpi eq, %iota3A, %eq3A_306 : vector<16xi32>
    %slice3A_308 = vector.extract_strided_slice %get3A_274 {offsets = [2], sizes = [1], strides = [1]} : vector<16xf32> to vector<1xf32>
    %squeeze3A_309 = vector.extract %slice3A_308[0] : f32 from vector<1xf32>
    %jit3A_310 = arith.constant 0.000000e+00 : f32
    %broadcast_in_dim3A_311 = vector.broadcast %squeeze3A_309 : f32 to vector<16xf32>
    %broadcast_in_dim3A_312 = vector.broadcast %jit3A_310 : f32 to vector<16xf32>
    %select_n3A_313 = arith.select %eq3A_307, %broadcast_in_dim3A_311, %broadcast_in_dim3A_312 : vector<16xi1>, vector<16xf32>
    %swap3A_314 = arith.constant 18 : i32
    %swap3A_315 = arith.index_cast %swap3A_314 : i32 to index
    %swap3A_316 = arith.constant 0 : index
    %swap3A_317 = tpu.vector_load %arg16[%swap3A_315, %swap3A_316] {strides = array<i32>} : memref<64x128xf32, #tpu.memory_space<vmem>>, vector<1x16xf32>,
    %swap3A_318 = vector.shape_cast %swap3A_317 : vector<1x16xf32> to vector<16xf32>
    %swap3A_319 = vector.shape_cast %select_n3A_313 : vector<16xf32> to vector<1x16xf32>
    tpu.vector_store %arg16[%swap3A_315, %swap3A_316], %swap3A_319 {strides = array<i32>} : memref<64x128xf32, #tpu.memory_space<vmem>>, vector<1x16xf32>,
    %eq3A_320 = arith.constant 0 : i32
    %eq3A_321 = vector.broadcast %eq3A_320 : i32 to vector<16xi32>
    %eq3A_322 = arith.cmpi eq, %iota3A, %eq3A_321 : vector<16xi32>
    %slice3A_323 = vector.extract_strided_slice %get3A_274 {offsets = [3], sizes = [1], strides = [1]} : vector<16xf32> to vector<1xf32>
    %squeeze3A_324 = vector.extract %slice3A_323[0] : f32 from vector<1xf32>
    %jit3A_325 = arith.constant 0.000000e+00 : f32
    %broadcast_in_dim3A_326 = vector.broadcast %squeeze3A_324 : f32 to vector<16xf32>
    %broadcast_in_dim3A_327 = vector.broadcast %jit3A_325 : f32 to vector<16xf32>
    %select_n3A_328 = arith.select %eq3A_322, %broadcast_in_dim3A_326, %broadcast_in_dim3A_327 : vector<16xi1>, vector<16xf32>
    %swap3A_329 = arith.constant 19 : i32
    %swap3A_330 = arith.index_cast %swap3A_329 : i32 to index
    %swap3A_331 = arith.constant 0 : index
    %swap3A_332 = tpu.vector_load %arg16[%swap3A_330, %swap3A_331] {strides = array<i32>} : memref<64x128xf32, #tpu.memory_space<vmem>>, vector<1x16xf32>,
    %swap3A_333 = vector.shape_cast %swap3A_332 : vector<1x16xf32> to vector<16xf32>
    %swap3A_334 = vector.shape_cast %select_n3A_328 : vector<16xf32> to vector<1x16xf32>
    tpu.vector_store %arg16[%swap3A_330, %swap3A_331], %swap3A_334 {strides = array<i32>} : memref<64x128xf32, #tpu.memory_space<vmem>>, vector<1x16xf32>,
    %eq3A_335 = arith.constant 0 : i32
    %eq3A_336 = vector.broadcast %eq3A_335 : i32 to vector<16xi32>
    %eq3A_337 = arith.cmpi eq, %iota3A, %eq3A_336 : vector<16xi32>
    %slice3A_338 = vector.extract_strided_slice %get3A_274 {offsets = [4], sizes = [1], strides = [1]} : vector<16xf32> to vector<1xf32>
    %squeeze3A_339 = vector.extract %slice3A_338[0] : f32 from vector<1xf32>
    %jit3A_340 = arith.constant 0.000000e+00 : f32
    %broadcast_in_dim3A_341 = vector.broadcast %squeeze3A_339 : f32 to vector<16xf32>
    %broadcast_in_dim3A_342 = vector.broadcast %jit3A_340 : f32 to vector<16xf32>
    %select_n3A_343 = arith.select %eq3A_337, %broadcast_in_dim3A_341, %broadcast_in_dim3A_342 : vector<16xi1>, vector<16xf32>
    %swap3A_344 = arith.constant 20 : i32
    %swap3A_345 = arith.index_cast %swap3A_344 : i32 to index
    %swap3A_346 = arith.constant 0 : index
    %swap3A_347 = tpu.vector_load %arg16[%swap3A_345, %swap3A_346] {strides = array<i32>} : memref<64x128xf32, #tpu.memory_space<vmem>>, vector<1x16xf32>,
    %swap3A_348 = vector.shape_cast %swap3A_347 : vector<1x16xf32> to vector<16xf32>
    %swap3A_349 = vector.shape_cast %select_n3A_343 : vector<16xf32> to vector<1x16xf32>
    tpu.vector_store %arg16[%swap3A_345, %swap3A_346], %swap3A_349 {strides = array<i32>} : memref<64x128xf32, #tpu.memory_space<vmem>>, vector<1x16xf32>,
    %eq3A_350 = arith.constant 0 : i32
    %eq3A_351 = vector.broadcast %eq3A_350 : i32 to vector<16xi32>
    %eq3A_352 = arith.cmpi eq, %iota3A, %eq3A_351 : vector<16xi32>
    %slice3A_353 = vector.extract_strided_slice %get3A_274 {offsets = [5], sizes = [1], strides = [1]} : vector<16xf32> to vector<1xf32>
    %squeeze3A_354 = vector.extract %slice3A_353[0] : f32 from vector<1xf32>
    %jit3A_355 = arith.constant 0.000000e+00 : f32
    %broadcast_in_dim3A_356 = vector.broadcast %squeeze3A_354 : f32 to vector<16xf32>
    %broadcast_in_dim3A_357 = vector.broadcast %jit3A_355 : f32 to vector<16xf32>
    %select_n3A_358 = arith.select %eq3A_352, %broadcast_in_dim3A_356, %broadcast_in_dim3A_357 : vector<16xi1>, vector<16xf32>
    %swap3A_359 = arith.constant 21 : i32
    %swap3A_360 = arith.index_cast %swap3A_359 : i32 to index
    %swap3A_361 = arith.constant 0 : index
    %swap3A_362 = tpu.vector_load %arg16[%swap3A_360, %swap3A_361] {strides = array<i32>} : memref<64x128xf32, #tpu.memory_space<vmem>>, vector<1x16xf32>,
    %swap3A_363 = vector.shape_cast %swap3A_362 : vector<1x16xf32> to vector<16xf32>
    %swap3A_364 = vector.shape_cast %select_n3A_358 : vector<16xf32> to vector<1x16xf32>
    tpu.vector_store %arg16[%swap3A_360, %swap3A_361], %swap3A_364 {strides = array<i32>} : memref<64x128xf32, #tpu.memory_space<vmem>>, vector<1x16xf32>,
    %eq3A_365 = arith.constant 0 : i32
    %eq3A_366 = vector.broadcast %eq3A_365 : i32 to vector<16xi32>
    %eq3A_367 = arith.cmpi eq, %iota3A, %eq3A_366 : vector<16xi32>
    %slice3A_368 = vector.extract_strided_slice %get3A_274 {offsets = [6], sizes = [1], strides = [1]} : vector<16xf32> to vector<1xf32>
    %squeeze3A_369 = vector.extract %slice3A_368[0] : f32 from vector<1xf32>
    %jit3A_370 = arith.constant 0.000000e+00 : f32
    %broadcast_in_dim3A_371 = vector.broadcast %squeeze3A_369 : f32 to vector<16xf32>
    %broadcast_in_dim3A_372 = vector.broadcast %jit3A_370 : f32 to vector<16xf32>
    %select_n3A_373 = arith.select %eq3A_367, %broadcast_in_dim3A_371, %broadcast_in_dim3A_372 : vector<16xi1>, vector<16xf32>
    %swap3A_374 = arith.constant 22 : i32
    %swap3A_375 = arith.index_cast %swap3A_374 : i32 to index
    %swap3A_376 = arith.constant 0 : index
    %swap3A_377 = tpu.vector_load %arg16[%swap3A_375, %swap3A_376] {strides = array<i32>} : memref<64x128xf32, #tpu.memory_space<vmem>>, vector<1x16xf32>,
    %swap3A_378 = vector.shape_cast %swap3A_377 : vector<1x16xf32> to vector<16xf32>
    %swap3A_379 = vector.shape_cast %select_n3A_373 : vector<16xf32> to vector<1x16xf32>
    tpu.vector_store %arg16[%swap3A_375, %swap3A_376], %swap3A_379 {strides = array<i32>} : memref<64x128xf32, #tpu.memory_space<vmem>>, vector<1x16xf32>,
    %eq3A_380 = arith.constant 0 : i32
    %eq3A_381 = vector.broadcast %eq3A_380 : i32 to vector<16xi32>
    %eq3A_382 = arith.cmpi eq, %iota3A, %eq3A_381 : vector<16xi32>
    %slice3A_383 = vector.extract_strided_slice %get3A_274 {offsets = [7], sizes = [1], strides = [1]} : vector<16xf32> to vector<1xf32>
    %squeeze3A_384 = vector.extract %slice3A_383[0] : f32 from vector<1xf32>
    %jit3A_385 = arith.constant 0.000000e+00 : f32
    %broadcast_in_dim3A_386 = vector.broadcast %squeeze3A_384 : f32 to vector<16xf32>
    %broadcast_in_dim3A_387 = vector.broadcast %jit3A_385 : f32 to vector<16xf32>
    %select_n3A_388 = arith.select %eq3A_382, %broadcast_in_dim3A_386, %broadcast_in_dim3A_387 : vector<16xi1>, vector<16xf32>
    %swap3A_389 = arith.constant 23 : i32
    %swap3A_390 = arith.index_cast %swap3A_389 : i32 to index
    %swap3A_391 = arith.constant 0 : index
    %swap3A_392 = tpu.vector_load %arg16[%swap3A_390, %swap3A_391] {strides = array<i32>} : memref<64x128xf32, #tpu.memory_space<vmem>>, vector<1x16xf32>,
    %swap3A_393 = vector.shape_cast %swap3A_392 : vector<1x16xf32> to vector<16xf32>
    %swap3A_394 = vector.shape_cast %select_n3A_388 : vector<16xf32> to vector<1x16xf32>
    tpu.vector_store %arg16[%swap3A_390, %swap3A_391], %swap3A_394 {strides = array<i32>} : memref<64x128xf32, #tpu.memory_space<vmem>>, vector<1x16xf32>,
    %eq3A_395 = arith.constant 0 : i32
    %eq3A_396 = vector.broadcast %eq3A_395 : i32 to vector<16xi32>
    %eq3A_397 = arith.cmpi eq, %iota3A, %eq3A_396 : vector<16xi32>
    %slice3A_398 = vector.extract_strided_slice %get3A_274 {offsets = [8], sizes = [1], strides = [1]} : vector<16xf32> to vector<1xf32>
    %squeeze3A_399 = vector.extract %slice3A_398[0] : f32 from vector<1xf32>
    %jit3A_400 = arith.constant 0.000000e+00 : f32
    %broadcast_in_dim3A_401 = vector.broadcast %squeeze3A_399 : f32 to vector<16xf32>
    %broadcast_in_dim3A_402 = vector.broadcast %jit3A_400 : f32 to vector<16xf32>
    %select_n3A_403 = arith.select %eq3A_397, %broadcast_in_dim3A_401, %broadcast_in_dim3A_402 : vector<16xi1>, vector<16xf32>
    %swap3A_404 = arith.constant 24 : i32
    %swap3A_405 = arith.index_cast %swap3A_404 : i32 to index
    %swap3A_406 = arith.constant 0 : index
    %swap3A_407 = tpu.vector_load %arg16[%swap3A_405, %swap3A_406] {strides = array<i32>} : memref<64x128xf32, #tpu.memory_space<vmem>>, vector<1x16xf32>,
    %swap3A_408 = vector.shape_cast %swap3A_407 : vector<1x16xf32> to vector<16xf32>
    %swap3A_409 = vector.shape_cast %select_n3A_403 : vector<16xf32> to vector<1x16xf32>
    tpu.vector_store %arg16[%swap3A_405, %swap3A_406], %swap3A_409 {strides = array<i32>} : memref<64x128xf32, #tpu.memory_space<vmem>>, vector<1x16xf32>,
    %eq3A_410 = arith.constant 0 : i32
    %eq3A_411 = vector.broadcast %eq3A_410 : i32 to vector<16xi32>
    %eq3A_412 = arith.cmpi eq, %iota3A, %eq3A_411 : vector<16xi32>
    %slice3A_413 = vector.extract_strided_slice %get3A_274 {offsets = [9], sizes = [1], strides = [1]} : vector<16xf32> to vector<1xf32>
    %squeeze3A_414 = vector.extract %slice3A_413[0] : f32 from vector<1xf32>
    %jit3A_415 = arith.constant 0.000000e+00 : f32
    %broadcast_in_dim3A_416 = vector.broadcast %squeeze3A_414 : f32 to vector<16xf32>
    %broadcast_in_dim3A_417 = vector.broadcast %jit3A_415 : f32 to vector<16xf32>
    %select_n3A_418 = arith.select %eq3A_412, %broadcast_in_dim3A_416, %broadcast_in_dim3A_417 : vector<16xi1>, vector<16xf32>
    %swap3A_419 = arith.constant 25 : i32
    %swap3A_420 = arith.index_cast %swap3A_419 : i32 to index
    %swap3A_421 = arith.constant 0 : index
    %swap3A_422 = tpu.vector_load %arg16[%swap3A_420, %swap3A_421] {strides = array<i32>} : memref<64x128xf32, #tpu.memory_space<vmem>>, vector<1x16xf32>,
    %swap3A_423 = vector.shape_cast %swap3A_422 : vector<1x16xf32> to vector<16xf32>
    %swap3A_424 = vector.shape_cast %select_n3A_418 : vector<16xf32> to vector<1x16xf32>
    tpu.vector_store %arg16[%swap3A_420, %swap3A_421], %swap3A_424 {strides = array<i32>} : memref<64x128xf32, #tpu.memory_space<vmem>>, vector<1x16xf32>,
    %eq3A_425 = arith.constant 0 : i32
    %eq3A_426 = vector.broadcast %eq3A_425 : i32 to vector<16xi32>
    %eq3A_427 = arith.cmpi eq, %iota3A, %eq3A_426 : vector<16xi32>
    %slice3A_428 = vector.extract_strided_slice %get3A_274 {offsets = [10], sizes = [1], strides = [1]} : vector<16xf32> to vector<1xf32>
    %squeeze3A_429 = vector.extract %slice3A_428[0] : f32 from vector<1xf32>
    %jit3A_430 = arith.constant 0.000000e+00 : f32
    %broadcast_in_dim3A_431 = vector.broadcast %squeeze3A_429 : f32 to vector<16xf32>
    %broadcast_in_dim3A_432 = vector.broadcast %jit3A_430 : f32 to vector<16xf32>
    %select_n3A_433 = arith.select %eq3A_427, %broadcast_in_dim3A_431, %broadcast_in_dim3A_432 : vector<16xi1>, vector<16xf32>
    %swap3A_434 = arith.constant 26 : i32
    %swap3A_435 = arith.index_cast %swap3A_434 : i32 to index
    %swap3A_436 = arith.constant 0 : index
    %swap3A_437 = tpu.vector_load %arg16[%swap3A_435, %swap3A_436] {strides = array<i32>} : memref<64x128xf32, #tpu.memory_space<vmem>>, vector<1x16xf32>,
    %swap3A_438 = vector.shape_cast %swap3A_437 : vector<1x16xf32> to vector<16xf32>
    %swap3A_439 = vector.shape_cast %select_n3A_433 : vector<16xf32> to vector<1x16xf32>
    tpu.vector_store %arg16[%swap3A_435, %swap3A_436], %swap3A_439 {strides = array<i32>} : memref<64x128xf32, #tpu.memory_space<vmem>>, vector<1x16xf32>,
    %eq3A_440 = arith.constant 0 : i32
    %eq3A_441 = vector.broadcast %eq3A_440 : i32 to vector<16xi32>
    %eq3A_442 = arith.cmpi eq, %iota3A, %eq3A_441 : vector<16xi32>
    %slice3A_443 = vector.extract_strided_slice %get3A_274 {offsets = [11], sizes = [1], strides = [1]} : vector<16xf32> to vector<1xf32>
    %squeeze3A_444 = vector.extract %slice3A_443[0] : f32 from vector<1xf32>
    %jit3A_445 = arith.constant 0.000000e+00 : f32
    %broadcast_in_dim3A_446 = vector.broadcast %squeeze3A_444 : f32 to vector<16xf32>
    %broadcast_in_dim3A_447 = vector.broadcast %jit3A_445 : f32 to vector<16xf32>
    %select_n3A_448 = arith.select %eq3A_442, %broadcast_in_dim3A_446, %broadcast_in_dim3A_447 : vector<16xi1>, vector<16xf32>
    %swap3A_449 = arith.constant 27 : i32
    %swap3A_450 = arith.index_cast %swap3A_449 : i32 to index
    %swap3A_451 = arith.constant 0 : index
    %swap3A_452 = tpu.vector_load %arg16[%swap3A_450, %swap3A_451] {strides = array<i32>} : memref<64x128xf32, #tpu.memory_space<vmem>>, vector<1x16xf32>,
    %swap3A_453 = vector.shape_cast %swap3A_452 : vector<1x16xf32> to vector<16xf32>
    %swap3A_454 = vector.shape_cast %select_n3A_448 : vector<16xf32> to vector<1x16xf32>
    tpu.vector_store %arg16[%swap3A_450, %swap3A_451], %swap3A_454 {strides = array<i32>} : memref<64x128xf32, #tpu.memory_space<vmem>>, vector<1x16xf32>,
    %eq3A_455 = arith.constant 0 : i32
    %eq3A_456 = vector.broadcast %eq3A_455 : i32 to vector<16xi32>
    %eq3A_457 = arith.cmpi eq, %iota3A, %eq3A_456 : vector<16xi32>
    %slice3A_458 = vector.extract_strided_slice %get3A_274 {offsets = [12], sizes = [1], strides = [1]} : vector<16xf32> to vector<1xf32>
    %squeeze3A_459 = vector.extract %slice3A_458[0] : f32 from vector<1xf32>
    %jit3A_460 = arith.constant 0.000000e+00 : f32
    %broadcast_in_dim3A_461 = vector.broadcast %squeeze3A_459 : f32 to vector<16xf32>
    %broadcast_in_dim3A_462 = vector.broadcast %jit3A_460 : f32 to vector<16xf32>
    %select_n3A_463 = arith.select %eq3A_457, %broadcast_in_dim3A_461, %broadcast_in_dim3A_462 : vector<16xi1>, vector<16xf32>
    %swap3A_464 = arith.constant 28 : i32
    %swap3A_465 = arith.index_cast %swap3A_464 : i32 to index
    %swap3A_466 = arith.constant 0 : index
    %swap3A_467 = tpu.vector_load %arg16[%swap3A_465, %swap3A_466] {strides = array<i32>} : memref<64x128xf32, #tpu.memory_space<vmem>>, vector<1x16xf32>,
    %swap3A_468 = vector.shape_cast %swap3A_467 : vector<1x16xf32> to vector<16xf32>
    %swap3A_469 = vector.shape_cast %select_n3A_463 : vector<16xf32> to vector<1x16xf32>
    tpu.vector_store %arg16[%swap3A_465, %swap3A_466], %swap3A_469 {strides = array<i32>} : memref<64x128xf32, #tpu.memory_space<vmem>>, vector<1x16xf32>,
    %eq3A_470 = arith.constant 0 : i32
    %eq3A_471 = vector.broadcast %eq3A_470 : i32 to vector<16xi32>
    %eq3A_472 = arith.cmpi eq, %iota3A, %eq3A_471 : vector<16xi32>
    %slice3A_473 = vector.extract_strided_slice %get3A_274 {offsets = [13], sizes = [1], strides = [1]} : vector<16xf32> to vector<1xf32>
    %squeeze3A_474 = vector.extract %slice3A_473[0] : f32 from vector<1xf32>
    %jit3A_475 = arith.constant 0.000000e+00 : f32
    %broadcast_in_dim3A_476 = vector.broadcast %squeeze3A_474 : f32 to vector<16xf32>
    %broadcast_in_dim3A_477 = vector.broadcast %jit3A_475 : f32 to vector<16xf32>
    %select_n3A_478 = arith.select %eq3A_472, %broadcast_in_dim3A_476, %broadcast_in_dim3A_477 : vector<16xi1>, vector<16xf32>
    %swap3A_479 = arith.constant 29 : i32
    %swap3A_480 = arith.index_cast %swap3A_479 : i32 to index
    %swap3A_481 = arith.constant 0 : index
    %swap3A_482 = tpu.vector_load %arg16[%swap3A_480, %swap3A_481] {strides = array<i32>} : memref<64x128xf32, #tpu.memory_space<vmem>>, vector<1x16xf32>,
    %swap3A_483 = vector.shape_cast %swap3A_482 : vector<1x16xf32> to vector<16xf32>
    %swap3A_484 = vector.shape_cast %select_n3A_478 : vector<16xf32> to vector<1x16xf32>
    tpu.vector_store %arg16[%swap3A_480, %swap3A_481], %swap3A_484 {strides = array<i32>} : memref<64x128xf32, #tpu.memory_space<vmem>>, vector<1x16xf32>,
    %eq3A_485 = arith.constant 0 : i32
    %eq3A_486 = vector.broadcast %eq3A_485 : i32 to vector<16xi32>
    %eq3A_487 = arith.cmpi eq, %iota3A, %eq3A_486 : vector<16xi32>
    %slice3A_488 = vector.extract_strided_slice %get3A_274 {offsets = [14], sizes = [1], strides = [1]} : vector<16xf32> to vector<1xf32>
    %squeeze3A_489 = vector.extract %slice3A_488[0] : f32 from vector<1xf32>
    %jit3A_490 = arith.constant 0.000000e+00 : f32
    %broadcast_in_dim3A_491 = vector.broadcast %squeeze3A_489 : f32 to vector<16xf32>
    %broadcast_in_dim3A_492 = vector.broadcast %jit3A_490 : f32 to vector<16xf32>
    %select_n3A_493 = arith.select %eq3A_487, %broadcast_in_dim3A_491, %broadcast_in_dim3A_492 : vector<16xi1>, vector<16xf32>
    %swap3A_494 = arith.constant 30 : i32
    %swap3A_495 = arith.index_cast %swap3A_494 : i32 to index
    %swap3A_496 = arith.constant 0 : index
    %swap3A_497 = tpu.vector_load %arg16[%swap3A_495, %swap3A_496] {strides = array<i32>} : memref<64x128xf32, #tpu.memory_space<vmem>>, vector<1x16xf32>,
    %swap3A_498 = vector.shape_cast %swap3A_497 : vector<1x16xf32> to vector<16xf32>
    %swap3A_499 = vector.shape_cast %select_n3A_493 : vector<16xf32> to vector<1x16xf32>
    tpu.vector_store %arg16[%swap3A_495, %swap3A_496], %swap3A_499 {strides = array<i32>} : memref<64x128xf32, #tpu.memory_space<vmem>>, vector<1x16xf32>,
    %eq3A_500 = arith.constant 0 : i32
    %eq3A_501 = vector.broadcast %eq3A_500 : i32 to vector<16xi32>
    %eq3A_502 = arith.cmpi eq, %iota3A, %eq3A_501 : vector<16xi32>
    %slice3A_503 = vector.extract_strided_slice %get3A_274 {offsets = [15], sizes = [1], strides = [1]} : vector<16xf32> to vector<1xf32>
    %squeeze3A_504 = vector.extract %slice3A_503[0] : f32 from vector<1xf32>
    %jit3A_505 = arith.constant 0.000000e+00 : f32
    %broadcast_in_dim3A_506 = vector.broadcast %squeeze3A_504 : f32 to vector<16xf32>
    %broadcast_in_dim3A_507 = vector.broadcast %jit3A_505 : f32 to vector<16xf32>
    %select_n3A_508 = arith.select %eq3A_502, %broadcast_in_dim3A_506, %broadcast_in_dim3A_507 : vector<16xi1>, vector<16xf32>
    %swap3A_509 = arith.constant 31 : i32
    %swap3A_510 = arith.index_cast %swap3A_509 : i32 to index
    %swap3A_511 = arith.constant 0 : index
    %swap3A_512 = tpu.vector_load %arg16[%swap3A_510, %swap3A_511] {strides = array<i32>} : memref<64x128xf32, #tpu.memory_space<vmem>>, vector<1x16xf32>,
    %swap3A_513 = vector.shape_cast %swap3A_512 : vector<1x16xf32> to vector<16xf32>
    %swap3A_514 = vector.shape_cast %select_n3A_508 : vector<16xf32> to vector<1x16xf32>
    tpu.vector_store %arg16[%swap3A_510, %swap3A_511], %swap3A_514 {strides = array<i32>} : memref<64x128xf32, #tpu.memory_space<vmem>>, vector<1x16xf32>,
    %get3A_515 = arith.constant 32 : index
    %get3A_516 = tpu.vector_load %arg11[%get3A_515] {strides = array<i32>} : memref<64xi32, #tpu.memory_space<vmem>>, vector<16xi32>,
    %get3A_517 = vector.shape_cast %get3A_516 : vector<16xi32> to vector<16xi32>
    %broadcast_in_dim3A_518 = vector.shape_cast %get3A_517 : vector<16xi32> to vector<16x1xi32>
    %gather3A_519 = vector.shape_cast %broadcast_in_dim3A_518 : vector<16x1xi32> to vector<16xi32>
    %gather3A_520 = tpu.dynamic_gather %get3A_4[%gather3A_519] in [0] : vector<16xi32>, vector<16xi32> -> vector<16xi32>
    %get3A_521 = arith.constant 32 : index
    %get3A_522 = tpu.vector_load %arg12[%get3A_521] {strides = array<i32>} : memref<64xi32, #tpu.memory_space<vmem>>, vector<16xi32>,
    %get3A_523 = vector.shape_cast %get3A_522 : vector<16xi32> to vector<16xi32>
    %add3A_524 = arith.addi %gather3A_520, %get3A_523 : vector<16xi32>
    %swap3A_525 = arith.constant 0 : i32
    %swap3A_526 = arith.index_cast %swap3A_525 : i32 to index
    %swap3A_527 = arith.constant 32 : index
    %swap3A_528 = tpu.vector_load %arg13[%swap3A_526, %swap3A_527] {strides = array<i32>} : memref<1x64xi32, #tpu.memory_space<vmem>>, vector<1x16xi32>,
    %swap3A_529 = vector.shape_cast %swap3A_528 : vector<1x16xi32> to vector<16xi32>
    %swap3A_530 = vector.shape_cast %add3A_524 : vector<16xi32> to vector<1x16xi32>
    tpu.vector_store %arg13[%swap3A_526, %swap3A_527], %swap3A_530 {strides = array<i32>} : memref<1x64xi32, #tpu.memory_space<vmem>>, vector<1x16xi32>,
    %get3A_531 = arith.constant 32 : index
    %get3A_532 = tpu.vector_load %arg14[%get3A_531] {strides = array<i32>} : memref<64xf32, #tpu.memory_space<vmem>>, vector<16xf32>,
    %get3A_533 = vector.shape_cast %get3A_532 : vector<16xf32> to vector<16xf32>
    %eq3A_534 = arith.constant 0 : i32
    %eq3A_535 = vector.broadcast %eq3A_534 : i32 to vector<16xi32>
    %eq3A_536 = arith.cmpi eq, %iota3A, %eq3A_535 : vector<16xi32>
    %slice3A_537 = vector.extract_strided_slice %get3A_533 {offsets = [0], sizes = [1], strides = [1]} : vector<16xf32> to vector<1xf32>
    %squeeze3A_538 = vector.extract %slice3A_537[0] : f32 from vector<1xf32>
    %jit3A_539 = arith.constant 0.000000e+00 : f32
    %broadcast_in_dim3A_540 = vector.broadcast %squeeze3A_538 : f32 to vector<16xf32>
    %broadcast_in_dim3A_541 = vector.broadcast %jit3A_539 : f32 to vector<16xf32>
    %select_n3A_542 = arith.select %eq3A_536, %broadcast_in_dim3A_540, %broadcast_in_dim3A_541 : vector<16xi1>, vector<16xf32>
    %swap3A_543 = arith.constant 32 : i32
    %swap3A_544 = arith.index_cast %swap3A_543 : i32 to index
    %swap3A_545 = arith.constant 0 : index
    %swap3A_546 = tpu.vector_load %arg16[%swap3A_544, %swap3A_545] {strides = array<i32>} : memref<64x128xf32, #tpu.memory_space<vmem>>, vector<1x16xf32>,
    %swap3A_547 = vector.shape_cast %swap3A_546 : vector<1x16xf32> to vector<16xf32>
    %swap3A_548 = vector.shape_cast %select_n3A_542 : vector<16xf32> to vector<1x16xf32>
    tpu.vector_store %arg16[%swap3A_544, %swap3A_545], %swap3A_548 {strides = array<i32>} : memref<64x128xf32, #tpu.memory_space<vmem>>, vector<1x16xf32>,
    %eq3A_549 = arith.constant 0 : i32
    %eq3A_550 = vector.broadcast %eq3A_549 : i32 to vector<16xi32>
    %eq3A_551 = arith.cmpi eq, %iota3A, %eq3A_550 : vector<16xi32>
    %slice3A_552 = vector.extract_strided_slice %get3A_533 {offsets = [1], sizes = [1], strides = [1]} : vector<16xf32> to vector<1xf32>
    %squeeze3A_553 = vector.extract %slice3A_552[0] : f32 from vector<1xf32>
    %jit3A_554 = arith.constant 0.000000e+00 : f32
    %broadcast_in_dim3A_555 = vector.broadcast %squeeze3A_553 : f32 to vector<16xf32>
    %broadcast_in_dim3A_556 = vector.broadcast %jit3A_554 : f32 to vector<16xf32>
    %select_n3A_557 = arith.select %eq3A_551, %broadcast_in_dim3A_555, %broadcast_in_dim3A_556 : vector<16xi1>, vector<16xf32>
    %swap3A_558 = arith.constant 33 : i32
    %swap3A_559 = arith.index_cast %swap3A_558 : i32 to index
    %swap3A_560 = arith.constant 0 : index
    %swap3A_561 = tpu.vector_load %arg16[%swap3A_559, %swap3A_560] {strides = array<i32>} : memref<64x128xf32, #tpu.memory_space<vmem>>, vector<1x16xf32>,
    %swap3A_562 = vector.shape_cast %swap3A_561 : vector<1x16xf32> to vector<16xf32>
    %swap3A_563 = vector.shape_cast %select_n3A_557 : vector<16xf32> to vector<1x16xf32>
    tpu.vector_store %arg16[%swap3A_559, %swap3A_560], %swap3A_563 {strides = array<i32>} : memref<64x128xf32, #tpu.memory_space<vmem>>, vector<1x16xf32>,
    %eq3A_564 = arith.constant 0 : i32
    %eq3A_565 = vector.broadcast %eq3A_564 : i32 to vector<16xi32>
    %eq3A_566 = arith.cmpi eq, %iota3A, %eq3A_565 : vector<16xi32>
    %slice3A_567 = vector.extract_strided_slice %get3A_533 {offsets = [2], sizes = [1], strides = [1]} : vector<16xf32> to vector<1xf32>
    %squeeze3A_568 = vector.extract %slice3A_567[0] : f32 from vector<1xf32>
    %jit3A_569 = arith.constant 0.000000e+00 : f32
    %broadcast_in_dim3A_570 = vector.broadcast %squeeze3A_568 : f32 to vector<16xf32>
    %broadcast_in_dim3A_571 = vector.broadcast %jit3A_569 : f32 to vector<16xf32>
    %select_n3A_572 = arith.select %eq3A_566, %broadcast_in_dim3A_570, %broadcast_in_dim3A_571 : vector<16xi1>, vector<16xf32>
    %swap3A_573 = arith.constant 34 : i32
    %swap3A_574 = arith.index_cast %swap3A_573 : i32 to index
    %swap3A_575 = arith.constant 0 : index
    %swap3A_576 = tpu.vector_load %arg16[%swap3A_574, %swap3A_575] {strides = array<i32>} : memref<64x128xf32, #tpu.memory_space<vmem>>, vector<1x16xf32>,
    %swap3A_577 = vector.shape_cast %swap3A_576 : vector<1x16xf32> to vector<16xf32>
    %swap3A_578 = vector.shape_cast %select_n3A_572 : vector<16xf32> to vector<1x16xf32>
    tpu.vector_store %arg16[%swap3A_574, %swap3A_575], %swap3A_578 {strides = array<i32>} : memref<64x128xf32, #tpu.memory_space<vmem>>, vector<1x16xf32>,
    %eq3A_579 = arith.constant 0 : i32
    %eq3A_580 = vector.broadcast %eq3A_579 : i32 to vector<16xi32>
    %eq3A_581 = arith.cmpi eq, %iota3A, %eq3A_580 : vector<16xi32>
    %slice3A_582 = vector.extract_strided_slice %get3A_533 {offsets = [3], sizes = [1], strides = [1]} : vector<16xf32> to vector<1xf32>
    %squeeze3A_583 = vector.extract %slice3A_582[0] : f32 from vector<1xf32>
    %jit3A_584 = arith.constant 0.000000e+00 : f32
    %broadcast_in_dim3A_585 = vector.broadcast %squeeze3A_583 : f32 to vector<16xf32>
    %broadcast_in_dim3A_586 = vector.broadcast %jit3A_584 : f32 to vector<16xf32>
    %select_n3A_587 = arith.select %eq3A_581, %broadcast_in_dim3A_585, %broadcast_in_dim3A_586 : vector<16xi1>, vector<16xf32>
    %swap3A_588 = arith.constant 35 : i32
    %swap3A_589 = arith.index_cast %swap3A_588 : i32 to index
    %swap3A_590 = arith.constant 0 : index
    %swap3A_591 = tpu.vector_load %arg16[%swap3A_589, %swap3A_590] {strides = array<i32>} : memref<64x128xf32, #tpu.memory_space<vmem>>, vector<1x16xf32>,
    %swap3A_592 = vector.shape_cast %swap3A_591 : vector<1x16xf32> to vector<16xf32>
    %swap3A_593 = vector.shape_cast %select_n3A_587 : vector<16xf32> to vector<1x16xf32>
    tpu.vector_store %arg16[%swap3A_589, %swap3A_590], %swap3A_593 {strides = array<i32>} : memref<64x128xf32, #tpu.memory_space<vmem>>, vector<1x16xf32>,
    %eq3A_594 = arith.constant 0 : i32
    %eq3A_595 = vector.broadcast %eq3A_594 : i32 to vector<16xi32>
    %eq3A_596 = arith.cmpi eq, %iota3A, %eq3A_595 : vector<16xi32>
    %slice3A_597 = vector.extract_strided_slice %get3A_533 {offsets = [4], sizes = [1], strides = [1]} : vector<16xf32> to vector<1xf32>
    %squeeze3A_598 = vector.extract %slice3A_597[0] : f32 from vector<1xf32>
    %jit3A_599 = arith.constant 0.000000e+00 : f32
    %broadcast_in_dim3A_600 = vector.broadcast %squeeze3A_598 : f32 to vector<16xf32>
    %broadcast_in_dim3A_601 = vector.broadcast %jit3A_599 : f32 to vector<16xf32>
    %select_n3A_602 = arith.select %eq3A_596, %broadcast_in_dim3A_600, %broadcast_in_dim3A_601 : vector<16xi1>, vector<16xf32>
    %swap3A_603 = arith.constant 36 : i32
    %swap3A_604 = arith.index_cast %swap3A_603 : i32 to index
    %swap3A_605 = arith.constant 0 : index
    %swap3A_606 = tpu.vector_load %arg16[%swap3A_604, %swap3A_605] {strides = array<i32>} : memref<64x128xf32, #tpu.memory_space<vmem>>, vector<1x16xf32>,
    %swap3A_607 = vector.shape_cast %swap3A_606 : vector<1x16xf32> to vector<16xf32>
    %swap3A_608 = vector.shape_cast %select_n3A_602 : vector<16xf32> to vector<1x16xf32>
    tpu.vector_store %arg16[%swap3A_604, %swap3A_605], %swap3A_608 {strides = array<i32>} : memref<64x128xf32, #tpu.memory_space<vmem>>, vector<1x16xf32>,
    %eq3A_609 = arith.constant 0 : i32
    %eq3A_610 = vector.broadcast %eq3A_609 : i32 to vector<16xi32>
    %eq3A_611 = arith.cmpi eq, %iota3A, %eq3A_610 : vector<16xi32>
    %slice3A_612 = vector.extract_strided_slice %get3A_533 {offsets = [5], sizes = [1], strides = [1]} : vector<16xf32> to vector<1xf32>
    %squeeze3A_613 = vector.extract %slice3A_612[0] : f32 from vector<1xf32>
    %jit3A_614 = arith.constant 0.000000e+00 : f32
    %broadcast_in_dim3A_615 = vector.broadcast %squeeze3A_613 : f32 to vector<16xf32>
    %broadcast_in_dim3A_616 = vector.broadcast %jit3A_614 : f32 to vector<16xf32>
    %select_n3A_617 = arith.select %eq3A_611, %broadcast_in_dim3A_615, %broadcast_in_dim3A_616 : vector<16xi1>, vector<16xf32>
    %swap3A_618 = arith.constant 37 : i32
    %swap3A_619 = arith.index_cast %swap3A_618 : i32 to index
    %swap3A_620 = arith.constant 0 : index
    %swap3A_621 = tpu.vector_load %arg16[%swap3A_619, %swap3A_620] {strides = array<i32>} : memref<64x128xf32, #tpu.memory_space<vmem>>, vector<1x16xf32>,
    %swap3A_622 = vector.shape_cast %swap3A_621 : vector<1x16xf32> to vector<16xf32>
    %swap3A_623 = vector.shape_cast %select_n3A_617 : vector<16xf32> to vector<1x16xf32>
    tpu.vector_store %arg16[%swap3A_619, %swap3A_620], %swap3A_623 {strides = array<i32>} : memref<64x128xf32, #tpu.memory_space<vmem>>, vector<1x16xf32>,
    %eq3A_624 = arith.constant 0 : i32
    %eq3A_625 = vector.broadcast %eq3A_624 : i32 to vector<16xi32>
    %eq3A_626 = arith.cmpi eq, %iota3A, %eq3A_625 : vector<16xi32>
    %slice3A_627 = vector.extract_strided_slice %get3A_533 {offsets = [6], sizes = [1], strides = [1]} : vector<16xf32> to vector<1xf32>
    %squeeze3A_628 = vector.extract %slice3A_627[0] : f32 from vector<1xf32>
    %jit3A_629 = arith.constant 0.000000e+00 : f32
    %broadcast_in_dim3A_630 = vector.broadcast %squeeze3A_628 : f32 to vector<16xf32>
    %broadcast_in_dim3A_631 = vector.broadcast %jit3A_629 : f32 to vector<16xf32>
    %select_n3A_632 = arith.select %eq3A_626, %broadcast_in_dim3A_630, %broadcast_in_dim3A_631 : vector<16xi1>, vector<16xf32>
    %swap3A_633 = arith.constant 38 : i32
    %swap3A_634 = arith.index_cast %swap3A_633 : i32 to index
    %swap3A_635 = arith.constant 0 : index
    %swap3A_636 = tpu.vector_load %arg16[%swap3A_634, %swap3A_635] {strides = array<i32>} : memref<64x128xf32, #tpu.memory_space<vmem>>, vector<1x16xf32>,
    %swap3A_637 = vector.shape_cast %swap3A_636 : vector<1x16xf32> to vector<16xf32>
    %swap3A_638 = vector.shape_cast %select_n3A_632 : vector<16xf32> to vector<1x16xf32>
    tpu.vector_store %arg16[%swap3A_634, %swap3A_635], %swap3A_638 {strides = array<i32>} : memref<64x128xf32, #tpu.memory_space<vmem>>, vector<1x16xf32>,
    %eq3A_639 = arith.constant 0 : i32
    %eq3A_640 = vector.broadcast %eq3A_639 : i32 to vector<16xi32>
    %eq3A_641 = arith.cmpi eq, %iota3A, %eq3A_640 : vector<16xi32>
    %slice3A_642 = vector.extract_strided_slice %get3A_533 {offsets = [7], sizes = [1], strides = [1]} : vector<16xf32> to vector<1xf32>
    %squeeze3A_643 = vector.extract %slice3A_642[0] : f32 from vector<1xf32>
    %jit3A_644 = arith.constant 0.000000e+00 : f32
    %broadcast_in_dim3A_645 = vector.broadcast %squeeze3A_643 : f32 to vector<16xf32>
    %broadcast_in_dim3A_646 = vector.broadcast %jit3A_644 : f32 to vector<16xf32>
    %select_n3A_647 = arith.select %eq3A_641, %broadcast_in_dim3A_645, %broadcast_in_dim3A_646 : vector<16xi1>, vector<16xf32>
    %swap3A_648 = arith.constant 39 : i32
    %swap3A_649 = arith.index_cast %swap3A_648 : i32 to index
    %swap3A_650 = arith.constant 0 : index
    %swap3A_651 = tpu.vector_load %arg16[%swap3A_649, %swap3A_650] {strides = array<i32>} : memref<64x128xf32, #tpu.memory_space<vmem>>, vector<1x16xf32>,
    %swap3A_652 = vector.shape_cast %swap3A_651 : vector<1x16xf32> to vector<16xf32>
    %swap3A_653 = vector.shape_cast %select_n3A_647 : vector<16xf32> to vector<1x16xf32>
    tpu.vector_store %arg16[%swap3A_649, %swap3A_650], %swap3A_653 {strides = array<i32>} : memref<64x128xf32, #tpu.memory_space<vmem>>, vector<1x16xf32>,
    %eq3A_654 = arith.constant 0 : i32
    %eq3A_655 = vector.broadcast %eq3A_654 : i32 to vector<16xi32>
    %eq3A_656 = arith.cmpi eq, %iota3A, %eq3A_655 : vector<16xi32>
    %slice3A_657 = vector.extract_strided_slice %get3A_533 {offsets = [8], sizes = [1], strides = [1]} : vector<16xf32> to vector<1xf32>
    %squeeze3A_658 = vector.extract %slice3A_657[0] : f32 from vector<1xf32>
    %jit3A_659 = arith.constant 0.000000e+00 : f32
    %broadcast_in_dim3A_660 = vector.broadcast %squeeze3A_658 : f32 to vector<16xf32>
    %broadcast_in_dim3A_661 = vector.broadcast %jit3A_659 : f32 to vector<16xf32>
    %select_n3A_662 = arith.select %eq3A_656, %broadcast_in_dim3A_660, %broadcast_in_dim3A_661 : vector<16xi1>, vector<16xf32>
    %swap3A_663 = arith.constant 40 : i32
    %swap3A_664 = arith.index_cast %swap3A_663 : i32 to index
    %swap3A_665 = arith.constant 0 : index
    %swap3A_666 = tpu.vector_load %arg16[%swap3A_664, %swap3A_665] {strides = array<i32>} : memref<64x128xf32, #tpu.memory_space<vmem>>, vector<1x16xf32>,
    %swap3A_667 = vector.shape_cast %swap3A_666 : vector<1x16xf32> to vector<16xf32>
    %swap3A_668 = vector.shape_cast %select_n3A_662 : vector<16xf32> to vector<1x16xf32>
    tpu.vector_store %arg16[%swap3A_664, %swap3A_665], %swap3A_668 {strides = array<i32>} : memref<64x128xf32, #tpu.memory_space<vmem>>, vector<1x16xf32>,
    %eq3A_669 = arith.constant 0 : i32
    %eq3A_670 = vector.broadcast %eq3A_669 : i32 to vector<16xi32>
    %eq3A_671 = arith.cmpi eq, %iota3A, %eq3A_670 : vector<16xi32>
    %slice3A_672 = vector.extract_strided_slice %get3A_533 {offsets = [9], sizes = [1], strides = [1]} : vector<16xf32> to vector<1xf32>
    %squeeze3A_673 = vector.extract %slice3A_672[0] : f32 from vector<1xf32>
    %jit3A_674 = arith.constant 0.000000e+00 : f32
    %broadcast_in_dim3A_675 = vector.broadcast %squeeze3A_673 : f32 to vector<16xf32>
    %broadcast_in_dim3A_676 = vector.broadcast %jit3A_674 : f32 to vector<16xf32>
    %select_n3A_677 = arith.select %eq3A_671, %broadcast_in_dim3A_675, %broadcast_in_dim3A_676 : vector<16xi1>, vector<16xf32>
    %swap3A_678 = arith.constant 41 : i32
    %swap3A_679 = arith.index_cast %swap3A_678 : i32 to index
    %swap3A_680 = arith.constant 0 : index
    %swap3A_681 = tpu.vector_load %arg16[%swap3A_679, %swap3A_680] {strides = array<i32>} : memref<64x128xf32, #tpu.memory_space<vmem>>, vector<1x16xf32>,
    %swap3A_682 = vector.shape_cast %swap3A_681 : vector<1x16xf32> to vector<16xf32>
    %swap3A_683 = vector.shape_cast %select_n3A_677 : vector<16xf32> to vector<1x16xf32>
    tpu.vector_store %arg16[%swap3A_679, %swap3A_680], %swap3A_683 {strides = array<i32>} : memref<64x128xf32, #tpu.memory_space<vmem>>, vector<1x16xf32>,
    %eq3A_684 = arith.constant 0 : i32
    %eq3A_685 = vector.broadcast %eq3A_684 : i32 to vector<16xi32>
    %eq3A_686 = arith.cmpi eq, %iota3A, %eq3A_685 : vector<16xi32>
    %slice3A_687 = vector.extract_strided_slice %get3A_533 {offsets = [10], sizes = [1], strides = [1]} : vector<16xf32> to vector<1xf32>
    %squeeze3A_688 = vector.extract %slice3A_687[0] : f32 from vector<1xf32>
    %jit3A_689 = arith.constant 0.000000e+00 : f32
    %broadcast_in_dim3A_690 = vector.broadcast %squeeze3A_688 : f32 to vector<16xf32>
    %broadcast_in_dim3A_691 = vector.broadcast %jit3A_689 : f32 to vector<16xf32>
    %select_n3A_692 = arith.select %eq3A_686, %broadcast_in_dim3A_690, %broadcast_in_dim3A_691 : vector<16xi1>, vector<16xf32>
    %swap3A_693 = arith.constant 42 : i32
    %swap3A_694 = arith.index_cast %swap3A_693 : i32 to index
    %swap3A_695 = arith.constant 0 : index
    %swap3A_696 = tpu.vector_load %arg16[%swap3A_694, %swap3A_695] {strides = array<i32>} : memref<64x128xf32, #tpu.memory_space<vmem>>, vector<1x16xf32>,
    %swap3A_697 = vector.shape_cast %swap3A_696 : vector<1x16xf32> to vector<16xf32>
    %swap3A_698 = vector.shape_cast %select_n3A_692 : vector<16xf32> to vector<1x16xf32>
    tpu.vector_store %arg16[%swap3A_694, %swap3A_695], %swap3A_698 {strides = array<i32>} : memref<64x128xf32, #tpu.memory_space<vmem>>, vector<1x16xf32>,
    %eq3A_699 = arith.constant 0 : i32
    %eq3A_700 = vector.broadcast %eq3A_699 : i32 to vector<16xi32>
    %eq3A_701 = arith.cmpi eq, %iota3A, %eq3A_700 : vector<16xi32>
    %slice3A_702 = vector.extract_strided_slice %get3A_533 {offsets = [11], sizes = [1], strides = [1]} : vector<16xf32> to vector<1xf32>
    %squeeze3A_703 = vector.extract %slice3A_702[0] : f32 from vector<1xf32>
    %jit3A_704 = arith.constant 0.000000e+00 : f32
    %broadcast_in_dim3A_705 = vector.broadcast %squeeze3A_703 : f32 to vector<16xf32>
    %broadcast_in_dim3A_706 = vector.broadcast %jit3A_704 : f32 to vector<16xf32>
    %select_n3A_707 = arith.select %eq3A_701, %broadcast_in_dim3A_705, %broadcast_in_dim3A_706 : vector<16xi1>, vector<16xf32>
    %swap3A_708 = arith.constant 43 : i32
    %swap3A_709 = arith.index_cast %swap3A_708 : i32 to index
    %swap3A_710 = arith.constant 0 : index
    %swap3A_711 = tpu.vector_load %arg16[%swap3A_709, %swap3A_710] {strides = array<i32>} : memref<64x128xf32, #tpu.memory_space<vmem>>, vector<1x16xf32>,
    %swap3A_712 = vector.shape_cast %swap3A_711 : vector<1x16xf32> to vector<16xf32>
    %swap3A_713 = vector.shape_cast %select_n3A_707 : vector<16xf32> to vector<1x16xf32>
    tpu.vector_store %arg16[%swap3A_709, %swap3A_710], %swap3A_713 {strides = array<i32>} : memref<64x128xf32, #tpu.memory_space<vmem>>, vector<1x16xf32>,
    %eq3A_714 = arith.constant 0 : i32
    %eq3A_715 = vector.broadcast %eq3A_714 : i32 to vector<16xi32>
    %eq3A_716 = arith.cmpi eq, %iota3A, %eq3A_715 : vector<16xi32>
    %slice3A_717 = vector.extract_strided_slice %get3A_533 {offsets = [12], sizes = [1], strides = [1]} : vector<16xf32> to vector<1xf32>
    %squeeze3A_718 = vector.extract %slice3A_717[0] : f32 from vector<1xf32>
    %jit3A_719 = arith.constant 0.000000e+00 : f32
    %broadcast_in_dim3A_720 = vector.broadcast %squeeze3A_718 : f32 to vector<16xf32>
    %broadcast_in_dim3A_721 = vector.broadcast %jit3A_719 : f32 to vector<16xf32>
    %select_n3A_722 = arith.select %eq3A_716, %broadcast_in_dim3A_720, %broadcast_in_dim3A_721 : vector<16xi1>, vector<16xf32>
    %swap3A_723 = arith.constant 44 : i32
    %swap3A_724 = arith.index_cast %swap3A_723 : i32 to index
    %swap3A_725 = arith.constant 0 : index
    %swap3A_726 = tpu.vector_load %arg16[%swap3A_724, %swap3A_725] {strides = array<i32>} : memref<64x128xf32, #tpu.memory_space<vmem>>, vector<1x16xf32>,
    %swap3A_727 = vector.shape_cast %swap3A_726 : vector<1x16xf32> to vector<16xf32>
    %swap3A_728 = vector.shape_cast %select_n3A_722 : vector<16xf32> to vector<1x16xf32>
    tpu.vector_store %arg16[%swap3A_724, %swap3A_725], %swap3A_728 {strides = array<i32>} : memref<64x128xf32, #tpu.memory_space<vmem>>, vector<1x16xf32>,
    %eq3A_729 = arith.constant 0 : i32
    %eq3A_730 = vector.broadcast %eq3A_729 : i32 to vector<16xi32>
    %eq3A_731 = arith.cmpi eq, %iota3A, %eq3A_730 : vector<16xi32>
    %slice3A_732 = vector.extract_strided_slice %get3A_533 {offsets = [13], sizes = [1], strides = [1]} : vector<16xf32> to vector<1xf32>
    %squeeze3A_733 = vector.extract %slice3A_732[0] : f32 from vector<1xf32>
    %jit3A_734 = arith.constant 0.000000e+00 : f32
    %broadcast_in_dim3A_735 = vector.broadcast %squeeze3A_733 : f32 to vector<16xf32>
    %broadcast_in_dim3A_736 = vector.broadcast %jit3A_734 : f32 to vector<16xf32>
    %select_n3A_737 = arith.select %eq3A_731, %broadcast_in_dim3A_735, %broadcast_in_dim3A_736 : vector<16xi1>, vector<16xf32>
    %swap3A_738 = arith.constant 45 : i32
    %swap3A_739 = arith.index_cast %swap3A_738 : i32 to index
    %swap3A_740 = arith.constant 0 : index
    %swap3A_741 = tpu.vector_load %arg16[%swap3A_739, %swap3A_740] {strides = array<i32>} : memref<64x128xf32, #tpu.memory_space<vmem>>, vector<1x16xf32>,
    %swap3A_742 = vector.shape_cast %swap3A_741 : vector<1x16xf32> to vector<16xf32>
    %swap3A_743 = vector.shape_cast %select_n3A_737 : vector<16xf32> to vector<1x16xf32>
    tpu.vector_store %arg16[%swap3A_739, %swap3A_740], %swap3A_743 {strides = array<i32>} : memref<64x128xf32, #tpu.memory_space<vmem>>, vector<1x16xf32>,
    %eq3A_744 = arith.constant 0 : i32
    %eq3A_745 = vector.broadcast %eq3A_744 : i32 to vector<16xi32>
    %eq3A_746 = arith.cmpi eq, %iota3A, %eq3A_745 : vector<16xi32>
    %slice3A_747 = vector.extract_strided_slice %get3A_533 {offsets = [14], sizes = [1], strides = [1]} : vector<16xf32> to vector<1xf32>
    %squeeze3A_748 = vector.extract %slice3A_747[0] : f32 from vector<1xf32>
    %jit3A_749 = arith.constant 0.000000e+00 : f32
    %broadcast_in_dim3A_750 = vector.broadcast %squeeze3A_748 : f32 to vector<16xf32>
    %broadcast_in_dim3A_751 = vector.broadcast %jit3A_749 : f32 to vector<16xf32>
    %select_n3A_752 = arith.select %eq3A_746, %broadcast_in_dim3A_750, %broadcast_in_dim3A_751 : vector<16xi1>, vector<16xf32>
    %swap3A_753 = arith.constant 46 : i32
    %swap3A_754 = arith.index_cast %swap3A_753 : i32 to index
    %swap3A_755 = arith.constant 0 : index
    %swap3A_756 = tpu.vector_load %arg16[%swap3A_754, %swap3A_755] {strides = array<i32>} : memref<64x128xf32, #tpu.memory_space<vmem>>, vector<1x16xf32>,
    %swap3A_757 = vector.shape_cast %swap3A_756 : vector<1x16xf32> to vector<16xf32>
    %swap3A_758 = vector.shape_cast %select_n3A_752 : vector<16xf32> to vector<1x16xf32>
    tpu.vector_store %arg16[%swap3A_754, %swap3A_755], %swap3A_758 {strides = array<i32>} : memref<64x128xf32, #tpu.memory_space<vmem>>, vector<1x16xf32>,
    %eq3A_759 = arith.constant 0 : i32
    %eq3A_760 = vector.broadcast %eq3A_759 : i32 to vector<16xi32>
    %eq3A_761 = arith.cmpi eq, %iota3A, %eq3A_760 : vector<16xi32>
    %slice3A_762 = vector.extract_strided_slice %get3A_533 {offsets = [15], sizes = [1], strides = [1]} : vector<16xf32> to vector<1xf32>
    %squeeze3A_763 = vector.extract %slice3A_762[0] : f32 from vector<1xf32>
    %jit3A_764 = arith.constant 0.000000e+00 : f32
    %broadcast_in_dim3A_765 = vector.broadcast %squeeze3A_763 : f32 to vector<16xf32>
    %broadcast_in_dim3A_766 = vector.broadcast %jit3A_764 : f32 to vector<16xf32>
    %select_n3A_767 = arith.select %eq3A_761, %broadcast_in_dim3A_765, %broadcast_in_dim3A_766 : vector<16xi1>, vector<16xf32>
    %swap3A_768 = arith.constant 47 : i32
    %swap3A_769 = arith.index_cast %swap3A_768 : i32 to index
    %swap3A_770 = arith.constant 0 : index
    %swap3A_771 = tpu.vector_load %arg16[%swap3A_769, %swap3A_770] {strides = array<i32>} : memref<64x128xf32, #tpu.memory_space<vmem>>, vector<1x16xf32>,
    %swap3A_772 = vector.shape_cast %swap3A_771 : vector<1x16xf32> to vector<16xf32>
    %swap3A_773 = vector.shape_cast %select_n3A_767 : vector<16xf32> to vector<1x16xf32>
    tpu.vector_store %arg16[%swap3A_769, %swap3A_770], %swap3A_773 {strides = array<i32>} : memref<64x128xf32, #tpu.memory_space<vmem>>, vector<1x16xf32>,
    %get3A_774 = arith.constant 48 : index
    %get3A_775 = tpu.vector_load %arg11[%get3A_774] {strides = array<i32>} : memref<64xi32, #tpu.memory_space<vmem>>, vector<16xi32>,
    %get3A_776 = vector.shape_cast %get3A_775 : vector<16xi32> to vector<16xi32>
    %broadcast_in_dim3A_777 = vector.shape_cast %get3A_776 : vector<16xi32> to vector<16x1xi32>
    %gather3A_778 = vector.shape_cast %broadcast_in_dim3A_777 : vector<16x1xi32> to vector<16xi32>
    %gather3A_779 = tpu.dynamic_gather %get3A_4[%gather3A_778] in [0] : vector<16xi32>, vector<16xi32> -> vector<16xi32>
    %get3A_780 = arith.constant 48 : index
    %get3A_781 = tpu.vector_load %arg12[%get3A_780] {strides = array<i32>} : memref<64xi32, #tpu.memory_space<vmem>>, vector<16xi32>,
    %get3A_782 = vector.shape_cast %get3A_781 : vector<16xi32> to vector<16xi32>
    %add3A_783 = arith.addi %gather3A_779, %get3A_782 : vector<16xi32>
    %swap3A_784 = arith.constant 0 : i32
    %swap3A_785 = arith.index_cast %swap3A_784 : i32 to index
    %swap3A_786 = arith.constant 48 : index
    %swap3A_787 = tpu.vector_load %arg13[%swap3A_785, %swap3A_786] {strides = array<i32>} : memref<1x64xi32, #tpu.memory_space<vmem>>, vector<1x16xi32>,
    %swap3A_788 = vector.shape_cast %swap3A_787 : vector<1x16xi32> to vector<16xi32>
    %swap3A_789 = vector.shape_cast %add3A_783 : vector<16xi32> to vector<1x16xi32>
    tpu.vector_store %arg13[%swap3A_785, %swap3A_786], %swap3A_789 {strides = array<i32>} : memref<1x64xi32, #tpu.memory_space<vmem>>, vector<1x16xi32>,
    %get3A_790 = arith.constant 48 : index
    %get3A_791 = tpu.vector_load %arg14[%get3A_790] {strides = array<i32>} : memref<64xf32, #tpu.memory_space<vmem>>, vector<16xf32>,
    %get3A_792 = vector.shape_cast %get3A_791 : vector<16xf32> to vector<16xf32>
    %eq3A_793 = arith.constant 0 : i32
    %eq3A_794 = vector.broadcast %eq3A_793 : i32 to vector<16xi32>
    %eq3A_795 = arith.cmpi eq, %iota3A, %eq3A_794 : vector<16xi32>
    %slice3A_796 = vector.extract_strided_slice %get3A_792 {offsets = [0], sizes = [1], strides = [1]} : vector<16xf32> to vector<1xf32>
    %squeeze3A_797 = vector.extract %slice3A_796[0] : f32 from vector<1xf32>
    %jit3A_798 = arith.constant 0.000000e+00 : f32
    %broadcast_in_dim3A_799 = vector.broadcast %squeeze3A_797 : f32 to vector<16xf32>
    %broadcast_in_dim3A_800 = vector.broadcast %jit3A_798 : f32 to vector<16xf32>
    %select_n3A_801 = arith.select %eq3A_795, %broadcast_in_dim3A_799, %broadcast_in_dim3A_800 : vector<16xi1>, vector<16xf32>
    %swap3A_802 = arith.constant 48 : i32
    %swap3A_803 = arith.index_cast %swap3A_802 : i32 to index
    %swap3A_804 = arith.constant 0 : index
    %swap3A_805 = tpu.vector_load %arg16[%swap3A_803, %swap3A_804] {strides = array<i32>} : memref<64x128xf32, #tpu.memory_space<vmem>>, vector<1x16xf32>,
    %swap3A_806 = vector.shape_cast %swap3A_805 : vector<1x16xf32> to vector<16xf32>
    %swap3A_807 = vector.shape_cast %select_n3A_801 : vector<16xf32> to vector<1x16xf32>
    tpu.vector_store %arg16[%swap3A_803, %swap3A_804], %swap3A_807 {strides = array<i32>} : memref<64x128xf32, #tpu.memory_space<vmem>>, vector<1x16xf32>,
    %eq3A_808 = arith.constant 0 : i32
    %eq3A_809 = vector.broadcast %eq3A_808 : i32 to vector<16xi32>
    %eq3A_810 = arith.cmpi eq, %iota3A, %eq3A_809 : vector<16xi32>
    %slice3A_811 = vector.extract_strided_slice %get3A_792 {offsets = [1], sizes = [1], strides = [1]} : vector<16xf32> to vector<1xf32>
    %squeeze3A_812 = vector.extract %slice3A_811[0] : f32 from vector<1xf32>
    %jit3A_813 = arith.constant 0.000000e+00 : f32
    %broadcast_in_dim3A_814 = vector.broadcast %squeeze3A_812 : f32 to vector<16xf32>
    %broadcast_in_dim3A_815 = vector.broadcast %jit3A_813 : f32 to vector<16xf32>
    %select_n3A_816 = arith.select %eq3A_810, %broadcast_in_dim3A_814, %broadcast_in_dim3A_815 : vector<16xi1>, vector<16xf32>
    %swap3A_817 = arith.constant 49 : i32
    %swap3A_818 = arith.index_cast %swap3A_817 : i32 to index
    %swap3A_819 = arith.constant 0 : index
    %swap3A_820 = tpu.vector_load %arg16[%swap3A_818, %swap3A_819] {strides = array<i32>} : memref<64x128xf32, #tpu.memory_space<vmem>>, vector<1x16xf32>,
    %swap3A_821 = vector.shape_cast %swap3A_820 : vector<1x16xf32> to vector<16xf32>
    %swap3A_822 = vector.shape_cast %select_n3A_816 : vector<16xf32> to vector<1x16xf32>
    tpu.vector_store %arg16[%swap3A_818, %swap3A_819], %swap3A_822 {strides = array<i32>} : memref<64x128xf32, #tpu.memory_space<vmem>>, vector<1x16xf32>,
    %eq3A_823 = arith.constant 0 : i32
    %eq3A_824 = vector.broadcast %eq3A_823 : i32 to vector<16xi32>
    %eq3A_825 = arith.cmpi eq, %iota3A, %eq3A_824 : vector<16xi32>
    %slice3A_826 = vector.extract_strided_slice %get3A_792 {offsets = [2], sizes = [1], strides = [1]} : vector<16xf32> to vector<1xf32>
    %squeeze3A_827 = vector.extract %slice3A_826[0] : f32 from vector<1xf32>
    %jit3A_828 = arith.constant 0.000000e+00 : f32
    %broadcast_in_dim3A_829 = vector.broadcast %squeeze3A_827 : f32 to vector<16xf32>
    %broadcast_in_dim3A_830 = vector.broadcast %jit3A_828 : f32 to vector<16xf32>
    %select_n3A_831 = arith.select %eq3A_825, %broadcast_in_dim3A_829, %broadcast_in_dim3A_830 : vector<16xi1>, vector<16xf32>
    %swap3A_832 = arith.constant 50 : i32
    %swap3A_833 = arith.index_cast %swap3A_832 : i32 to index
    %swap3A_834 = arith.constant 0 : index
    %swap3A_835 = tpu.vector_load %arg16[%swap3A_833, %swap3A_834] {strides = array<i32>} : memref<64x128xf32, #tpu.memory_space<vmem>>, vector<1x16xf32>,
    %swap3A_836 = vector.shape_cast %swap3A_835 : vector<1x16xf32> to vector<16xf32>
    %swap3A_837 = vector.shape_cast %select_n3A_831 : vector<16xf32> to vector<1x16xf32>
    tpu.vector_store %arg16[%swap3A_833, %swap3A_834], %swap3A_837 {strides = array<i32>} : memref<64x128xf32, #tpu.memory_space<vmem>>, vector<1x16xf32>,
    %eq3A_838 = arith.constant 0 : i32
    %eq3A_839 = vector.broadcast %eq3A_838 : i32 to vector<16xi32>
    %eq3A_840 = arith.cmpi eq, %iota3A, %eq3A_839 : vector<16xi32>
    %slice3A_841 = vector.extract_strided_slice %get3A_792 {offsets = [3], sizes = [1], strides = [1]} : vector<16xf32> to vector<1xf32>
    %squeeze3A_842 = vector.extract %slice3A_841[0] : f32 from vector<1xf32>
    %jit3A_843 = arith.constant 0.000000e+00 : f32
    %broadcast_in_dim3A_844 = vector.broadcast %squeeze3A_842 : f32 to vector<16xf32>
    %broadcast_in_dim3A_845 = vector.broadcast %jit3A_843 : f32 to vector<16xf32>
    %select_n3A_846 = arith.select %eq3A_840, %broadcast_in_dim3A_844, %broadcast_in_dim3A_845 : vector<16xi1>, vector<16xf32>
    %swap3A_847 = arith.constant 51 : i32
    %swap3A_848 = arith.index_cast %swap3A_847 : i32 to index
    %swap3A_849 = arith.constant 0 : index
    %swap3A_850 = tpu.vector_load %arg16[%swap3A_848, %swap3A_849] {strides = array<i32>} : memref<64x128xf32, #tpu.memory_space<vmem>>, vector<1x16xf32>,
    %swap3A_851 = vector.shape_cast %swap3A_850 : vector<1x16xf32> to vector<16xf32>
    %swap3A_852 = vector.shape_cast %select_n3A_846 : vector<16xf32> to vector<1x16xf32>
    tpu.vector_store %arg16[%swap3A_848, %swap3A_849], %swap3A_852 {strides = array<i32>} : memref<64x128xf32, #tpu.memory_space<vmem>>, vector<1x16xf32>,
    %eq3A_853 = arith.constant 0 : i32
    %eq3A_854 = vector.broadcast %eq3A_853 : i32 to vector<16xi32>
    %eq3A_855 = arith.cmpi eq, %iota3A, %eq3A_854 : vector<16xi32>
    %slice3A_856 = vector.extract_strided_slice %get3A_792 {offsets = [4], sizes = [1], strides = [1]} : vector<16xf32> to vector<1xf32>
    %squeeze3A_857 = vector.extract %slice3A_856[0] : f32 from vector<1xf32>
    %jit3A_858 = arith.constant 0.000000e+00 : f32
    %broadcast_in_dim3A_859 = vector.broadcast %squeeze3A_857 : f32 to vector<16xf32>
    %broadcast_in_dim3A_860 = vector.broadcast %jit3A_858 : f32 to vector<16xf32>
    %select_n3A_861 = arith.select %eq3A_855, %broadcast_in_dim3A_859, %broadcast_in_dim3A_860 : vector<16xi1>, vector<16xf32>
    %swap3A_862 = arith.constant 52 : i32
    %swap3A_863 = arith.index_cast %swap3A_862 : i32 to index
    %swap3A_864 = arith.constant 0 : index
    %swap3A_865 = tpu.vector_load %arg16[%swap3A_863, %swap3A_864] {strides = array<i32>} : memref<64x128xf32, #tpu.memory_space<vmem>>, vector<1x16xf32>,
    %swap3A_866 = vector.shape_cast %swap3A_865 : vector<1x16xf32> to vector<16xf32>
    %swap3A_867 = vector.shape_cast %select_n3A_861 : vector<16xf32> to vector<1x16xf32>
    tpu.vector_store %arg16[%swap3A_863, %swap3A_864], %swap3A_867 {strides = array<i32>} : memref<64x128xf32, #tpu.memory_space<vmem>>, vector<1x16xf32>,
    %eq3A_868 = arith.constant 0 : i32
    %eq3A_869 = vector.broadcast %eq3A_868 : i32 to vector<16xi32>
    %eq3A_870 = arith.cmpi eq, %iota3A, %eq3A_869 : vector<16xi32>
    %slice3A_871 = vector.extract_strided_slice %get3A_792 {offsets = [5], sizes = [1], strides = [1]} : vector<16xf32> to vector<1xf32>
    %squeeze3A_872 = vector.extract %slice3A_871[0] : f32 from vector<1xf32>
    %jit3A_873 = arith.constant 0.000000e+00 : f32
    %broadcast_in_dim3A_874 = vector.broadcast %squeeze3A_872 : f32 to vector<16xf32>
    %broadcast_in_dim3A_875 = vector.broadcast %jit3A_873 : f32 to vector<16xf32>
    %select_n3A_876 = arith.select %eq3A_870, %broadcast_in_dim3A_874, %broadcast_in_dim3A_875 : vector<16xi1>, vector<16xf32>
    %swap3A_877 = arith.constant 53 : i32
    %swap3A_878 = arith.index_cast %swap3A_877 : i32 to index
    %swap3A_879 = arith.constant 0 : index
    %swap3A_880 = tpu.vector_load %arg16[%swap3A_878, %swap3A_879] {strides = array<i32>} : memref<64x128xf32, #tpu.memory_space<vmem>>, vector<1x16xf32>,
    %swap3A_881 = vector.shape_cast %swap3A_880 : vector<1x16xf32> to vector<16xf32>
    %swap3A_882 = vector.shape_cast %select_n3A_876 : vector<16xf32> to vector<1x16xf32>
    tpu.vector_store %arg16[%swap3A_878, %swap3A_879], %swap3A_882 {strides = array<i32>} : memref<64x128xf32, #tpu.memory_space<vmem>>, vector<1x16xf32>,
    %eq3A_883 = arith.constant 0 : i32
    %eq3A_884 = vector.broadcast %eq3A_883 : i32 to vector<16xi32>
    %eq3A_885 = arith.cmpi eq, %iota3A, %eq3A_884 : vector<16xi32>
    %slice3A_886 = vector.extract_strided_slice %get3A_792 {offsets = [6], sizes = [1], strides = [1]} : vector<16xf32> to vector<1xf32>
    %squeeze3A_887 = vector.extract %slice3A_886[0] : f32 from vector<1xf32>
    %jit3A_888 = arith.constant 0.000000e+00 : f32
    %broadcast_in_dim3A_889 = vector.broadcast %squeeze3A_887 : f32 to vector<16xf32>
    %broadcast_in_dim3A_890 = vector.broadcast %jit3A_888 : f32 to vector<16xf32>
    %select_n3A_891 = arith.select %eq3A_885, %broadcast_in_dim3A_889, %broadcast_in_dim3A_890 : vector<16xi1>, vector<16xf32>
    %swap3A_892 = arith.constant 54 : i32
    %swap3A_893 = arith.index_cast %swap3A_892 : i32 to index
    %swap3A_894 = arith.constant 0 : index
    %swap3A_895 = tpu.vector_load %arg16[%swap3A_893, %swap3A_894] {strides = array<i32>} : memref<64x128xf32, #tpu.memory_space<vmem>>, vector<1x16xf32>,
    %swap3A_896 = vector.shape_cast %swap3A_895 : vector<1x16xf32> to vector<16xf32>
    %swap3A_897 = vector.shape_cast %select_n3A_891 : vector<16xf32> to vector<1x16xf32>
    tpu.vector_store %arg16[%swap3A_893, %swap3A_894], %swap3A_897 {strides = array<i32>} : memref<64x128xf32, #tpu.memory_space<vmem>>, vector<1x16xf32>,
    %eq3A_898 = arith.constant 0 : i32
    %eq3A_899 = vector.broadcast %eq3A_898 : i32 to vector<16xi32>
    %eq3A_900 = arith.cmpi eq, %iota3A, %eq3A_899 : vector<16xi32>
    %slice3A_901 = vector.extract_strided_slice %get3A_792 {offsets = [7], sizes = [1], strides = [1]} : vector<16xf32> to vector<1xf32>
    %squeeze3A_902 = vector.extract %slice3A_901[0] : f32 from vector<1xf32>
    %jit3A_903 = arith.constant 0.000000e+00 : f32
    %broadcast_in_dim3A_904 = vector.broadcast %squeeze3A_902 : f32 to vector<16xf32>
    %broadcast_in_dim3A_905 = vector.broadcast %jit3A_903 : f32 to vector<16xf32>
    %select_n3A_906 = arith.select %eq3A_900, %broadcast_in_dim3A_904, %broadcast_in_dim3A_905 : vector<16xi1>, vector<16xf32>
    %swap3A_907 = arith.constant 55 : i32
    %swap3A_908 = arith.index_cast %swap3A_907 : i32 to index
    %swap3A_909 = arith.constant 0 : index
    %swap3A_910 = tpu.vector_load %arg16[%swap3A_908, %swap3A_909] {strides = array<i32>} : memref<64x128xf32, #tpu.memory_space<vmem>>, vector<1x16xf32>,
    %swap3A_911 = vector.shape_cast %swap3A_910 : vector<1x16xf32> to vector<16xf32>
    %swap3A_912 = vector.shape_cast %select_n3A_906 : vector<16xf32> to vector<1x16xf32>
    tpu.vector_store %arg16[%swap3A_908, %swap3A_909], %swap3A_912 {strides = array<i32>} : memref<64x128xf32, #tpu.memory_space<vmem>>, vector<1x16xf32>,
    %eq3A_913 = arith.constant 0 : i32
    %eq3A_914 = vector.broadcast %eq3A_913 : i32 to vector<16xi32>
    %eq3A_915 = arith.cmpi eq, %iota3A, %eq3A_914 : vector<16xi32>
    %slice3A_916 = vector.extract_strided_slice %get3A_792 {offsets = [8], sizes = [1], strides = [1]} : vector<16xf32> to vector<1xf32>
    %squeeze3A_917 = vector.extract %slice3A_916[0] : f32 from vector<1xf32>
    %jit3A_918 = arith.constant 0.000000e+00 : f32
    %broadcast_in_dim3A_919 = vector.broadcast %squeeze3A_917 : f32 to vector<16xf32>
    %broadcast_in_dim3A_920 = vector.broadcast %jit3A_918 : f32 to vector<16xf32>
    %select_n3A_921 = arith.select %eq3A_915, %broadcast_in_dim3A_919, %broadcast_in_dim3A_920 : vector<16xi1>, vector<16xf32>
    %swap3A_922 = arith.constant 56 : i32
    %swap3A_923 = arith.index_cast %swap3A_922 : i32 to index
    %swap3A_924 = arith.constant 0 : index
    %swap3A_925 = tpu.vector_load %arg16[%swap3A_923, %swap3A_924] {strides = array<i32>} : memref<64x128xf32, #tpu.memory_space<vmem>>, vector<1x16xf32>,
    %swap3A_926 = vector.shape_cast %swap3A_925 : vector<1x16xf32> to vector<16xf32>
    %swap3A_927 = vector.shape_cast %select_n3A_921 : vector<16xf32> to vector<1x16xf32>
    tpu.vector_store %arg16[%swap3A_923, %swap3A_924], %swap3A_927 {strides = array<i32>} : memref<64x128xf32, #tpu.memory_space<vmem>>, vector<1x16xf32>,
    %eq3A_928 = arith.constant 0 : i32
    %eq3A_929 = vector.broadcast %eq3A_928 : i32 to vector<16xi32>
    %eq3A_930 = arith.cmpi eq, %iota3A, %eq3A_929 : vector<16xi32>
    %slice3A_931 = vector.extract_strided_slice %get3A_792 {offsets = [9], sizes = [1], strides = [1]} : vector<16xf32> to vector<1xf32>
    %squeeze3A_932 = vector.extract %slice3A_931[0] : f32 from vector<1xf32>
    %jit3A_933 = arith.constant 0.000000e+00 : f32
    %broadcast_in_dim3A_934 = vector.broadcast %squeeze3A_932 : f32 to vector<16xf32>
    %broadcast_in_dim3A_935 = vector.broadcast %jit3A_933 : f32 to vector<16xf32>
    %select_n3A_936 = arith.select %eq3A_930, %broadcast_in_dim3A_934, %broadcast_in_dim3A_935 : vector<16xi1>, vector<16xf32>
    %swap3A_937 = arith.constant 57 : i32
    %swap3A_938 = arith.index_cast %swap3A_937 : i32 to index
    %swap3A_939 = arith.constant 0 : index
    %swap3A_940 = tpu.vector_load %arg16[%swap3A_938, %swap3A_939] {strides = array<i32>} : memref<64x128xf32, #tpu.memory_space<vmem>>, vector<1x16xf32>,
    %swap3A_941 = vector.shape_cast %swap3A_940 : vector<1x16xf32> to vector<16xf32>
    %swap3A_942 = vector.shape_cast %select_n3A_936 : vector<16xf32> to vector<1x16xf32>
    tpu.vector_store %arg16[%swap3A_938, %swap3A_939], %swap3A_942 {strides = array<i32>} : memref<64x128xf32, #tpu.memory_space<vmem>>, vector<1x16xf32>,
    %eq3A_943 = arith.constant 0 : i32
    %eq3A_944 = vector.broadcast %eq3A_943 : i32 to vector<16xi32>
    %eq3A_945 = arith.cmpi eq, %iota3A, %eq3A_944 : vector<16xi32>
    %slice3A_946 = vector.extract_strided_slice %get3A_792 {offsets = [10], sizes = [1], strides = [1]} : vector<16xf32> to vector<1xf32>
    %squeeze3A_947 = vector.extract %slice3A_946[0] : f32 from vector<1xf32>
    %jit3A_948 = arith.constant 0.000000e+00 : f32
    %broadcast_in_dim3A_949 = vector.broadcast %squeeze3A_947 : f32 to vector<16xf32>
    %broadcast_in_dim3A_950 = vector.broadcast %jit3A_948 : f32 to vector<16xf32>
    %select_n3A_951 = arith.select %eq3A_945, %broadcast_in_dim3A_949, %broadcast_in_dim3A_950 : vector<16xi1>, vector<16xf32>
    %swap3A_952 = arith.constant 58 : i32
    %swap3A_953 = arith.index_cast %swap3A_952 : i32 to index
    %swap3A_954 = arith.constant 0 : index
    %swap3A_955 = tpu.vector_load %arg16[%swap3A_953, %swap3A_954] {strides = array<i32>} : memref<64x128xf32, #tpu.memory_space<vmem>>, vector<1x16xf32>,
    %swap3A_956 = vector.shape_cast %swap3A_955 : vector<1x16xf32> to vector<16xf32>
    %swap3A_957 = vector.shape_cast %select_n3A_951 : vector<16xf32> to vector<1x16xf32>
    tpu.vector_store %arg16[%swap3A_953, %swap3A_954], %swap3A_957 {strides = array<i32>} : memref<64x128xf32, #tpu.memory_space<vmem>>, vector<1x16xf32>,
    %eq3A_958 = arith.constant 0 : i32
    %eq3A_959 = vector.broadcast %eq3A_958 : i32 to vector<16xi32>
    %eq3A_960 = arith.cmpi eq, %iota3A, %eq3A_959 : vector<16xi32>
    %slice3A_961 = vector.extract_strided_slice %get3A_792 {offsets = [11], sizes = [1], strides = [1]} : vector<16xf32> to vector<1xf32>
    %squeeze3A_962 = vector.extract %slice3A_961[0] : f32 from vector<1xf32>
    %jit3A_963 = arith.constant 0.000000e+00 : f32
    %broadcast_in_dim3A_964 = vector.broadcast %squeeze3A_962 : f32 to vector<16xf32>
    %broadcast_in_dim3A_965 = vector.broadcast %jit3A_963 : f32 to vector<16xf32>
    %select_n3A_966 = arith.select %eq3A_960, %broadcast_in_dim3A_964, %broadcast_in_dim3A_965 : vector<16xi1>, vector<16xf32>
    %swap3A_967 = arith.constant 59 : i32
    %swap3A_968 = arith.index_cast %swap3A_967 : i32 to index
    %swap3A_969 = arith.constant 0 : index
    %swap3A_970 = tpu.vector_load %arg16[%swap3A_968, %swap3A_969] {strides = array<i32>} : memref<64x128xf32, #tpu.memory_space<vmem>>, vector<1x16xf32>,
    %swap3A_971 = vector.shape_cast %swap3A_970 : vector<1x16xf32> to vector<16xf32>
    %swap3A_972 = vector.shape_cast %select_n3A_966 : vector<16xf32> to vector<1x16xf32>
    tpu.vector_store %arg16[%swap3A_968, %swap3A_969], %swap3A_972 {strides = array<i32>} : memref<64x128xf32, #tpu.memory_space<vmem>>, vector<1x16xf32>,
    %eq3A_973 = arith.constant 0 : i32
    %eq3A_974 = vector.broadcast %eq3A_973 : i32 to vector<16xi32>
    %eq3A_975 = arith.cmpi eq, %iota3A, %eq3A_974 : vector<16xi32>
    %slice3A_976 = vector.extract_strided_slice %get3A_792 {offsets = [12], sizes = [1], strides = [1]} : vector<16xf32> to vector<1xf32>
    %squeeze3A_977 = vector.extract %slice3A_976[0] : f32 from vector<1xf32>
    %jit3A_978 = arith.constant 0.000000e+00 : f32
    %broadcast_in_dim3A_979 = vector.broadcast %squeeze3A_977 : f32 to vector<16xf32>
    %broadcast_in_dim3A_980 = vector.broadcast %jit3A_978 : f32 to vector<16xf32>
    %select_n3A_981 = arith.select %eq3A_975, %broadcast_in_dim3A_979, %broadcast_in_dim3A_980 : vector<16xi1>, vector<16xf32>
    %swap3A_982 = arith.constant 60 : i32
    %swap3A_983 = arith.index_cast %swap3A_982 : i32 to index
    %swap3A_984 = arith.constant 0 : index
    %swap3A_985 = tpu.vector_load %arg16[%swap3A_983, %swap3A_984] {strides = array<i32>} : memref<64x128xf32, #tpu.memory_space<vmem>>, vector<1x16xf32>,
    %swap3A_986 = vector.shape_cast %swap3A_985 : vector<1x16xf32> to vector<16xf32>
    %swap3A_987 = vector.shape_cast %select_n3A_981 : vector<16xf32> to vector<1x16xf32>
    tpu.vector_store %arg16[%swap3A_983, %swap3A_984], %swap3A_987 {strides = array<i32>} : memref<64x128xf32, #tpu.memory_space<vmem>>, vector<1x16xf32>,
    %eq3A_988 = arith.constant 0 : i32
    %eq3A_989 = vector.broadcast %eq3A_988 : i32 to vector<16xi32>
    %eq3A_990 = arith.cmpi eq, %iota3A, %eq3A_989 : vector<16xi32>
    %slice3A_991 = vector.extract_strided_slice %get3A_792 {offsets = [13], sizes = [1], strides = [1]} : vector<16xf32> to vector<1xf32>
    %squeeze3A_992 = vector.extract %slice3A_991[0] : f32 from vector<1xf32>
    %jit3A_993 = arith.constant 0.000000e+00 : f32
    %broadcast_in_dim3A_994 = vector.broadcast %squeeze3A_992 : f32 to vector<16xf32>
    %broadcast_in_dim3A_995 = vector.broadcast %jit3A_993 : f32 to vector<16xf32>
    %select_n3A_996 = arith.select %eq3A_990, %broadcast_in_dim3A_994, %broadcast_in_dim3A_995 : vector<16xi1>, vector<16xf32>
    %swap3A_997 = arith.constant 61 : i32
    %swap3A_998 = arith.index_cast %swap3A_997 : i32 to index
    %swap3A_999 = arith.constant 0 : index
    %swap3A_1000 = tpu.vector_load %arg16[%swap3A_998, %swap3A_999] {strides = array<i32>} : memref<64x128xf32, #tpu.memory_space<vmem>>, vector<1x16xf32>,
    %swap3A_1001 = vector.shape_cast %swap3A_1000 : vector<1x16xf32> to vector<16xf32>
    %swap3A_1002 = vector.shape_cast %select_n3A_996 : vector<16xf32> to vector<1x16xf32>
    tpu.vector_store %arg16[%swap3A_998, %swap3A_999], %swap3A_1002 {strides = array<i32>} : memref<64x128xf32, #tpu.memory_space<vmem>>, vector<1x16xf32>,
    %eq3A_1003 = arith.constant 0 : i32
    %eq3A_1004 = vector.broadcast %eq3A_1003 : i32 to vector<16xi32>
    %eq3A_1005 = arith.cmpi eq, %iota3A, %eq3A_1004 : vector<16xi32>
    %slice3A_1006 = vector.extract_strided_slice %get3A_792 {offsets = [14], sizes = [1], strides = [1]} : vector<16xf32> to vector<1xf32>
    %squeeze3A_1007 = vector.extract %slice3A_1006[0] : f32 from vector<1xf32>
    %jit3A_1008 = arith.constant 0.000000e+00 : f32
    %broadcast_in_dim3A_1009 = vector.broadcast %squeeze3A_1007 : f32 to vector<16xf32>
    %broadcast_in_dim3A_1010 = vector.broadcast %jit3A_1008 : f32 to vector<16xf32>
    %select_n3A_1011 = arith.select %eq3A_1005, %broadcast_in_dim3A_1009, %broadcast_in_dim3A_1010 : vector<16xi1>, vector<16xf32>
    %swap3A_1012 = arith.constant 62 : i32
    %swap3A_1013 = arith.index_cast %swap3A_1012 : i32 to index
    %swap3A_1014 = arith.constant 0 : index
    %swap3A_1015 = tpu.vector_load %arg16[%swap3A_1013, %swap3A_1014] {strides = array<i32>} : memref<64x128xf32, #tpu.memory_space<vmem>>, vector<1x16xf32>,
    %swap3A_1016 = vector.shape_cast %swap3A_1015 : vector<1x16xf32> to vector<16xf32>
    %swap3A_1017 = vector.shape_cast %select_n3A_1011 : vector<16xf32> to vector<1x16xf32>
    tpu.vector_store %arg16[%swap3A_1013, %swap3A_1014], %swap3A_1017 {strides = array<i32>} : memref<64x128xf32, #tpu.memory_space<vmem>>, vector<1x16xf32>,
    %eq3A_1018 = arith.constant 0 : i32
    %eq3A_1019 = vector.broadcast %eq3A_1018 : i32 to vector<16xi32>
    %eq3A_1020 = arith.cmpi eq, %iota3A, %eq3A_1019 : vector<16xi32>
    %slice3A_1021 = vector.extract_strided_slice %get3A_792 {offsets = [15], sizes = [1], strides = [1]} : vector<16xf32> to vector<1xf32>
    %squeeze3A_1022 = vector.extract %slice3A_1021[0] : f32 from vector<1xf32>
    %jit3A_1023 = arith.constant 0.000000e+00 : f32
    %broadcast_in_dim3A_1024 = vector.broadcast %squeeze3A_1022 : f32 to vector<16xf32>
    %broadcast_in_dim3A_1025 = vector.broadcast %jit3A_1023 : f32 to vector<16xf32>
    %select_n3A_1026 = arith.select %eq3A_1020, %broadcast_in_dim3A_1024, %broadcast_in_dim3A_1025 : vector<16xi1>, vector<16xf32>
    %swap3A_1027 = arith.constant 63 : i32
    %swap3A_1028 = arith.index_cast %swap3A_1027 : i32 to index
    %swap3A_1029 = arith.constant 0 : index
    %swap3A_1030 = tpu.vector_load %arg16[%swap3A_1028, %swap3A_1029] {strides = array<i32>} : memref<64x128xf32, #tpu.memory_space<vmem>>, vector<1x16xf32>,
    %swap3A_1031 = vector.shape_cast %swap3A_1030 : vector<1x16xf32> to vector<16xf32>
    %swap3A_1032 = vector.shape_cast %select_n3A_1026 : vector<16xf32> to vector<1x16xf32>
    tpu.vector_store %arg16[%swap3A_1028, %swap3A_1029], %swap3A_1032 {strides = array<i32>} : memref<64x128xf32, #tpu.memory_space<vmem>>, vector<1x16xf32>,
    %run_scoped3A = arith.constant 0 : i32
    "tpu.region"() ({
      %run_scoped3A_1059 = tpu.sem_alloc : memref<!tpu.dma_semaphore, #tpu.memory_space<semaphore_mem>>
      %dma_start3A_1060 = arith.constant 0 : i32
      %dma_start3A_1061 = tpu.memref_slice %arg13[%run_scoped3A, %dma_start3A_1060] : memref<1x64xi32, #tpu.memory_space<vmem>> -> memref<1x64xi32, #tpu.memory_space<vmem>>
      %dma_start3A_1062 = tpu.memref_squeeze %dma_start3A_1061 : memref<1x64xi32, #tpu.memory_space<vmem>> -> memref<64xi32, #tpu.memory_space<vmem>>
      %dma_start3A_1063 = tpu.memref_slice %arg9[%mul3A_2] : memref<2048xi32, #tpu.memory_space<hbm>> -> memref<64xi32, #tpu.memory_space<hbm>>
      %dma_start3A_1064 = tpu.memref_slice %arg9[%mul3A_2] : memref<2048xi32, #tpu.memory_space<hbm>> -> memref<64xi32, #tpu.memory_space<hbm>>
      %dma_start3A_1065 = arith.constant 0 : i32
      %dma_start3A_1066 = tpu.memref_slice %arg13[%run_scoped3A, %dma_start3A_1065] : memref<1x64xi32, #tpu.memory_space<vmem>> -> memref<1x64xi32, #tpu.memory_space<vmem>>
      %dma_start3A_1067 = tpu.memref_squeeze %dma_start3A_1066 : memref<1x64xi32, #tpu.memory_space<vmem>> -> memref<64xi32, #tpu.memory_space<vmem>>
      tpu.enqueue_dma source(%dma_start3A_1067 : memref<64xi32, #tpu.memory_space<vmem>>) target(%dma_start3A_1064 : memref<64xi32, #tpu.memory_space<hbm>>) target_semaphore(%run_scoped3A_1059 : memref<!tpu.dma_semaphore, #tpu.memory_space<semaphore_mem>>)
      %dma_wait3A_1068 = arith.constant 0 : i32
      %dma_wait3A_1069 = tpu.memref_slice %arg13[%run_scoped3A, %dma_wait3A_1068] : memref<1x64xi32, #tpu.memory_space<vmem>> -> memref<1x64xi32, #tpu.memory_space<vmem>>
      %dma_wait3A_1070 = tpu.memref_squeeze %dma_wait3A_1069 : memref<1x64xi32, #tpu.memory_space<vmem>> -> memref<64xi32, #tpu.memory_space<vmem>>
      %dma_wait3A_1071 = tpu.memref_slice %arg9[%mul3A_2] : memref<2048xi32, #tpu.memory_space<hbm>> -> memref<64xi32, #tpu.memory_space<hbm>>
      %dma_wait3A_1072 = tpu.memref_slice %arg9[%mul3A_2] : memref<2048xi32, #tpu.memory_space<hbm>> -> memref<64xi32, #tpu.memory_space<hbm>>
      %dma_wait3A_1073 = arith.constant 0 : i32
      %dma_wait3A_1074 = tpu.memref_slice %arg13[%run_scoped3A, %dma_wait3A_1073] : memref<1x64xi32, #tpu.memory_space<vmem>> -> memref<1x64xi32, #tpu.memory_space<vmem>>
      %dma_wait3A_1075 = tpu.memref_squeeze %dma_wait3A_1074 : memref<1x64xi32, #tpu.memory_space<vmem>> -> memref<64xi32, #tpu.memory_space<vmem>>
      tpu.wait_dma2 semaphore(%run_scoped3A_1059 : memref<!tpu.dma_semaphore, #tpu.memory_space<semaphore_mem>>) src(%dma_wait3A_1075 : memref<64xi32, #tpu.memory_space<vmem>>) dst(%dma_wait3A_1072 : memref<64xi32, #tpu.memory_space<hbm>>)
      tpu.yield
    }) : () -> ()
    %dma_start3A = arith.constant 0 : i32
    %dma_start3A_1033 = arith.constant 0 : i32
    %dma_start3A_1034 = tpu.memref_slice %arg13[%dma_start3A, %dma_start3A_1033] : memref<1x64xi32, #tpu.memory_space<vmem>> -> memref<1x64xi32, #tpu.memory_space<vmem>>
    %dma_start3A_1035 = tpu.memref_squeeze %dma_start3A_1034 : memref<1x64xi32, #tpu.memory_space<vmem>> -> memref<64xi32, #tpu.memory_space<vmem>>
    %dma_start3A_1036 = arith.constant 0 : i32
    %dma_start3A_1037 = arith.constant 0 : i32
    %dma_start3A_1038 = tpu.memref_slice %arg7[%dma_start3A_1036, %dma_start3A_1037] : memref<2048x768xf32, #tpu.memory_space<hbm>> -> memref<2048x768xf32, #tpu.memory_space<hbm>>
    tpu.enqueue_indirect_dma source(%arg15 : memref<64x768xf32, #tpu.memory_space<vmem>>) target(%dma_start3A_1038 : memref<2048x768xf32, #tpu.memory_space<hbm>>) offsets(%dma_start3A_1035 : memref<64xi32, #tpu.memory_space<vmem>>) semaphore(%arg17 : memref<!tpu.dma_semaphore, #tpu.memory_space<semaphore_mem>>)
    %dma_wait3A = arith.constant 0 : i32
    %dma_wait3A_1039 = arith.constant 0 : i32
    %dma_wait3A_1040 = tpu.memref_slice %arg13[%dma_wait3A, %dma_wait3A_1039] : memref<1x64xi32, #tpu.memory_space<vmem>> -> memref<1x64xi32, #tpu.memory_space<vmem>>
    %dma_wait3A_1041 = tpu.memref_squeeze %dma_wait3A_1040 : memref<1x64xi32, #tpu.memory_space<vmem>> -> memref<64xi32, #tpu.memory_space<vmem>>
    %dma_wait3A_1042 = arith.constant 0 : i32
    %dma_wait3A_1043 = arith.constant 0 : i32
    %dma_wait3A_1044 = tpu.memref_slice %arg7[%dma_wait3A_1042, %dma_wait3A_1043] : memref<2048x768xf32, #tpu.memory_space<hbm>> -> memref<2048x768xf32, #tpu.memory_space<hbm>>
    tpu.wait_indirect_dma semaphore(%arg17 : memref<!tpu.dma_semaphore, #tpu.memory_space<semaphore_mem>>) src(%arg15 : memref<64x768xf32, #tpu.memory_space<vmem>>) dst(%dma_wait3A_1044 : memref<2048x768xf32, #tpu.memory_space<hbm>>)
    %dma_start3A_1045 = arith.constant 0 : i32
    %dma_start3A_1046 = arith.constant 0 : i32
    %dma_start3A_1047 = tpu.memref_slice %arg13[%dma_start3A_1045, %dma_start3A_1046] : memref<1x64xi32, #tpu.memory_space<vmem>> -> memref<1x64xi32, #tpu.memory_space<vmem>>
    %dma_start3A_1048 = tpu.memref_squeeze %dma_start3A_1047 : memref<1x64xi32, #tpu.memory_space<vmem>> -> memref<64xi32, #tpu.memory_space<vmem>>
    %dma_start3A_1049 = arith.constant 0 : i32
    %dma_start3A_1050 = arith.constant 0 : i32
    %dma_start3A_1051 = tpu.memref_slice %arg8[%dma_start3A_1049, %dma_start3A_1050] : memref<2048x128xf32, #tpu.memory_space<hbm>> -> memref<2048x128xf32, #tpu.memory_space<hbm>>
    tpu.enqueue_indirect_dma source(%arg16 : memref<64x128xf32, #tpu.memory_space<vmem>>) target(%dma_start3A_1051 : memref<2048x128xf32, #tpu.memory_space<hbm>>) offsets(%dma_start3A_1048 : memref<64xi32, #tpu.memory_space<vmem>>) semaphore(%arg17 : memref<!tpu.dma_semaphore, #tpu.memory_space<semaphore_mem>>)
    %dma_wait3A_1052 = arith.constant 0 : i32
    %dma_wait3A_1053 = arith.constant 0 : i32
    %dma_wait3A_1054 = tpu.memref_slice %arg13[%dma_wait3A_1052, %dma_wait3A_1053] : memref<1x64xi32, #tpu.memory_space<vmem>> -> memref<1x64xi32, #tpu.memory_space<vmem>>
    %dma_wait3A_1055 = tpu.memref_squeeze %dma_wait3A_1054 : memref<1x64xi32, #tpu.memory_space<vmem>> -> memref<64xi32, #tpu.memory_space<vmem>>
    %dma_wait3A_1056 = arith.constant 0 : i32
    %dma_wait3A_1057 = arith.constant 0 : i32
    %dma_wait3A_1058 = tpu.memref_slice %arg8[%dma_wait3A_1056, %dma_wait3A_1057] : memref<2048x128xf32, #tpu.memory_space<hbm>> -> memref<2048x128xf32, #tpu.memory_space<hbm>>
    tpu.wait_indirect_dma semaphore(%arg17 : memref<!tpu.dma_semaphore, #tpu.memory_space<semaphore_mem>>) src(%arg16 : memref<64x128xf32, #tpu.memory_space<vmem>>) dst(%dma_wait3A_1058 : memref<2048x128xf32, #tpu.memory_space<hbm>>)
    return
  }
}

#map = affine_map<(d0, d1) -> (0, 0)>
#map1 = affine_map<(d0, d1) -> (0)>
module attributes {stable_mosaic.version = 14 : i64} {
  func.func @k(%arg0: i32, %arg1: i32, %arg2: memref<2048x768xf32, #tpu.memory_space<hbm>>, %arg3: memref<2048xi32, #tpu.memory_space<hbm>>, %arg4: memref<2048x768xf32, #tpu.memory_space<hbm>>, %arg5: memref<64xi32, #tpu.memory_space<vmem>>, %arg6: memref<64x768xf32, #tpu.memory_space<vmem>>, %arg7: memref<!tpu.dma_semaphore, #tpu.memory_space<semaphore_mem>>) attributes {dimension_semantics = [#tpu.dimension_semantics<core_parallel>, #tpu.dimension_semantics<subcore_parallel>], iteration_bounds = array<i64: 2, 16>, scalar_prefetch = 0 : i64, scratch_operands = 3 : i64, tpu.core_type = #tpu.core_type<sc_vector_subcore>, window_params = [{transform_indices = #map}, {transform_indices = #map1}, {transform_indices = #map}]} {
    %mul3A = arith.constant 2 : i32
    %mul3A_0 = arith.muli %arg1, %mul3A : i32
    %add3A = arith.addi %mul3A_0, %arg0 : i32
    %mul3A_1 = arith.constant 64 : i32
    %mul3A_2 = arith.muli %add3A, %mul3A_1 : i32
    "tpu.region"() ({
      %run_scoped3A = tpu.sem_alloc : memref<!tpu.dma_semaphore, #tpu.memory_space<semaphore_mem>>
      %dma_start3A_7 = tpu.memref_slice %arg3[%mul3A_2] : memref<2048xi32, #tpu.memory_space<hbm>> -> memref<64xi32, #tpu.memory_space<hbm>>
      %dma_start3A_8 = tpu.memref_slice %arg3[%mul3A_2] : memref<2048xi32, #tpu.memory_space<hbm>> -> memref<64xi32, #tpu.memory_space<hbm>>
      tpu.enqueue_dma source(%dma_start3A_8 : memref<64xi32, #tpu.memory_space<hbm>>) target(%arg5 : memref<64xi32, #tpu.memory_space<vmem>>) target_semaphore(%run_scoped3A : memref<!tpu.dma_semaphore, #tpu.memory_space<semaphore_mem>>)
      %dma_wait3A_9 = tpu.memref_slice %arg3[%mul3A_2] : memref<2048xi32, #tpu.memory_space<hbm>> -> memref<64xi32, #tpu.memory_space<hbm>>
      %dma_wait3A_10 = tpu.memref_slice %arg3[%mul3A_2] : memref<2048xi32, #tpu.memory_space<hbm>> -> memref<64xi32, #tpu.memory_space<hbm>>
      tpu.wait_dma2 semaphore(%run_scoped3A : memref<!tpu.dma_semaphore, #tpu.memory_space<semaphore_mem>>) src(%dma_wait3A_10 : memref<64xi32, #tpu.memory_space<hbm>>) dst(%arg5 : memref<64xi32, #tpu.memory_space<vmem>>)
      tpu.yield
    }) : () -> ()
    %dma_start3A = arith.constant 0 : i32
    %dma_start3A_3 = arith.constant 0 : i32
    %dma_start3A_4 = tpu.memref_slice %arg2[%dma_start3A, %dma_start3A_3] : memref<2048x768xf32, #tpu.memory_space<hbm>> -> memref<2048x768xf32, #tpu.memory_space<hbm>>
    tpu.enqueue_indirect_dma source(%dma_start3A_4 : memref<2048x768xf32, #tpu.memory_space<hbm>>) target(%arg6 : memref<64x768xf32, #tpu.memory_space<vmem>>) offsets(%arg5 : memref<64xi32, #tpu.memory_space<vmem>>) semaphore(%arg7 : memref<!tpu.dma_semaphore, #tpu.memory_space<semaphore_mem>>)
    %dma_wait3A = arith.constant 0 : i32
    %dma_wait3A_5 = arith.constant 0 : i32
    %dma_wait3A_6 = tpu.memref_slice %arg2[%dma_wait3A, %dma_wait3A_5] : memref<2048x768xf32, #tpu.memory_space<hbm>> -> memref<2048x768xf32, #tpu.memory_space<hbm>>
    tpu.wait_indirect_dma semaphore(%arg7 : memref<!tpu.dma_semaphore, #tpu.memory_space<semaphore_mem>>) src(%dma_wait3A_6 : memref<2048x768xf32, #tpu.memory_space<hbm>>) dst(%arg6 : memref<64x768xf32, #tpu.memory_space<vmem>>)
    "tpu.region"() ({
      %run_scoped3A = tpu.sem_alloc : memref<!tpu.dma_semaphore, #tpu.memory_space<semaphore_mem>>
      %dma_start3A_7 = arith.constant 0 : i32
      %dma_start3A_8 = tpu.memref_slice %arg4[%mul3A_2, %dma_start3A_7] : memref<2048x768xf32, #tpu.memory_space<hbm>> -> memref<64x768xf32, #tpu.memory_space<hbm>>
      %dma_start3A_9 = arith.constant 0 : i32
      %dma_start3A_10 = tpu.memref_slice %arg4[%mul3A_2, %dma_start3A_9] : memref<2048x768xf32, #tpu.memory_space<hbm>> -> memref<64x768xf32, #tpu.memory_space<hbm>>
      tpu.enqueue_dma source(%arg6 : memref<64x768xf32, #tpu.memory_space<vmem>>) target(%dma_start3A_10 : memref<64x768xf32, #tpu.memory_space<hbm>>) target_semaphore(%run_scoped3A : memref<!tpu.dma_semaphore, #tpu.memory_space<semaphore_mem>>)
      %dma_wait3A_11 = arith.constant 0 : i32
      %dma_wait3A_12 = tpu.memref_slice %arg4[%mul3A_2, %dma_wait3A_11] : memref<2048x768xf32, #tpu.memory_space<hbm>> -> memref<64x768xf32, #tpu.memory_space<hbm>>
      %dma_wait3A_13 = arith.constant 0 : i32
      %dma_wait3A_14 = tpu.memref_slice %arg4[%mul3A_2, %dma_wait3A_13] : memref<2048x768xf32, #tpu.memory_space<hbm>> -> memref<64x768xf32, #tpu.memory_space<hbm>>
      tpu.wait_dma2 semaphore(%run_scoped3A : memref<!tpu.dma_semaphore, #tpu.memory_space<semaphore_mem>>) src(%arg6 : memref<64x768xf32, #tpu.memory_space<vmem>>) dst(%dma_wait3A_14 : memref<64x768xf32, #tpu.memory_space<hbm>>)
      tpu.yield
    }) : () -> ()
    return
  }
}

module attributes {stable_mosaic.version = 14 : i64} {
  func.func @_gate_body(%arg0: i32, %arg1: memref<256x768xf32, #tpu.memory_space<vmem>>, %arg2: memref<768x128xf32, #tpu.memory_space<vmem>>, %arg3: memref<1x128xf32, #tpu.memory_space<vmem>>, %arg4: memref<256x1xf32, #tpu.memory_space<vmem>>, %arg5: memref<256x1xi32, #tpu.memory_space<vmem>>, %arg6: memref<256x1xi32, #tpu.memory_space<vmem>>, %arg7: memref<1x128xi32, #tpu.memory_space<vmem>>, %arg8: memref<1x128xi32, #tpu.memory_space<vmem>>, %arg9: memref<1x128xi32, #tpu.memory_space<vmem>>, %arg10: memref<1x128xi32, #tpu.memory_space<vmem>>, %arg11: memref<1x128xi32, #tpu.memory_space<vmem>>, %arg12: memref<1x1xi32, #tpu.memory_space<vmem>>, %arg13: memref<1x1xf32, #tpu.memory_space<vmem>>, %arg14: memref<1x128xf32, #tpu.memory_space<vmem>>, %arg15: memref<1x128xf32, #tpu.memory_space<vmem>>) attributes {dimension_semantics = [#tpu.dimension_semantics<arbitrary>], iteration_bounds = array<i64: 8>, scalar_prefetch = 0 : i64, scratch_operands = 2 : i64, tpu.core_type = #tpu.core_type<tc>, window_params = [{transform_indices = @transform_0, window_bounds = array<i64: 256, 768>}, {pipeline_mode = #tpu.pipeline_mode<synchronous>, transform_indices = @transform_1, window_bounds = array<i64: 768, 128>}, {pipeline_mode = #tpu.pipeline_mode<synchronous>, transform_indices = @transform_2, window_bounds = array<i64: 1, 128>}, {transform_indices = @transform_3, window_bounds = array<i64: 256, 1>}, {transform_indices = @transform_4, window_bounds = array<i64: 256, 1>}, {transform_indices = @transform_5, window_bounds = array<i64: 256, 1>}, {pipeline_mode = #tpu.pipeline_mode<synchronous>, transform_indices = @transform_6, window_bounds = array<i64: 1, 128>}, {pipeline_mode = #tpu.pipeline_mode<synchronous>, transform_indices = @transform_7, window_bounds = array<i64: 1, 128>}, {pipeline_mode = #tpu.pipeline_mode<synchronous>, transform_indices = @transform_8, window_bounds = array<i64: 1, 128>}, {pipeline_mode = #tpu.pipeline_mode<synchronous>, transform_indices = @transform_9, window_bounds = array<i64: 1, 128>}, {pipeline_mode = #tpu.pipeline_mode<synchronous>, transform_indices = @transform_10, window_bounds = array<i64: 1, 128>}, {pipeline_mode = #tpu.pipeline_mode<synchronous>, transform_indices = @transform_11, window_bounds = array<i64: 1, 1>}, {pipeline_mode = #tpu.pipeline_mode<synchronous>, transform_indices = @transform_12, window_bounds = array<i64: 1, 1>}]} {
    %get3A = arith.constant 0 : index
    %get3A_0 = arith.constant 0 : index
    %get3A_1 = vector.load %arg1[%get3A, %get3A_0] : memref<256x768xf32, #tpu.memory_space<vmem>>, vector<256x768xf32>
    %get3A_2 = arith.constant 0 : index
    %get3A_3 = arith.constant 0 : index
    %get3A_4 = vector.load %arg2[%get3A_2, %get3A_3] : memref<768x128xf32, #tpu.memory_space<vmem>>, vector<768x128xf32>
    %dot_general3A = arith.constant dense<0.000000e+00> : vector<256x128xf32>
    %dot_general3A_5 = tpu.matmul %get3A_1, %get3A_4, %dot_general3A {dimension_numbers = #tpu.dot_dimension_numbers<[1], [0], [0], [1], [0, 0, 1, 1], [], []>, transpose_lhs_hint = false} : vector<256x768xf32>, vector<768x128xf32>, vector<256x128xf32> -> vector<256x128xf32>
    %get3A_6 = arith.constant 0 : index
    %get3A_7 = arith.constant 0 : index
    %get3A_8 = vector.load %arg3[%get3A_6, %get3A_7] : memref<1x128xf32, #tpu.memory_space<vmem>>, vector<1x128xf32>
    %add3A = vector.broadcast %get3A_8 : vector<1x128xf32> to vector<256x128xf32>
    %add3A_9 = arith.addf %dot_general3A_5, %add3A : vector<256x128xf32>
    %iota3A = tpu.iota {dimensions = array<i32: 1>} : vector<256x128xi32>
    %lt3A = arith.constant 8 : i32
    %lt3A_10 = vector.broadcast %lt3A : i32 to vector<256x128xi32>
    %lt3A_11 = arith.cmpi slt, %iota3A, %lt3A_10 : vector<256x128xi32>
    %jit3A = arith.constant -1.000000e+30 : f32
    %broadcast_in_dim3A = vector.broadcast %jit3A : f32 to vector<256x128xf32>
    %select_n3A = arith.select %lt3A_11, %add3A_9, %broadcast_in_dim3A : vector<256x128xi1>, vector<256x128xf32>
    %reduce_max3A = arith.constant dense<0xFF800000> : vector<256xf32>
    %reduce_max3A_12 = vector.multi_reduction <maximumf>, %select_n3A, %reduce_max3A [1] : vector<256x128xf32> to vector<256xf32>
    %broadcast_in_dim3A_13 = vector.shape_cast %reduce_max3A_12 : vector<256xf32> to vector<256x1xf32>
    %eq3A = vector.broadcast %broadcast_in_dim3A_13 : vector<256x1xf32> to vector<256x128xf32>
    %eq3A_14 = arith.cmpf oeq, %select_n3A, %eq3A : vector<256x128xf32>
    %jit3A_15 = arith.constant 128 : i32
    %broadcast_in_dim3A_16 = vector.broadcast %jit3A_15 : i32 to vector<256x128xi32>
    %select_n3A_17 = arith.select %eq3A_14, %iota3A, %broadcast_in_dim3A_16 : vector<256x128xi1>, vector<256x128xi32>
    %reduce_min3A = arith.constant dense<2147483647> : vector<256xi32>
    %reduce_min3A_18 = vector.multi_reduction <minsi>, %select_n3A_17, %reduce_min3A [1] : vector<256x128xi32> to vector<256xi32>
    %broadcast_in_dim3A_19 = vector.shape_cast %reduce_min3A_18 : vector<256xi32> to vector<256x1xi32>
    %eq3A_20 = vector.broadcast %broadcast_in_dim3A_19 : vector<256x1xi32> to vector<256x128xi32>
    %eq3A_21 = arith.cmpi eq, %eq3A_20, %iota3A : vector<256x128xi32>
    %convert_element_type3A = arith.extui %eq3A_21 : vector<256x128xi1> to vector<256x128xi32>
    %convert_element_type3A_22 = arith.sitofp %convert_element_type3A : vector<256x128xi32> to vector<256x128xf32>
    %sub3A = vector.broadcast %broadcast_in_dim3A_13 : vector<256x1xf32> to vector<256x128xf32>
    %sub3A_23 = arith.subf %select_n3A, %sub3A : vector<256x128xf32>
    %exp3A = math.exp %sub3A_23 : vector<256x128xf32>
    %jit3A_24 = arith.constant 0.000000e+00 : f32
    %broadcast_in_dim3A_25 = vector.broadcast %jit3A_24 : f32 to vector<256x128xf32>
    %select_n3A_26 = arith.select %lt3A_11, %exp3A, %broadcast_in_dim3A_25 : vector<256x128xi1>, vector<256x128xf32>
    %reduce_sum3A = arith.constant dense<0.000000e+00> : vector<256xf32>
    %reduce_sum3A_27 = vector.multi_reduction <add>, %select_n3A_26, %reduce_sum3A [1] : vector<256x128xf32> to vector<256xf32>
    %broadcast_in_dim3A_28 = vector.shape_cast %reduce_sum3A_27 : vector<256xf32> to vector<256x1xf32>
    %div3A = vector.broadcast %broadcast_in_dim3A_28 : vector<256x1xf32> to vector<256x128xf32>
    %div3A_29 = arith.divf %select_n3A_26, %div3A : vector<256x128xf32>
    %mul3A = arith.mulf %div3A_29, %convert_element_type3A_22 : vector<256x128xf32>
    %reduce_sum3A_30 = arith.constant dense<0.000000e+00> : vector<256xf32>
    %reduce_sum3A_31 = vector.multi_reduction <add>, %mul3A, %reduce_sum3A_30 [1] : vector<256x128xf32> to vector<256xf32>
    %broadcast_in_dim3A_32 = vector.shape_cast %reduce_sum3A_31 : vector<256xf32> to vector<256x1xf32>
    %swap3A = arith.constant 0 : index
    %swap3A_33 = arith.constant 0 : index
    %swap3A_34 = vector.load %arg4[%swap3A, %swap3A_33] : memref<256x1xf32, #tpu.memory_space<vmem>>, vector<256x1xf32>
    tpu.vector_store %arg4[%swap3A, %swap3A_33], %broadcast_in_dim3A_32 {strides = array<i32>} : memref<256x1xf32, #tpu.memory_space<vmem>>, vector<256x1xf32>,
    %swap3A_35 = arith.constant 0 : index
    %swap3A_36 = arith.constant 0 : index
    %swap3A_37 = vector.load %arg5[%swap3A_35, %swap3A_36] : memref<256x1xi32, #tpu.memory_space<vmem>>, vector<256x1xi32>
    tpu.vector_store %arg5[%swap3A_35, %swap3A_36], %broadcast_in_dim3A_19 {strides = array<i32>} : memref<256x1xi32, #tpu.memory_space<vmem>>, vector<256x1xi32>,
    %eq3A_38 = arith.constant 0 : i32
    %eq3A_39 = arith.cmpi eq, %arg0, %eq3A_38 : i32
    %convert_element_type3A_40 = arith.extui %eq3A_39 : i1 to i32
    %cond3A = arith.constant 0 : i32
    %cond3A_41 = arith.cmpi ne, %convert_element_type3A_40, %cond3A : i32
    scf.if %cond3A_41 {
      %broadcast_in_dim3A_91 = arith.constant 0.000000e+00 : f32
      %broadcast_in_dim3A_92 = vector.broadcast %broadcast_in_dim3A_91 : f32 to vector<1x128xf32>
      %swap3A_93 = arith.constant 0 : index
      %swap3A_94 = arith.constant 0 : index
      %swap3A_95 = vector.load %arg14[%swap3A_93, %swap3A_94] : memref<1x128xf32, #tpu.memory_space<vmem>>, vector<1x128xf32>
      tpu.vector_store %arg14[%swap3A_93, %swap3A_94], %broadcast_in_dim3A_92 {strides = array<i32>} : memref<1x128xf32, #tpu.memory_space<vmem>>, vector<1x128xf32>,
      %broadcast_in_dim3A_96 = arith.constant 0.000000e+00 : f32
      %broadcast_in_dim3A_97 = vector.broadcast %broadcast_in_dim3A_96 : f32 to vector<1x128xf32>
      %swap3A_98 = arith.constant 0 : index
      %swap3A_99 = arith.constant 0 : index
      %swap3A_100 = vector.load %arg15[%swap3A_98, %swap3A_99] : memref<1x128xf32, #tpu.memory_space<vmem>>, vector<1x128xf32>
      tpu.vector_store %arg15[%swap3A_98, %swap3A_99], %broadcast_in_dim3A_97 {strides = array<i32>} : memref<1x128xf32, #tpu.memory_space<vmem>>, vector<1x128xf32>,
    } else {
    }
    %get3A_42 = arith.constant 0 : index
    %get3A_43 = arith.constant 0 : index
    %get3A_44 = vector.load %arg14[%get3A_42, %get3A_43] : memref<1x128xf32, #tpu.memory_space<vmem>>, vector<1x128xf32>
    %reduce_sum3A_45 = arith.constant dense<0.000000e+00> : vector<128xf32>
    %reduce_sum3A_46 = vector.multi_reduction <add>, %div3A_29, %reduce_sum3A_45 [0] : vector<256x128xf32> to vector<128xf32>
    %broadcast_in_dim3A_47 = vector.shape_cast %reduce_sum3A_46 : vector<128xf32> to vector<1x128xf32>
    %add3A_48 = arith.addf %get3A_44, %broadcast_in_dim3A_47 : vector<1x128xf32>
    %swap3A_49 = arith.constant 0 : index
    %swap3A_50 = arith.constant 0 : index
    %swap3A_51 = vector.load %arg14[%swap3A_49, %swap3A_50] : memref<1x128xf32, #tpu.memory_space<vmem>>, vector<1x128xf32>
    tpu.vector_store %arg14[%swap3A_49, %swap3A_50], %add3A_48 {strides = array<i32>} : memref<1x128xf32, #tpu.memory_space<vmem>>, vector<1x128xf32>,
    %iota3A_52 = tpu.iota {dimensions = array<i32: 0>} : vector<256x256xi32>
    %iota3A_53 = tpu.iota {dimensions = array<i32: 1>} : vector<256x256xi32>
    %lt3A_54 = arith.cmpi slt, %iota3A_53, %iota3A_52 : vector<256x256xi32>
    %convert_element_type3A_55 = arith.extui %lt3A_54 : vector<256x256xi1> to vector<256x256xi32>
    %convert_element_type3A_56 = arith.sitofp %convert_element_type3A_55 : vector<256x256xi32> to vector<256x256xf32>
    %dot_general3A_57 = arith.constant dense<0.000000e+00> : vector<256x128xf32>
    %dot_general3A_58 = tpu.matmul %convert_element_type3A_56, %convert_element_type3A_22, %dot_general3A_57 {dimension_numbers = #tpu.dot_dimension_numbers<[1], [0], [0], [1], [0, 0, 1, 1], [], []>, transpose_lhs_hint = false} : vector<256x256xf32>, vector<256x128xf32>, vector<256x128xf32> -> vector<256x128xf32>
    %mul3A_59 = arith.mulf %dot_general3A_58, %convert_element_type3A_22 : vector<256x128xf32>
    %reduce_sum3A_60 = arith.constant dense<0.000000e+00> : vector<256xf32>
    %reduce_sum3A_61 = vector.multi_reduction <add>, %mul3A_59, %reduce_sum3A_60 [1] : vector<256x128xf32> to vector<256xf32>
    %broadcast_in_dim3A_62 = vector.shape_cast %reduce_sum3A_61 : vector<256xf32> to vector<256x1xf32>
    %get3A_63 = arith.constant 0 : index
    %get3A_64 = arith.constant 0 : index
    %get3A_65 = vector.load %arg15[%get3A_63, %get3A_64] : memref<1x128xf32, #tpu.memory_space<vmem>>, vector<1x128xf32>
    %mul3A_66 = vector.broadcast %get3A_65 : vector<1x128xf32> to vector<256x128xf32>
    %mul3A_67 = arith.mulf %mul3A_66, %convert_element_type3A_22 : vector<256x128xf32>
    %reduce_sum3A_68 = arith.constant dense<0.000000e+00> : vector<256xf32>
    %reduce_sum3A_69 = vector.multi_reduction <add>, %mul3A_67, %reduce_sum3A_68 [1] : vector<256x128xf32> to vector<256xf32>
    %broadcast_in_dim3A_70 = vector.shape_cast %reduce_sum3A_69 : vector<256xf32> to vector<256x1xf32>
    %add3A_71 = arith.addf %broadcast_in_dim3A_62, %broadcast_in_dim3A_70 : vector<256x1xf32>
    %convert_element_type3A_72 = arith.fptosi %add3A_71 : vector<256x1xf32> to vector<256x1xi32>
    %swap3A_73 = arith.constant 0 : index
    %swap3A_74 = arith.constant 0 : index
    %swap3A_75 = vector.load %arg6[%swap3A_73, %swap3A_74] : memref<256x1xi32, #tpu.memory_space<vmem>>, vector<256x1xi32>
    tpu.vector_store %arg6[%swap3A_73, %swap3A_74], %convert_element_type3A_72 {strides = array<i32>} : memref<256x1xi32, #tpu.memory_space<vmem>>, vector<256x1xi32>,
    %get3A_76 = arith.constant 0 : index
    %get3A_77 = arith.constant 0 : index
    %get3A_78 = vector.load %arg15[%get3A_76, %get3A_77] : memref<1x128xf32, #tpu.memory_space<vmem>>, vector<1x128xf32>
    %reduce_sum3A_79 = arith.constant dense<0.000000e+00> : vector<128xf32>
    %reduce_sum3A_80 = vector.multi_reduction <add>, %convert_element_type3A_22, %reduce_sum3A_79 [0] : vector<256x128xf32> to vector<128xf32>
    %broadcast_in_dim3A_81 = vector.shape_cast %reduce_sum3A_80 : vector<128xf32> to vector<1x128xf32>
    %add3A_82 = arith.addf %get3A_78, %broadcast_in_dim3A_81 : vector<1x128xf32>
    %swap3A_83 = arith.constant 0 : index
    %swap3A_84 = arith.constant 0 : index
    %swap3A_85 = vector.load %arg15[%swap3A_83, %swap3A_84] : memref<1x128xf32, #tpu.memory_space<vmem>>, vector<1x128xf32>
    tpu.vector_store %arg15[%swap3A_83, %swap3A_84], %add3A_82 {strides = array<i32>} : memref<1x128xf32, #tpu.memory_space<vmem>>, vector<1x128xf32>,
    %eq3A_86 = arith.constant 7 : i32
    %eq3A_87 = arith.cmpi eq, %arg0, %eq3A_86 : i32
    %convert_element_type3A_88 = arith.extui %eq3A_87 : i1 to i32
    %cond3A_89 = arith.constant 0 : i32
    %cond3A_90 = arith.cmpi ne, %convert_element_type3A_88, %cond3A_89 : i32
    scf.if %cond3A_90 {
      %iota3A_91 = tpu.iota {dimensions = array<i32: 1>} : vector<1x128xi32>
      %iota3A_92 = tpu.iota {dimensions = array<i32: 0>} : vector<128x128xi32>
      %iota3A_93 = tpu.iota {dimensions = array<i32: 1>} : vector<128x128xi32>
      %get3A_94 = arith.constant 0 : index
      %get3A_95 = arith.constant 0 : index
      %get3A_96 = vector.load %arg15[%get3A_94, %get3A_95] : memref<1x128xf32, #tpu.memory_space<vmem>>, vector<1x128xf32>
      %lt3A_97 = arith.cmpi slt, %iota3A_92, %iota3A_93 : vector<128x128xi32>
      %convert_element_type3A_98 = arith.extui %lt3A_97 : vector<128x128xi1> to vector<128x128xi32>
      %convert_element_type3A_99 = arith.sitofp %convert_element_type3A_98 : vector<128x128xi32> to vector<128x128xf32>
      %dot_general3A_100 = arith.constant dense<0.000000e+00> : vector<1x128xf32>
      %dot_general3A_101 = tpu.matmul %get3A_96, %convert_element_type3A_99, %dot_general3A_100 {dimension_numbers = #tpu.dot_dimension_numbers<[1], [0], [0], [1], [0, 0, 1, 1], [], []>, precision = #tpu.contract_precision<fp32>, transpose_lhs_hint = false} : vector<1x128xf32>, vector<128x128xf32>, vector<1x128xf32> -> vector<1x128xf32>
      %convert_element_type3A_102 = arith.fptosi %dot_general3A_101 : vector<1x128xf32> to vector<1x128xi32>
      %swap3A_103 = arith.constant 0 : index
      %swap3A_104 = arith.constant 0 : index
      %swap3A_105 = vector.load %arg7[%swap3A_103, %swap3A_104] : memref<1x128xi32, #tpu.memory_space<vmem>>, vector<1x128xi32>
      tpu.vector_store %arg7[%swap3A_103, %swap3A_104], %convert_element_type3A_102 {strides = array<i32>} : memref<1x128xi32, #tpu.memory_space<vmem>>, vector<1x128xi32>,
      %jit3A_106 = arith.constant 8 : i32
      %div3A_107 = vector.broadcast %jit3A_106 : i32 to vector<1x128xi32>
      %div3A_108 = arith.divsi %iota3A_91, %div3A_107 : vector<1x128xi32>
      %sign3A = arith.constant 0 : i32
      %sign3A_109 = vector.broadcast %sign3A : i32 to vector<1x128xi32>
      %sign3A_110 = arith.cmpi sgt, %iota3A_91, %sign3A_109 : vector<1x128xi32>
      %sign3A_111 = arith.extui %sign3A_110 : vector<1x128xi1> to vector<1x128xi32>
      %sign3A_112 = arith.constant 0 : i32
      %sign3A_113 = vector.broadcast %sign3A_112 : i32 to vector<1x128xi32>
      %sign3A_114 = arith.cmpi slt, %iota3A_91, %sign3A_113 : vector<1x128xi32>
      %sign3A_115 = arith.extui %sign3A_114 : vector<1x128xi1> to vector<1x128xi32>
      %sign3A_116 = arith.subi %sign3A_111, %sign3A_115 : vector<1x128xi32>
      %sign3A_117 = arith.constant 0 : i32
      %sign3A_118 = arith.cmpi sgt, %jit3A_106, %sign3A_117 : i32
      %sign3A_119 = arith.extui %sign3A_118 : i1 to i32
      %sign3A_120 = arith.constant 0 : i32
      %sign3A_121 = arith.cmpi slt, %jit3A_106, %sign3A_120 : i32
      %sign3A_122 = arith.extui %sign3A_121 : i1 to i32
      %sign3A_123 = arith.subi %sign3A_119, %sign3A_122 : i32
      %ne3A = vector.broadcast %sign3A_123 : i32 to vector<1x128xi32>
      %ne3A_124 = arith.cmpi ne, %sign3A_116, %ne3A : vector<1x128xi32>
      %rem3A = vector.broadcast %jit3A_106 : i32 to vector<1x128xi32>
      %rem3A_125 = arith.remsi %iota3A_91, %rem3A : vector<1x128xi32>
      %ne3A_126 = arith.constant 0 : i32
      %ne3A_127 = vector.broadcast %ne3A_126 : i32 to vector<1x128xi32>
      %ne3A_128 = arith.cmpi ne, %rem3A_125, %ne3A_127 : vector<1x128xi32>
      %and3A = arith.andi %ne3A_124, %ne3A_128 : vector<1x128xi1>
      %sub3A_129 = arith.constant 1 : i32
      %sub3A_130 = vector.broadcast %sub3A_129 : i32 to vector<1x128xi32>
      %sub3A_131 = arith.subi %div3A_108, %sub3A_130 : vector<1x128xi32>
      %select_n3A_132 = arith.select %and3A, %sub3A_131, %div3A_108 : vector<1x128xi1>, vector<1x128xi32>
      %jit3A_133 = arith.constant 8 : i32
      %eq3A_134 = arith.constant 0 : i32
      %eq3A_135 = arith.cmpi eq, %jit3A_133, %eq3A_134 : i32
      %jit3A_136 = arith.constant 1 : i32
      %select_n3A_137 = arith.select %eq3A_135, %jit3A_136, %jit3A_133 : i32
      %rem3A_138 = vector.broadcast %select_n3A_137 : i32 to vector<1x128xi32>
      %rem3A_139 = arith.remsi %iota3A_91, %rem3A_138 : vector<1x128xi32>
      %ne3A_140 = arith.constant 0 : i32
      %ne3A_141 = vector.broadcast %ne3A_140 : i32 to vector<1x128xi32>
      %ne3A_142 = arith.cmpi ne, %rem3A_139, %ne3A_141 : vector<1x128xi32>
      %lt3A_143 = arith.constant 0 : i32
      %lt3A_144 = vector.broadcast %lt3A_143 : i32 to vector<1x128xi32>
      %lt3A_145 = arith.cmpi slt, %rem3A_139, %lt3A_144 : vector<1x128xi32>
      %lt3A_146 = arith.constant 0 : i32
      %lt3A_147 = arith.cmpi slt, %select_n3A_137, %lt3A_146 : i32
      %ne3A_148 = vector.broadcast %lt3A_147 : i1 to vector<1x128xi1>
      %ne3A_149 = vector.broadcast %ne3A_148 : vector<1x128xi1> to vector<1x128xi1>
      %ne3A_150 = arith.xori %lt3A_145, %ne3A_149 : vector<1x128xi1>
      %and3A_151 = arith.andi %ne3A_150, %ne3A_142 : vector<1x128xi1>
      %add3A_152 = vector.broadcast %select_n3A_137 : i32 to vector<1x128xi32>
      %add3A_153 = arith.addi %rem3A_139, %add3A_152 : vector<1x128xi32>
      %select_n3A_154 = arith.select %and3A_151, %add3A_153, %rem3A_139 : vector<1x128xi1>, vector<1x128xi32>
      %jit3A_155 = arith.constant 8 : i32
      %eq3A_156 = arith.constant 0 : i32
      %eq3A_157 = arith.cmpi eq, %jit3A_155, %eq3A_156 : i32
      %jit3A_158 = arith.constant 1 : i32
      %select_n3A_159 = arith.select %eq3A_157, %jit3A_158, %jit3A_155 : i32
      %rem3A_160 = vector.broadcast %select_n3A_159 : i32 to vector<128x128xi32>
      %rem3A_161 = arith.remsi %iota3A_93, %rem3A_160 : vector<128x128xi32>
      %ne3A_162 = arith.constant 0 : i32
      %ne3A_163 = vector.broadcast %ne3A_162 : i32 to vector<128x128xi32>
      %ne3A_164 = arith.cmpi ne, %rem3A_161, %ne3A_163 : vector<128x128xi32>
      %lt3A_165 = arith.constant 0 : i32
      %lt3A_166 = vector.broadcast %lt3A_165 : i32 to vector<128x128xi32>
      %lt3A_167 = arith.cmpi slt, %rem3A_161, %lt3A_166 : vector<128x128xi32>
      %lt3A_168 = arith.constant 0 : i32
      %lt3A_169 = arith.cmpi slt, %select_n3A_159, %lt3A_168 : i32
      %ne3A_170 = vector.broadcast %lt3A_169 : i1 to vector<128x128xi1>
      %ne3A_171 = vector.broadcast %ne3A_170 : vector<128x128xi1> to vector<128x128xi1>
      %ne3A_172 = arith.xori %lt3A_167, %ne3A_171 : vector<128x128xi1>
      %and3A_173 = arith.andi %ne3A_172, %ne3A_164 : vector<128x128xi1>
      %add3A_174 = vector.broadcast %select_n3A_159 : i32 to vector<128x128xi32>
      %add3A_175 = arith.addi %rem3A_161, %add3A_174 : vector<128x128xi32>
      %select_n3A_176 = arith.select %and3A_173, %add3A_175, %rem3A_161 : vector<128x128xi1>, vector<128x128xi32>
      %eq3A_177 = arith.cmpi eq, %iota3A_92, %select_n3A_176 : vector<128x128xi32>
      %convert_element_type3A_178 = arith.extui %eq3A_177 : vector<128x128xi1> to vector<128x128xi32>
      %convert_element_type3A_179 = arith.sitofp %convert_element_type3A_178 : vector<128x128xi32> to vector<128x128xf32>
      %jit3A_180 = arith.constant 8 : i32
      %eq3A_181 = arith.constant 0 : i32
      %eq3A_182 = arith.cmpi eq, %jit3A_180, %eq3A_181 : i32
      %jit3A_183 = arith.constant 1 : i32
      %select_n3A_184 = arith.select %eq3A_182, %jit3A_183, %jit3A_180 : i32
      %rem3A_185 = vector.broadcast %select_n3A_184 : i32 to vector<128x128xi32>
      %rem3A_186 = arith.remsi %iota3A_93, %rem3A_185 : vector<128x128xi32>
      %ne3A_187 = arith.constant 0 : i32
      %ne3A_188 = vector.broadcast %ne3A_187 : i32 to vector<128x128xi32>
      %ne3A_189 = arith.cmpi ne, %rem3A_186, %ne3A_188 : vector<128x128xi32>
      %lt3A_190 = arith.constant 0 : i32
      %lt3A_191 = vector.broadcast %lt3A_190 : i32 to vector<128x128xi32>
      %lt3A_192 = arith.cmpi slt, %rem3A_186, %lt3A_191 : vector<128x128xi32>
      %lt3A_193 = arith.constant 0 : i32
      %lt3A_194 = arith.cmpi slt, %select_n3A_184, %lt3A_193 : i32
      %ne3A_195 = vector.broadcast %lt3A_194 : i1 to vector<128x128xi1>
      %ne3A_196 = vector.broadcast %ne3A_195 : vector<128x128xi1> to vector<128x128xi1>
      %ne3A_197 = arith.xori %lt3A_192, %ne3A_196 : vector<128x128xi1>
      %and3A_198 = arith.andi %ne3A_197, %ne3A_189 : vector<128x128xi1>
      %add3A_199 = vector.broadcast %select_n3A_184 : i32 to vector<128x128xi32>
      %add3A_200 = arith.addi %rem3A_186, %add3A_199 : vector<128x128xi32>
      %select_n3A_201 = arith.select %and3A_198, %add3A_200, %rem3A_186 : vector<128x128xi1>, vector<128x128xi32>
      %add3A_202 = arith.constant 1 : i32
      %add3A_203 = vector.broadcast %add3A_202 : i32 to vector<128x128xi32>
      %add3A_204 = arith.addi %select_n3A_201, %add3A_203 : vector<128x128xi32>
      %eq3A_205 = arith.cmpi eq, %iota3A_92, %add3A_204 : vector<128x128xi32>
      %convert_element_type3A_206 = arith.extui %eq3A_205 : vector<128x128xi1> to vector<128x128xi32>
      %convert_element_type3A_207 = arith.sitofp %convert_element_type3A_206 : vector<128x128xi32> to vector<128x128xf32>
      %dot_general3A_208 = arith.constant dense<0.000000e+00> : vector<1x128xf32>
      %dot_general3A_209 = tpu.matmul %dot_general3A_101, %convert_element_type3A_179, %dot_general3A_208 {dimension_numbers = #tpu.dot_dimension_numbers<[1], [0], [0], [1], [0, 0, 1, 1], [], []>, precision = #tpu.contract_precision<fp32>, transpose_lhs_hint = false} : vector<1x128xf32>, vector<128x128xf32>, vector<1x128xf32> -> vector<1x128xf32>
      %dot_general3A_210 = arith.constant dense<0.000000e+00> : vector<1x128xf32>
      %dot_general3A_211 = tpu.matmul %dot_general3A_101, %convert_element_type3A_207, %dot_general3A_210 {dimension_numbers = #tpu.dot_dimension_numbers<[1], [0], [0], [1], [0, 0, 1, 1], [], []>, precision = #tpu.contract_precision<fp32>, transpose_lhs_hint = false} : vector<1x128xf32>, vector<128x128xf32>, vector<1x128xf32> -> vector<1x128xf32>
      %convert_element_type3A_212 = arith.sitofp %select_n3A_132 : vector<1x128xi32> to vector<1x128xf32>
      %add3A_213 = arith.constant 1.000000e+00 : f32
      %add3A_214 = vector.broadcast %add3A_213 : f32 to vector<1x128xf32>
      %add3A_215 = arith.addf %convert_element_type3A_212, %add3A_214 : vector<1x128xf32>
      %mul3A_216 = arith.constant 1.280000e+02 : f32
      %mul3A_217 = vector.broadcast %mul3A_216 : f32 to vector<1x128xf32>
      %mul3A_218 = arith.mulf %add3A_215, %mul3A_217 : vector<1x128xf32>
      %lt3A_219 = arith.cmpf olt, %dot_general3A_209, %mul3A_218 : vector<1x128xf32>
      %mul3A_220 = arith.constant 1.280000e+02 : f32
      %mul3A_221 = vector.broadcast %mul3A_220 : f32 to vector<1x128xf32>
      %mul3A_222 = arith.mulf %convert_element_type3A_212, %mul3A_221 : vector<1x128xf32>
      %gt3A = arith.cmpf ogt, %dot_general3A_211, %mul3A_222 : vector<1x128xf32>
      %and3A_223 = arith.andi %lt3A_219, %gt3A : vector<1x128xi1>
      %gt3A_224 = arith.cmpf ogt, %dot_general3A_211, %dot_general3A_209 : vector<1x128xf32>
      %and3A_225 = arith.andi %and3A_223, %gt3A_224 : vector<1x128xi1>
      %convert_element_type3A_226 = arith.extui %and3A_225 : vector<1x128xi1> to vector<1x128xi32>
      %convert_element_type3A_227 = arith.sitofp %convert_element_type3A_226 : vector<1x128xi32> to vector<1x128xf32>
      %dot_general3A_228 = arith.constant dense<0.000000e+00> : vector<1x128xf32>
      %dot_general3A_229 = tpu.matmul %convert_element_type3A_227, %convert_element_type3A_99, %dot_general3A_228 {dimension_numbers = #tpu.dot_dimension_numbers<[1], [0], [0], [1], [0, 0, 1, 1], [], []>, precision = #tpu.contract_precision<fp32>, transpose_lhs_hint = false} : vector<1x128xf32>, vector<128x128xf32>, vector<1x128xf32> -> vector<1x128xf32>
      %reduce_sum3A_230 = vector.shape_cast %convert_element_type3A_227 : vector<1x128xf32> to vector<1x1x128xf32>
      %reduce_sum3A_231 = arith.constant dense<0.000000e+00> : vector<1xf32>
      %reduce_sum3A_232 = vector.multi_reduction <add>, %reduce_sum3A_230, %reduce_sum3A_231 [1, 2] : vector<1x1x128xf32> to vector<1xf32>
      %reduce_sum3A_233 = vector.shape_cast %reduce_sum3A_232 : vector<1xf32> to vector<1x1x1xf32>
      %reduce_sum3A_234 = vector.extract %reduce_sum3A_233[0, 0, 0] : f32 from vector<1x1x1xf32>
      %broadcast_in_dim3A_235 = vector.shape_cast %dot_general3A_229 : vector<1x128xf32> to vector<1x128xf32>
      %broadcast_in_dim3A_236 = vector.broadcast %broadcast_in_dim3A_235 : vector<1x128xf32> to vector<128x128xf32>
      %eq3A_237 = arith.cmpi eq, %iota3A_92, %iota3A_93 : vector<128x128xi32>
      %convert_element_type3A_238 = arith.extui %eq3A_237 : vector<128x128xi1> to vector<128x128xi32>
      %convert_element_type3A_239 = arith.sitofp %convert_element_type3A_238 : vector<128x128xi32> to vector<128x128xf32>
      %mul3A_240 = arith.mulf %broadcast_in_dim3A_236, %convert_element_type3A_239 : vector<128x128xf32>
      %broadcast_in_dim3A_241 = arith.constant 1.000000e+00 : f32
      %broadcast_in_dim3A_242 = vector.broadcast %broadcast_in_dim3A_241 : f32 to vector<128x1xf32>
      %dot_general3A_243 = arith.constant dense<0.000000e+00> : vector<128x1xf32>
      %dot_general3A_244 = tpu.matmul %mul3A_240, %broadcast_in_dim3A_242, %dot_general3A_243 {dimension_numbers = #tpu.dot_dimension_numbers<[1], [0], [0], [1], [0, 0, 1, 1], [], []>, precision = #tpu.contract_precision<fp32>, transpose_lhs_hint = false} : vector<128x128xf32>, vector<128x1xf32>, vector<128x1xf32> -> vector<128x1xf32>
      %broadcast_in_dim3A_245 = vector.shape_cast %convert_element_type3A_227 : vector<1x128xf32> to vector<1x128xf32>
      %broadcast_in_dim3A_246 = vector.broadcast %broadcast_in_dim3A_245 : vector<1x128xf32> to vector<128x128xf32>
      %eq3A_247 = arith.cmpi eq, %iota3A_92, %iota3A_93 : vector<128x128xi32>
      %convert_element_type3A_248 = arith.extui %eq3A_247 : vector<128x128xi1> to vector<128x128xi32>
      %convert_element_type3A_249 = arith.sitofp %convert_element_type3A_248 : vector<128x128xi32> to vector<128x128xf32>
      %mul3A_250 = arith.mulf %broadcast_in_dim3A_246, %convert_element_type3A_249 : vector<128x128xf32>
      %broadcast_in_dim3A_251 = arith.constant 1.000000e+00 : f32
      %broadcast_in_dim3A_252 = vector.broadcast %broadcast_in_dim3A_251 : f32 to vector<128x1xf32>
      %dot_general3A_253 = arith.constant dense<0.000000e+00> : vector<128x1xf32>
      %dot_general3A_254 = tpu.matmul %mul3A_250, %broadcast_in_dim3A_252, %dot_general3A_253 {dimension_numbers = #tpu.dot_dimension_numbers<[1], [0], [0], [1], [0, 0, 1, 1], [], []>, precision = #tpu.contract_precision<fp32>, transpose_lhs_hint = false} : vector<128x128xf32>, vector<128x1xf32>, vector<128x1xf32> -> vector<128x1xf32>
      %convert_element_type3A_255 = arith.sitofp %iota3A_93 : vector<128x128xi32> to vector<128x128xf32>
      %eq3A_256 = vector.broadcast %dot_general3A_244 : vector<128x1xf32> to vector<128x128xf32>
      %eq3A_257 = arith.cmpf oeq, %eq3A_256, %convert_element_type3A_255 : vector<128x128xf32>
      %gt3A_258 = arith.constant 5.000000e-01 : f32
      %gt3A_259 = vector.broadcast %gt3A_258 : f32 to vector<128x1xf32>
      %gt3A_260 = arith.cmpf ogt, %dot_general3A_254, %gt3A_259 : vector<128x1xf32>
      %and3A_261 = vector.broadcast %gt3A_260 : vector<128x1xi1> to vector<128x128xi1>
      %and3A_262 = arith.andi %eq3A_257, %and3A_261 : vector<128x128xi1>
      %convert_element_type3A_263 = arith.extui %and3A_262 : vector<128x128xi1> to vector<128x128xi32>
      %convert_element_type3A_264 = arith.sitofp %convert_element_type3A_263 : vector<128x128xi32> to vector<128x128xf32>
      %mul3A_265 = arith.mulf %convert_element_type3A_212, %convert_element_type3A_227 : vector<1x128xf32>
      %convert_element_type3A_266 = arith.sitofp %select_n3A_154 : vector<1x128xi32> to vector<1x128xf32>
      %mul3A_267 = arith.mulf %convert_element_type3A_266, %convert_element_type3A_227 : vector<1x128xf32>
      %dot_general3A_268 = arith.constant dense<0.000000e+00> : vector<1x128xf32>
      %dot_general3A_269 = tpu.matmul %mul3A_265, %convert_element_type3A_264, %dot_general3A_268 {dimension_numbers = #tpu.dot_dimension_numbers<[1], [0], [0], [1], [0, 0, 1, 1], [], []>, precision = #tpu.contract_precision<fp32>, transpose_lhs_hint = false} : vector<1x128xf32>, vector<128x128xf32>, vector<1x128xf32> -> vector<1x128xf32>
      %dot_general3A_270 = arith.constant dense<0.000000e+00> : vector<1x128xf32>
      %dot_general3A_271 = tpu.matmul %mul3A_267, %convert_element_type3A_264, %dot_general3A_270 {dimension_numbers = #tpu.dot_dimension_numbers<[1], [0], [0], [1], [0, 0, 1, 1], [], []>, precision = #tpu.contract_precision<fp32>, transpose_lhs_hint = false} : vector<1x128xf32>, vector<128x128xf32>, vector<1x128xf32> -> vector<1x128xf32>
      %sub3A_272 = arith.constant 1.000000e+00 : f32
      %sub3A_273 = arith.subf %reduce_sum3A_234, %sub3A_272 : f32
      %eq3A_274 = vector.broadcast %sub3A_273 : f32 to vector<1x128xf32>
      %eq3A_275 = arith.cmpf oeq, %dot_general3A_229, %eq3A_274 : vector<1x128xf32>
      %convert_element_type3A_276 = arith.extui %eq3A_275 : vector<1x128xi1> to vector<1x128xi32>
      %convert_element_type3A_277 = arith.sitofp %convert_element_type3A_276 : vector<1x128xi32> to vector<1x128xf32>
      %mul3A_278 = arith.mulf %convert_element_type3A_277, %convert_element_type3A_227 : vector<1x128xf32>
      %mul3A_279 = arith.mulf %mul3A_265, %mul3A_278 : vector<1x128xf32>
      %reduce_sum3A_280 = vector.shape_cast %mul3A_279 : vector<1x128xf32> to vector<1x1x128xf32>
      %reduce_sum3A_281 = arith.constant dense<0.000000e+00> : vector<1xf32>
      %reduce_sum3A_282 = vector.multi_reduction <add>, %reduce_sum3A_280, %reduce_sum3A_281 [1, 2] : vector<1x1x128xf32> to vector<1xf32>
      %reduce_sum3A_283 = vector.shape_cast %reduce_sum3A_282 : vector<1xf32> to vector<1x1x1xf32>
      %reduce_sum3A_284 = vector.extract %reduce_sum3A_283[0, 0, 0] : f32 from vector<1x1x1xf32>
      %mul3A_285 = arith.mulf %mul3A_267, %mul3A_278 : vector<1x128xf32>
      %reduce_sum3A_286 = vector.shape_cast %mul3A_285 : vector<1x128xf32> to vector<1x1x128xf32>
      %reduce_sum3A_287 = arith.constant dense<0.000000e+00> : vector<1xf32>
      %reduce_sum3A_288 = vector.multi_reduction <add>, %reduce_sum3A_286, %reduce_sum3A_287 [1, 2] : vector<1x1x128xf32> to vector<1xf32>
      %reduce_sum3A_289 = vector.shape_cast %reduce_sum3A_288 : vector<1xf32> to vector<1x1x1xf32>
      %reduce_sum3A_290 = vector.extract %reduce_sum3A_289[0, 0, 0] : f32 from vector<1x1x1xf32>
      %convert_element_type3A_291 = arith.sitofp %iota3A_91 : vector<1x128xi32> to vector<1x128xf32>
      %sub3A_292 = arith.constant 1.000000e+00 : f32
      %sub3A_293 = arith.subf %reduce_sum3A_234, %sub3A_292 : f32
      %le3A = vector.broadcast %sub3A_293 : f32 to vector<1x128xf32>
      %le3A_294 = arith.cmpf ole, %convert_element_type3A_291, %le3A : vector<1x128xf32>
      %broadcast_in_dim3A_295 = vector.broadcast %reduce_sum3A_284 : f32 to vector<1x128xf32>
      %select_n3A_296 = arith.select %le3A_294, %dot_general3A_269, %broadcast_in_dim3A_295 : vector<1x128xi1>, vector<1x128xf32>
      %sub3A_297 = arith.constant 1.000000e+00 : f32
      %sub3A_298 = arith.subf %reduce_sum3A_234, %sub3A_297 : f32
      %le3A_299 = vector.broadcast %sub3A_298 : f32 to vector<1x128xf32>
      %le3A_300 = arith.cmpf ole, %convert_element_type3A_291, %le3A_299 : vector<1x128xf32>
      %broadcast_in_dim3A_301 = vector.broadcast %reduce_sum3A_290 : f32 to vector<1x128xf32>
      %select_n3A_302 = arith.select %le3A_300, %dot_general3A_271, %broadcast_in_dim3A_301 : vector<1x128xi1>, vector<1x128xf32>
      %sub3A_303 = arith.constant 1 : i32
      %sub3A_304 = vector.broadcast %sub3A_303 : i32 to vector<128x128xi32>
      %sub3A_305 = arith.subi %iota3A_93, %sub3A_304 : vector<128x128xi32>
      %eq3A_306 = arith.cmpi eq, %iota3A_92, %sub3A_305 : vector<128x128xi32>
      %convert_element_type3A_307 = arith.extui %eq3A_306 : vector<128x128xi1> to vector<128x128xi32>
      %convert_element_type3A_308 = arith.sitofp %convert_element_type3A_307 : vector<128x128xi32> to vector<128x128xf32>
      %add3A_309 = arith.constant 1 : i32
      %add3A_310 = vector.broadcast %add3A_309 : i32 to vector<128x128xi32>
      %add3A_311 = arith.addi %iota3A_93, %add3A_310 : vector<128x128xi32>
      %eq3A_312 = arith.cmpi eq, %iota3A_92, %add3A_311 : vector<128x128xi32>
      %convert_element_type3A_313 = arith.extui %eq3A_312 : vector<128x128xi1> to vector<128x128xi32>
      %convert_element_type3A_314 = arith.sitofp %convert_element_type3A_313 : vector<128x128xi32> to vector<128x128xf32>
      %dot_general3A_315 = arith.constant dense<0.000000e+00> : vector<1x128xf32>
      %dot_general3A_316 = tpu.matmul %select_n3A_296, %convert_element_type3A_308, %dot_general3A_315 {dimension_numbers = #tpu.dot_dimension_numbers<[1], [0], [0], [1], [0, 0, 1, 1], [], []>, precision = #tpu.contract_precision<fp32>, transpose_lhs_hint = false} : vector<1x128xf32>, vector<128x128xf32>, vector<1x128xf32> -> vector<1x128xf32>
      %dot_general3A_317 = arith.constant dense<0.000000e+00> : vector<1x128xf32>
      %dot_general3A_318 = tpu.matmul %select_n3A_296, %convert_element_type3A_314, %dot_general3A_317 {dimension_numbers = #tpu.dot_dimension_numbers<[1], [0], [0], [1], [0, 0, 1, 1], [], []>, precision = #tpu.contract_precision<fp32>, transpose_lhs_hint = false} : vector<1x128xf32>, vector<128x128xf32>, vector<1x128xf32> -> vector<1x128xf32>
      %eq3A_319 = arith.constant 0 : i32
      %eq3A_320 = vector.broadcast %eq3A_319 : i32 to vector<1x128xi32>
      %eq3A_321 = arith.cmpi eq, %iota3A_91, %eq3A_320 : vector<1x128xi32>
      %ne3A_322 = arith.cmpf one, %select_n3A_296, %dot_general3A_316 : vector<1x128xf32>
      %or3A = arith.ori %eq3A_321, %ne3A_322 : vector<1x128xi1>
      %sub3A_323 = arith.constant 1.000000e+00 : f32
      %sub3A_324 = arith.subf %reduce_sum3A_234, %sub3A_323 : f32
      %eq3A_325 = vector.broadcast %sub3A_324 : f32 to vector<1x128xf32>
      %eq3A_326 = arith.cmpf oeq, %convert_element_type3A_291, %eq3A_325 : vector<1x128xf32>
      %ne3A_327 = arith.cmpf one, %dot_general3A_318, %select_n3A_296 : vector<1x128xf32>
      %or3A_328 = arith.ori %eq3A_326, %ne3A_327 : vector<1x128xi1>
      %convert_element_type3A_329 = arith.fptosi %select_n3A_296 : vector<1x128xf32> to vector<1x128xi32>
      %swap3A_330 = arith.constant 0 : index
      %swap3A_331 = arith.constant 0 : index
      %swap3A_332 = vector.load %arg8[%swap3A_330, %swap3A_331] : memref<1x128xi32, #tpu.memory_space<vmem>>, vector<1x128xi32>
      tpu.vector_store %arg8[%swap3A_330, %swap3A_331], %convert_element_type3A_329 {strides = array<i32>} : memref<1x128xi32, #tpu.memory_space<vmem>>, vector<1x128xi32>,
      %convert_element_type3A_333 = arith.fptosi %select_n3A_302 : vector<1x128xf32> to vector<1x128xi32>
      %swap3A_334 = arith.constant 0 : index
      %swap3A_335 = arith.constant 0 : index
      %swap3A_336 = vector.load %arg9[%swap3A_334, %swap3A_335] : memref<1x128xi32, #tpu.memory_space<vmem>>, vector<1x128xi32>
      tpu.vector_store %arg9[%swap3A_334, %swap3A_335], %convert_element_type3A_333 {strides = array<i32>} : memref<1x128xi32, #tpu.memory_space<vmem>>, vector<1x128xi32>,
      %convert_element_type3A_337 = arith.extui %or3A : vector<1x128xi1> to vector<1x128xi32>
      %swap3A_338 = arith.constant 0 : index
      %swap3A_339 = arith.constant 0 : index
      %swap3A_340 = vector.load %arg10[%swap3A_338, %swap3A_339] : memref<1x128xi32, #tpu.memory_space<vmem>>, vector<1x128xi32>
      tpu.vector_store %arg10[%swap3A_338, %swap3A_339], %convert_element_type3A_337 {strides = array<i32>} : memref<1x128xi32, #tpu.memory_space<vmem>>, vector<1x128xi32>,
      %convert_element_type3A_341 = arith.extui %or3A_328 : vector<1x128xi1> to vector<1x128xi32>
      %swap3A_342 = arith.constant 0 : index
      %swap3A_343 = arith.constant 0 : index
      %swap3A_344 = vector.load %arg11[%swap3A_342, %swap3A_343] : memref<1x128xi32, #tpu.memory_space<vmem>>, vector<1x128xi32>
      tpu.vector_store %arg11[%swap3A_342, %swap3A_343], %convert_element_type3A_341 {strides = array<i32>} : memref<1x128xi32, #tpu.memory_space<vmem>>, vector<1x128xi32>,
      %convert_element_type3A_345 = arith.fptosi %reduce_sum3A_234 : f32 to i32
      %broadcast_in_dim3A_346 = arith.constant 1 : i32
      %broadcast_in_dim3A_347 = vector.broadcast %broadcast_in_dim3A_346 : i32 to vector<1x1xi32>
      %mul3A_348 = vector.broadcast %convert_element_type3A_345 : i32 to vector<1x1xi32>
      %mul3A_349 = arith.muli %mul3A_348, %broadcast_in_dim3A_347 : vector<1x1xi32>
      %swap3A_350 = arith.constant 0 : index
      %swap3A_351 = arith.constant 0 : index
      %swap3A_352 = vector.load %arg12[%swap3A_350, %swap3A_351] : memref<1x1xi32, #tpu.memory_space<vmem>>, vector<1x1xi32>
      tpu.vector_store %arg12[%swap3A_350, %swap3A_351], %mul3A_349 {strides = array<i32>} : memref<1x1xi32, #tpu.memory_space<vmem>>, vector<1x1xi32>,
      %get3A_353 = arith.constant 0 : index
      %get3A_354 = arith.constant 0 : index
      %get3A_355 = vector.load %arg14[%get3A_353, %get3A_354] : memref<1x128xf32, #tpu.memory_space<vmem>>, vector<1x128xf32>
      %iota3A_356 = tpu.iota {dimensions = array<i32: 1>} : vector<1x128xi32>
      %lt3A_357 = arith.constant 8 : i32
      %lt3A_358 = vector.broadcast %lt3A_357 : i32 to vector<1x128xi32>
      %lt3A_359 = arith.cmpi slt, %iota3A_356, %lt3A_358 : vector<1x128xi32>
      %reduce_sum3A_360 = vector.shape_cast %get3A_355 : vector<1x128xf32> to vector<1x1x128xf32>
      %reduce_sum3A_361 = arith.constant dense<0.000000e+00> : vector<1xf32>
      %reduce_sum3A_362 = vector.multi_reduction <add>, %reduce_sum3A_360, %reduce_sum3A_361 [1, 2] : vector<1x1x128xf32> to vector<1xf32>
      %reduce_sum3A_363 = vector.shape_cast %reduce_sum3A_362 : vector<1xf32> to vector<1x1x1xf32>
      %reduce_sum3A_364 = vector.extract %reduce_sum3A_363[0, 0, 0] : f32 from vector<1x1x1xf32>
      %div3A_365 = arith.constant 8.000000e+00 : f32
      %div3A_366 = arith.divf %reduce_sum3A_364, %div3A_365 : f32
      %sub3A_367 = vector.broadcast %div3A_366 : f32 to vector<1x128xf32>
      %sub3A_368 = arith.subf %get3A_355, %sub3A_367 : vector<1x128xf32>
      %integer_pow3A = arith.mulf %sub3A_368, %sub3A_368 : vector<1x128xf32>
      %jit3A_369 = arith.constant 0.000000e+00 : f32
      %broadcast_in_dim3A_370 = vector.broadcast %jit3A_369 : f32 to vector<1x128xf32>
      %select_n3A_371 = arith.select %lt3A_359, %integer_pow3A, %broadcast_in_dim3A_370 : vector<1x128xi1>, vector<1x128xf32>
      %reduce_sum3A_372 = vector.shape_cast %select_n3A_371 : vector<1x128xf32> to vector<1x1x128xf32>
      %reduce_sum3A_373 = arith.constant dense<0.000000e+00> : vector<1xf32>
      %reduce_sum3A_374 = vector.multi_reduction <add>, %reduce_sum3A_372, %reduce_sum3A_373 [1, 2] : vector<1x1x128xf32> to vector<1xf32>
      %reduce_sum3A_375 = vector.shape_cast %reduce_sum3A_374 : vector<1xf32> to vector<1x1x1xf32>
      %reduce_sum3A_376 = vector.extract %reduce_sum3A_375[0, 0, 0] : f32 from vector<1x1x1xf32>
      %div3A_377 = arith.constant 7.000000e+00 : f32
      %div3A_378 = arith.divf %reduce_sum3A_376, %div3A_377 : f32
      %mul3A_379 = arith.mulf %div3A_366, %div3A_366 : f32
      %add3A_380 = arith.constant 1.000000e-10 : f32
      %add3A_381 = arith.addf %mul3A_379, %add3A_380 : f32
      %div3A_382 = arith.divf %div3A_378, %add3A_381 : f32
      %broadcast_in_dim3A_383 = arith.constant 1.000000e+00 : f32
      %broadcast_in_dim3A_384 = vector.broadcast %broadcast_in_dim3A_383 : f32 to vector<1x1xf32>
      %mul3A_385 = vector.broadcast %div3A_382 : f32 to vector<1x1xf32>
      %mul3A_386 = arith.mulf %mul3A_385, %broadcast_in_dim3A_384 : vector<1x1xf32>
      %swap3A_387 = arith.constant 0 : index
      %swap3A_388 = arith.constant 0 : index
      %swap3A_389 = vector.load %arg13[%swap3A_387, %swap3A_388] : memref<1x1xf32, #tpu.memory_space<vmem>>, vector<1x1xf32>
      tpu.vector_store %arg13[%swap3A_387, %swap3A_388], %mul3A_386 {strides = array<i32>} : memref<1x1xf32, #tpu.memory_space<vmem>>, vector<1x1xf32>,
    } else {
    }
    return
  }
  func.func @transform_0(%arg0: i32) -> (i32, i32) {
    %c0_i32 = arith.constant 0 : i32
    %c0_i32_0 = arith.constant 0 : i32
    return %arg0, %c0_i32 : i32, i32
  }
  func.func @transform_1(%arg0: i32) -> (i32, i32) {
    %c0_i32 = arith.constant 0 : i32
    %c0_i32_0 = arith.constant 0 : i32
    %c0_i32_1 = arith.constant 0 : i32
    return %c0_i32, %c0_i32_0 : i32, i32
  }
  func.func @transform_2(%arg0: i32) -> (i32, i32) {
    %c0_i32 = arith.constant 0 : i32
    %c0_i32_0 = arith.constant 0 : i32
    %c0_i32_1 = arith.constant 0 : i32
    return %c0_i32, %c0_i32_0 : i32, i32
  }
  func.func @transform_3(%arg0: i32) -> (i32, i32) {
    %c0_i32 = arith.constant 0 : i32
    %c0_i32_0 = arith.constant 0 : i32
    return %arg0, %c0_i32 : i32, i32
  }
  func.func @transform_4(%arg0: i32) -> (i32, i32) {
    %c0_i32 = arith.constant 0 : i32
    %c0_i32_0 = arith.constant 0 : i32
    return %arg0, %c0_i32 : i32, i32
  }
  func.func @transform_5(%arg0: i32) -> (i32, i32) {
    %c0_i32 = arith.constant 0 : i32
    %c0_i32_0 = arith.constant 0 : i32
    return %arg0, %c0_i32 : i32, i32
  }
  func.func @transform_6(%arg0: i32) -> (i32, i32) {
    %c0_i32 = arith.constant 0 : i32
    %c0_i32_0 = arith.constant 0 : i32
    %c0_i32_1 = arith.constant 0 : i32
    return %c0_i32, %c0_i32_0 : i32, i32
  }
  func.func @transform_7(%arg0: i32) -> (i32, i32) {
    %c0_i32 = arith.constant 0 : i32
    %c0_i32_0 = arith.constant 0 : i32
    %c0_i32_1 = arith.constant 0 : i32
    return %c0_i32, %c0_i32_0 : i32, i32
  }
  func.func @transform_8(%arg0: i32) -> (i32, i32) {
    %c0_i32 = arith.constant 0 : i32
    %c0_i32_0 = arith.constant 0 : i32
    %c0_i32_1 = arith.constant 0 : i32
    return %c0_i32, %c0_i32_0 : i32, i32
  }
  func.func @transform_9(%arg0: i32) -> (i32, i32) {
    %c0_i32 = arith.constant 0 : i32
    %c0_i32_0 = arith.constant 0 : i32
    %c0_i32_1 = arith.constant 0 : i32
    return %c0_i32, %c0_i32_0 : i32, i32
  }
  func.func @transform_10(%arg0: i32) -> (i32, i32) {
    %c0_i32 = arith.constant 0 : i32
    %c0_i32_0 = arith.constant 0 : i32
    %c0_i32_1 = arith.constant 0 : i32
    return %c0_i32, %c0_i32_0 : i32, i32
  }
  func.func @transform_11(%arg0: i32) -> (i32, i32) {
    %c0_i32 = arith.constant 0 : i32
    %c0_i32_0 = arith.constant 0 : i32
    %c0_i32_1 = arith.constant 0 : i32
    return %c0_i32, %c0_i32_0 : i32, i32
  }
  func.func @transform_12(%arg0: i32) -> (i32, i32) {
    %c0_i32 = arith.constant 0 : i32
    %c0_i32_0 = arith.constant 0 : i32
    %c0_i32_1 = arith.constant 0 : i32
    return %c0_i32, %c0_i32_0 : i32, i32
  }
}

module attributes {stable_mosaic.version = 14 : i64} {
  func.func @_ffn_body(%arg0: i32, %arg1: memref<32xi32, #tpu.memory_space<smem>>, %arg2: memref<32xi32, #tpu.memory_space<smem>>, %arg3: memref<32xi32, #tpu.memory_space<smem>>, %arg4: memref<32xi32, #tpu.memory_space<smem>>, %arg5: memref<1xi32, #tpu.memory_space<smem>>, %arg6: memref<16xi32, #tpu.memory_space<smem>>, %arg7: memref<128x768xf32, #tpu.memory_space<vmem>>, %arg8: memref<1x768x768xf32, #tpu.memory_space<vmem>>, %arg9: memref<1x1x768xf32, #tpu.memory_space<vmem>>, %arg10: memref<1x768x768xf32, #tpu.memory_space<vmem>>, %arg11: memref<1x1x768xf32, #tpu.memory_space<vmem>>, %arg12: memref<128x128xf32, #tpu.memory_space<vmem>>, %arg13: memref<1x768xf32, #tpu.memory_space<vmem>>, %arg14: memref<128x768xf32, #tpu.memory_space<vmem>>) attributes {dimension_semantics = [#tpu.dimension_semantics<arbitrary>], iteration_bounds = array<i64: 32>, scalar_prefetch = 6 : i64, scratch_operands = 0 : i64, tpu.core_type = #tpu.core_type<tc>, window_params = [{transform_indices = @transform_0, window_bounds = array<i64: 128, 768>}, {transform_indices = @transform_1, window_bounds = array<i64: 1, 768, 768>}, {transform_indices = @transform_2, window_bounds = array<i64: 1, 1, 768>}, {transform_indices = @transform_3, window_bounds = array<i64: 1, 768, 768>}, {transform_indices = @transform_4, window_bounds = array<i64: 1, 1, 768>}, {transform_indices = @transform_5, window_bounds = array<i64: 128, 128>}, {pipeline_mode = #tpu.pipeline_mode<synchronous>, transform_indices = @transform_6, window_bounds = array<i64: 1, 768>}, {transform_indices = @transform_7, window_bounds = array<i64: 128, 768>}]} {
    %get3A = arith.constant 0 : index
    %get3A_0 = memref.load %arg5[%get3A] : memref<1xi32, #tpu.memory_space<smem>>
    %lt3A = arith.cmpi slt, %arg0, %get3A_0 : i32
    %convert_element_type3A = arith.extui %lt3A : i1 to i32
    %cond3A = arith.constant 0 : i32
    %cond3A_1 = arith.cmpi ne, %convert_element_type3A, %cond3A : i32
    scf.if %cond3A_1 {
      %get3A_2 = arith.index_cast %arg0 : i32 to index
      %get3A_3 = memref.load %arg1[%get3A_2] : memref<32xi32, #tpu.memory_space<smem>>
      %get3A_4 = arith.index_cast %arg0 : i32 to index
      %get3A_5 = memref.load %arg2[%get3A_4] : memref<32xi32, #tpu.memory_space<smem>>
      %get3A_6 = arith.constant 0 : index
      %get3A_7 = arith.constant 0 : index
      %get3A_8 = vector.load %arg7[%get3A_6, %get3A_7] : memref<128x768xf32, #tpu.memory_space<vmem>>, vector<128x768xf32>
      %get3A_9 = arith.constant 0 : index
      %get3A_10 = arith.constant 0 : index
      %get3A_11 = arith.constant 0 : index
      %get3A_12 = vector.load %arg8[%get3A_9, %get3A_10, %get3A_11] : memref<1x768x768xf32, #tpu.memory_space<vmem>>, vector<1x768x768xf32>
      %get3A_13 = vector.shape_cast %get3A_12 : vector<1x768x768xf32> to vector<768x768xf32>
      %dot_general3A = arith.constant dense<0.000000e+00> : vector<128x768xf32>
      %dot_general3A_14 = tpu.matmul %get3A_8, %get3A_13, %dot_general3A {dimension_numbers = #tpu.dot_dimension_numbers<[1], [0], [0], [1], [0, 0, 1, 1], [], []>, transpose_lhs_hint = false} : vector<128x768xf32>, vector<768x768xf32>, vector<128x768xf32> -> vector<128x768xf32>
      %get3A_15 = arith.constant 0 : index
      %get3A_16 = arith.constant 0 : index
      %get3A_17 = arith.constant 0 : index
      %get3A_18 = vector.load %arg9[%get3A_15, %get3A_16, %get3A_17] : memref<1x1x768xf32, #tpu.memory_space<vmem>>, vector<1x1x768xf32>
      %get3A_19 = vector.shape_cast %get3A_18 : vector<1x1x768xf32> to vector<1x768xf32>
      %add3A = vector.broadcast %get3A_19 : vector<1x768xf32> to vector<128x768xf32>
      %add3A_20 = arith.addf %dot_general3A_14, %add3A : vector<128x768xf32>
      %mul3A = arith.constant 5.000000e-01 : f32
      %mul3A_21 = vector.broadcast %mul3A : f32 to vector<128x768xf32>
      %mul3A_22 = arith.mulf %mul3A_21, %add3A_20 : vector<128x768xf32>
      %mul3A_23 = arith.constant 0.707106769 : f32
      %mul3A_24 = vector.broadcast %mul3A_23 : f32 to vector<128x768xf32>
      %mul3A_25 = arith.mulf %add3A_20, %mul3A_24 : vector<128x768xf32>
      %erf3A = math.erf %mul3A_25 : vector<128x768xf32>
      %add3A_26 = arith.constant 1.000000e+00 : f32
      %add3A_27 = vector.broadcast %add3A_26 : f32 to vector<128x768xf32>
      %add3A_28 = arith.addf %add3A_27, %erf3A : vector<128x768xf32>
      %mul3A_29 = arith.mulf %mul3A_22, %add3A_28 : vector<128x768xf32>
      %get3A_30 = arith.constant 0 : index
      %get3A_31 = arith.constant 0 : index
      %get3A_32 = arith.constant 0 : index
      %get3A_33 = vector.load %arg10[%get3A_30, %get3A_31, %get3A_32] : memref<1x768x768xf32, #tpu.memory_space<vmem>>, vector<1x768x768xf32>
      %get3A_34 = vector.shape_cast %get3A_33 : vector<1x768x768xf32> to vector<768x768xf32>
      %dot_general3A_35 = arith.constant dense<0.000000e+00> : vector<128x768xf32>
      %dot_general3A_36 = tpu.matmul %mul3A_29, %get3A_34, %dot_general3A_35 {dimension_numbers = #tpu.dot_dimension_numbers<[1], [0], [0], [1], [0, 0, 1, 1], [], []>, transpose_lhs_hint = false} : vector<128x768xf32>, vector<768x768xf32>, vector<128x768xf32> -> vector<128x768xf32>
      %get3A_37 = arith.constant 0 : index
      %get3A_38 = arith.constant 0 : index
      %get3A_39 = arith.constant 0 : index
      %get3A_40 = vector.load %arg11[%get3A_37, %get3A_38, %get3A_39] : memref<1x1x768xf32, #tpu.memory_space<vmem>>, vector<1x1x768xf32>
      %get3A_41 = vector.shape_cast %get3A_40 : vector<1x1x768xf32> to vector<1x768xf32>
      %add3A_42 = vector.broadcast %get3A_41 : vector<1x768xf32> to vector<128x768xf32>
      %add3A_43 = arith.addf %dot_general3A_36, %add3A_42 : vector<128x768xf32>
      %mul3A_44 = arith.constant 128 : i32
      %mul3A_45 = arith.muli %get3A_3, %mul3A_44 : i32
      %iota3A = tpu.iota {dimensions = array<i32: 0>} : vector<128x1xi32>
      %add3A_46 = vector.broadcast %mul3A_45 : i32 to vector<128x1xi32>
      %add3A_47 = arith.addi %add3A_46, %iota3A : vector<128x1xi32>
      %get3A_48 = arith.index_cast %get3A_5 : i32 to index
      %get3A_49 = memref.load %arg6[%get3A_48] : memref<16xi32, #tpu.memory_space<smem>>
      %ge3A = vector.broadcast %get3A_49 : i32 to vector<128x1xi32>
      %ge3A_50 = arith.cmpi sge, %add3A_47, %ge3A : vector<128x1xi32>
      %add3A_51 = arith.constant 1 : i32
      %add3A_52 = arith.addi %get3A_5, %add3A_51 : i32
      %get3A_53 = arith.index_cast %add3A_52 : i32 to index
      %get3A_54 = memref.load %arg6[%get3A_53] : memref<16xi32, #tpu.memory_space<smem>>
      %lt3A_55 = vector.broadcast %get3A_54 : i32 to vector<128x1xi32>
      %lt3A_56 = arith.cmpi slt, %add3A_47, %lt3A_55 : vector<128x1xi32>
      %and3A = arith.andi %ge3A_50, %lt3A_56 : vector<128x1xi1>
      %jit3A = arith.constant 0.000000e+00 : f32
      %broadcast_in_dim3A = vector.shape_cast %and3A : vector<128x1xi1> to vector<128x1xi1>
      %broadcast_in_dim3A_57 = vector.broadcast %broadcast_in_dim3A : vector<128x1xi1> to vector<128x768xi1>
      %broadcast_in_dim3A_58 = vector.broadcast %jit3A : f32 to vector<128x768xf32>
      %select_n3A = arith.select %broadcast_in_dim3A_57, %add3A_43, %broadcast_in_dim3A_58 : vector<128x768xi1>, vector<128x768xf32>
      %get3A_59 = arith.index_cast %arg0 : i32 to index
      %get3A_60 = memref.load %arg3[%get3A_59] : memref<32xi32, #tpu.memory_space<smem>>
      %eq3A = arith.constant 1 : i32
      %eq3A_61 = arith.cmpi eq, %get3A_60, %eq3A : i32
      %convert_element_type3A_62 = arith.extui %eq3A_61 : i1 to i32
      %cond3A_63 = arith.constant 0 : i32
      %cond3A_64 = arith.cmpi ne, %convert_element_type3A_62, %cond3A_63 : i32
      scf.if %cond3A_64 {
        %swap3A = arith.constant 0 : index
        %swap3A_79 = arith.constant 0 : index
        %swap3A_80 = vector.load %arg14[%swap3A, %swap3A_79] : memref<128x768xf32, #tpu.memory_space<vmem>>, vector<128x768xf32>
        tpu.vector_store %arg14[%swap3A, %swap3A_79], %select_n3A {strides = array<i32>} : memref<128x768xf32, #tpu.memory_space<vmem>>, vector<128x768xf32>,
      } else {
      }
      %get3A_65 = arith.index_cast %arg0 : i32 to index
      %get3A_66 = memref.load %arg3[%get3A_65] : memref<32xi32, #tpu.memory_space<smem>>
      %eq3A_67 = arith.constant 0 : i32
      %eq3A_68 = arith.cmpi eq, %get3A_66, %eq3A_67 : i32
      %convert_element_type3A_69 = arith.extui %eq3A_68 : i1 to i32
      %cond3A_70 = arith.constant 0 : i32
      %cond3A_71 = arith.cmpi ne, %convert_element_type3A_69, %cond3A_70 : i32
      scf.if %cond3A_71 {
        %get3A_79 = arith.constant 0 : index
        %get3A_80 = arith.constant 0 : index
        %get3A_81 = vector.load %arg14[%get3A_79, %get3A_80] : memref<128x768xf32, #tpu.memory_space<vmem>>, vector<128x768xf32>
        %add3A_82 = arith.addf %get3A_81, %select_n3A : vector<128x768xf32>
        %swap3A = arith.constant 0 : index
        %swap3A_83 = arith.constant 0 : index
        %swap3A_84 = vector.load %arg14[%swap3A, %swap3A_83] : memref<128x768xf32, #tpu.memory_space<vmem>>, vector<128x768xf32>
        tpu.vector_store %arg14[%swap3A, %swap3A_83], %add3A_82 {strides = array<i32>} : memref<128x768xf32, #tpu.memory_space<vmem>>, vector<128x768xf32>,
      } else {
      }
      %get3A_72 = arith.index_cast %arg0 : i32 to index
      %get3A_73 = memref.load %arg4[%get3A_72] : memref<32xi32, #tpu.memory_space<smem>>
      %eq3A_74 = arith.constant 1 : i32
      %eq3A_75 = arith.cmpi eq, %get3A_73, %eq3A_74 : i32
      %convert_element_type3A_76 = arith.extui %eq3A_75 : i1 to i32
      %cond3A_77 = arith.constant 0 : i32
      %cond3A_78 = arith.cmpi ne, %convert_element_type3A_76, %cond3A_77 : i32
      scf.if %cond3A_78 {
        %get3A_79 = arith.constant 0 : index
        %get3A_80 = arith.constant 0 : index
        %get3A_81 = vector.load %arg14[%get3A_79, %get3A_80] : memref<128x768xf32, #tpu.memory_space<vmem>>, vector<128x768xf32>
        %get3A_82 = arith.constant 0 : index
        %get3A_83 = arith.constant 0 : index
        %get3A_84 = vector.load %arg12[%get3A_82, %get3A_83] : memref<128x128xf32, #tpu.memory_space<vmem>>, vector<128x1xf32>
        %mul3A_85 = vector.broadcast %get3A_84 : vector<128x1xf32> to vector<128x768xf32>
        %mul3A_86 = arith.mulf %get3A_81, %mul3A_85 : vector<128x768xf32>
        %add3A_87 = arith.addf %get3A_8, %mul3A_86 : vector<128x768xf32>
        %mul3A_88 = arith.mulf %add3A_87, %add3A_87 : vector<128x768xf32>
        %reduce_sum3A = arith.constant dense<0.000000e+00> : vector<128xf32>
        %reduce_sum3A_89 = vector.multi_reduction <add>, %mul3A_88, %reduce_sum3A [1] : vector<128x768xf32> to vector<128xf32>
        %broadcast_in_dim3A_90 = vector.shape_cast %reduce_sum3A_89 : vector<128xf32> to vector<128x1xf32>
        %sqrt3A = math.sqrt %broadcast_in_dim3A_90 : vector<128x1xf32>
        %max3A = arith.constant 9.99999996E-13 : f32
        %max3A_91 = vector.broadcast %max3A : f32 to vector<128x1xf32>
        %max3A_92 = arith.maximumf %sqrt3A, %max3A_91 : vector<128x1xf32>
        %div3A = vector.broadcast %max3A_92 : vector<128x1xf32> to vector<128x768xf32>
        %div3A_93 = arith.divf %add3A_87, %div3A : vector<128x768xf32>
        %get3A_94 = arith.constant 0 : index
        %get3A_95 = arith.constant 0 : index
        %get3A_96 = vector.load %arg13[%get3A_94, %get3A_95] : memref<1x768xf32, #tpu.memory_space<vmem>>, vector<1x768xf32>
        %mul3A_97 = vector.broadcast %get3A_96 : vector<1x768xf32> to vector<128x768xf32>
        %mul3A_98 = arith.mulf %div3A_93, %mul3A_97 : vector<128x768xf32>
        %mul3A_99 = arith.constant 27.7128124 : f32
        %mul3A_100 = vector.broadcast %mul3A_99 : f32 to vector<128x768xf32>
        %mul3A_101 = arith.mulf %mul3A_98, %mul3A_100 : vector<128x768xf32>
        %mul3A_102 = arith.constant 5.000000e-01 : f32
        %mul3A_103 = vector.broadcast %mul3A_102 : f32 to vector<128x768xf32>
        %mul3A_104 = arith.mulf %mul3A_103, %mul3A_101 : vector<128x768xf32>
        %mul3A_105 = arith.constant 0.707106769 : f32
        %mul3A_106 = vector.broadcast %mul3A_105 : f32 to vector<128x768xf32>
        %mul3A_107 = arith.mulf %mul3A_101, %mul3A_106 : vector<128x768xf32>
        %erf3A_108 = math.erf %mul3A_107 : vector<128x768xf32>
        %add3A_109 = arith.constant 1.000000e+00 : f32
        %add3A_110 = vector.broadcast %add3A_109 : f32 to vector<128x768xf32>
        %add3A_111 = arith.addf %add3A_110, %erf3A_108 : vector<128x768xf32>
        %mul3A_112 = arith.mulf %mul3A_104, %add3A_111 : vector<128x768xf32>
        %swap3A = arith.constant 0 : index
        %swap3A_113 = arith.constant 0 : index
        %swap3A_114 = vector.load %arg14[%swap3A, %swap3A_113] : memref<128x768xf32, #tpu.memory_space<vmem>>, vector<128x768xf32>
        tpu.vector_store %arg14[%swap3A, %swap3A_113], %mul3A_112 {strides = array<i32>} : memref<128x768xf32, #tpu.memory_space<vmem>>, vector<128x768xf32>,
      } else {
      }
    } else {
    }
    return
  }
  func.func @transform_0(%arg0: i32, %arg1: memref<32xi32, #tpu.memory_space<smem>>, %arg2: memref<32xi32, #tpu.memory_space<smem>>, %arg3: memref<32xi32, #tpu.memory_space<smem>>, %arg4: memref<32xi32, #tpu.memory_space<smem>>, %arg5: memref<1xi32, #tpu.memory_space<smem>>, %arg6: memref<16xi32, #tpu.memory_space<smem>>) -> (i32, i32) {
    %get3A = arith.index_cast %arg0 : i32 to index
    %get3A_0 = memref.load %arg1[%get3A] : memref<32xi32, #tpu.memory_space<smem>>
    %c0_i32 = arith.constant 0 : i32
    %c0_i32_1 = arith.constant 0 : i32
    return %get3A_0, %c0_i32 : i32, i32
  }
  func.func @transform_1(%arg0: i32, %arg1: memref<32xi32, #tpu.memory_space<smem>>, %arg2: memref<32xi32, #tpu.memory_space<smem>>, %arg3: memref<32xi32, #tpu.memory_space<smem>>, %arg4: memref<32xi32, #tpu.memory_space<smem>>, %arg5: memref<1xi32, #tpu.memory_space<smem>>, %arg6: memref<16xi32, #tpu.memory_space<smem>>) -> (i32, i32, i32) {
    %get3A = arith.index_cast %arg0 : i32 to index
    %get3A_0 = memref.load %arg2[%get3A] : memref<32xi32, #tpu.memory_space<smem>>
    %c0_i32 = arith.constant 0 : i32
    %c0_i32_1 = arith.constant 0 : i32
    %c0_i32_2 = arith.constant 0 : i32
    return %get3A_0, %c0_i32, %c0_i32_1 : i32, i32, i32
  }
  func.func @transform_2(%arg0: i32, %arg1: memref<32xi32, #tpu.memory_space<smem>>, %arg2: memref<32xi32, #tpu.memory_space<smem>>, %arg3: memref<32xi32, #tpu.memory_space<smem>>, %arg4: memref<32xi32, #tpu.memory_space<smem>>, %arg5: memref<1xi32, #tpu.memory_space<smem>>, %arg6: memref<16xi32, #tpu.memory_space<smem>>) -> (i32, i32, i32) {
    %get3A = arith.index_cast %arg0 : i32 to index
    %get3A_0 = memref.load %arg2[%get3A] : memref<32xi32, #tpu.memory_space<smem>>
    %c0_i32 = arith.constant 0 : i32
    %c0_i32_1 = arith.constant 0 : i32
    %c0_i32_2 = arith.constant 0 : i32
    return %get3A_0, %c0_i32, %c0_i32_1 : i32, i32, i32
  }
  func.func @transform_3(%arg0: i32, %arg1: memref<32xi32, #tpu.memory_space<smem>>, %arg2: memref<32xi32, #tpu.memory_space<smem>>, %arg3: memref<32xi32, #tpu.memory_space<smem>>, %arg4: memref<32xi32, #tpu.memory_space<smem>>, %arg5: memref<1xi32, #tpu.memory_space<smem>>, %arg6: memref<16xi32, #tpu.memory_space<smem>>) -> (i32, i32, i32) {
    %get3A = arith.index_cast %arg0 : i32 to index
    %get3A_0 = memref.load %arg2[%get3A] : memref<32xi32, #tpu.memory_space<smem>>
    %c0_i32 = arith.constant 0 : i32
    %c0_i32_1 = arith.constant 0 : i32
    %c0_i32_2 = arith.constant 0 : i32
    return %get3A_0, %c0_i32, %c0_i32_1 : i32, i32, i32
  }
  func.func @transform_4(%arg0: i32, %arg1: memref<32xi32, #tpu.memory_space<smem>>, %arg2: memref<32xi32, #tpu.memory_space<smem>>, %arg3: memref<32xi32, #tpu.memory_space<smem>>, %arg4: memref<32xi32, #tpu.memory_space<smem>>, %arg5: memref<1xi32, #tpu.memory_space<smem>>, %arg6: memref<16xi32, #tpu.memory_space<smem>>) -> (i32, i32, i32) {
    %get3A = arith.index_cast %arg0 : i32 to index
    %get3A_0 = memref.load %arg2[%get3A] : memref<32xi32, #tpu.memory_space<smem>>
    %c0_i32 = arith.constant 0 : i32
    %c0_i32_1 = arith.constant 0 : i32
    %c0_i32_2 = arith.constant 0 : i32
    return %get3A_0, %c0_i32, %c0_i32_1 : i32, i32, i32
  }
  func.func @transform_5(%arg0: i32, %arg1: memref<32xi32, #tpu.memory_space<smem>>, %arg2: memref<32xi32, #tpu.memory_space<smem>>, %arg3: memref<32xi32, #tpu.memory_space<smem>>, %arg4: memref<32xi32, #tpu.memory_space<smem>>, %arg5: memref<1xi32, #tpu.memory_space<smem>>, %arg6: memref<16xi32, #tpu.memory_space<smem>>) -> (i32, i32) {
    %get3A = arith.index_cast %arg0 : i32 to index
    %get3A_0 = memref.load %arg1[%get3A] : memref<32xi32, #tpu.memory_space<smem>>
    %c0_i32 = arith.constant 0 : i32
    %c0_i32_1 = arith.constant 0 : i32
    return %get3A_0, %c0_i32 : i32, i32
  }
  func.func @transform_6(%arg0: i32, %arg1: memref<32xi32, #tpu.memory_space<smem>>, %arg2: memref<32xi32, #tpu.memory_space<smem>>, %arg3: memref<32xi32, #tpu.memory_space<smem>>, %arg4: memref<32xi32, #tpu.memory_space<smem>>, %arg5: memref<1xi32, #tpu.memory_space<smem>>, %arg6: memref<16xi32, #tpu.memory_space<smem>>) -> (i32, i32) {
    %c0_i32 = arith.constant 0 : i32
    %c0_i32_0 = arith.constant 0 : i32
    %c0_i32_1 = arith.constant 0 : i32
    return %c0_i32, %c0_i32_0 : i32, i32
  }
  func.func @transform_7(%arg0: i32, %arg1: memref<32xi32, #tpu.memory_space<smem>>, %arg2: memref<32xi32, #tpu.memory_space<smem>>, %arg3: memref<32xi32, #tpu.memory_space<smem>>, %arg4: memref<32xi32, #tpu.memory_space<smem>>, %arg5: memref<1xi32, #tpu.memory_space<smem>>, %arg6: memref<16xi32, #tpu.memory_space<smem>>) -> (i32, i32) {
    %get3A = arith.index_cast %arg0 : i32 to index
    %get3A_0 = memref.load %arg1[%get3A] : memref<32xi32, #tpu.memory_space<smem>>
    %c0_i32 = arith.constant 0 : i32
    %c0_i32_1 = arith.constant 0 : i32
    return %get3A_0, %c0_i32 : i32, i32
  }
}

</mosaic_0001>

<sc_bundles>
// kernel: kernel.6.cloned.1.call-start
scs
__scs_entry_jumppad:
0x0: {  	(pc) =	sbr.rel $0x88, $3  }
0x1: {  	(tag) =	ssettag $0x0;
	lr =	simm.s32 $0x1  }
0x2: {  	[smem:$0x3F99] =	sst lr;
	_ =	strace $0xD0000000  }
0x3: {  	_ = 	snop  }
0x4: {  	_ = 	snop  }
0x5: {  	_ = 	snop  }
0x6: {  	_ = 	snop  }
0x7: {  	_ = 	snop  }
__scs_overlays_trampoline_lowered:
0x8: {  	[smem:$0x3FA8] =	sst s0  }
0x9: {  	[smem:$0x3FA9] =	sst s1  }
0xa: {  	[smem:$0x3FAA] =	sst s2  }
0xb: {  	[smem:$0x3FAB] =	sst s3  }
0xc: {  	[smem:$0x3FAC] =	sst s4  }
0xd: {  	[smem:$0x3FAD] =	sst s5  }
0xe: {  	[smem:$0x3FAE] =	sst s6  }
0xf: {  	[smem:$0x3FAF] =	sst s7  }
0x10: {  	[smem:$0x3FB0] =	sst s8  }
0x11: {  	[smem:$0x3FB1] =	sst s9;
	s0 =	simm.s32 @!p0 $0x0  }
0x12: {  	s1 =	sld [smem:$0x3F97];
	s0 =	simm.s32 @p0 $0x1  }
0x13: {  	[smem:$0x3FB2] =	sst s0;
	s0 =	simm.s32 @!p1 $0x0  }
0x14: {  	s2 =	sld [smem:$0x3F96];
	s0 =	simm.s32 @p1 $0x1  }
0x15: {  	[smem:$0x3FB3] =	sst s0;
	s0 =	simm.s32 @!p2 $0x0  }
0x16: {  	s3 =	sld [smem:$0x3FDB];
	s0 =	simm.s32 @p2 $0x1  }
0x17: {  	s4 =	simm.s32 $0x1BF5;
	[smem:$0x3FB5] =	sst s0  }
0x18: {  	s0 =	sld [smem:$0x3F98];
	_ =	swait.ge [sflag:s4], $0x0  }
0x19: {  	s7 =	sld [smem:$0x3F99]  }
0x1a: {  	s8 =	sadd.s32 $0xFFFFE003, lr  }
0x1b: {  	s9 =	sadd.s32 $0xFFFFFEF7, lr;
	s5 =	simm.s32 $0xFFFFFFFF;
	p2 =	slt.u32 s8, $0xFFFFF086  }
0x1c: {  	p1 =	slt.u32 s9, $0xF7A;
	s5 =	simm.s32 @!p2 $0x0  }
0x1d: {  	s5 =	simm.s32 @p1 $0x1;
	p0 =	seq.s32 s7, s2  }
0x1e: {  	s7 =	smul.u32 @!p0 $0xF7A, s2;
	p2 =	seq.s32 @!p0 s5, $0x0  }
0x1f: {  	s9 =	smul.u32 $0xF7A, s1;
	s8 =	simm.s32 @!p0 $0x1BF5;
	p2 =	por !p2, p0  }
0x20: {  	[sflag:s8] =	ssyncset.s32 @!p0 $0xFFFFF086;
	s6 =	sadd.s32 @!p0 s3, s7;
	s7 =	simm.s32 @!p0 $0x108  }
0x21: {  	s3 =	sadd.s32 s3, s9;
	s6 =	sadd.s32 @!p0 $0x88, s6;
	s7 =	simm.s32 @p2 $0x1082  }
0x22: {  	[simem:s7], [sflag:s8] =	dma.local @!p0 [hbm:s6], $0xF7A  }
0x23: {  	s9 =	sor.u32 $0xD0000000, s2;
	s6 =	simm.s32 $0x108;
	_ =	swait.ge @!p0 [sflag:s8], $0x0  }
0x24: {  	s3 =	sadd.s32 $0x88, s3;
	s6 =	simm.s32 @!p1 $0x1082;
	[sflag:s4] =	ssyncset.s32 $0xFFFFF086  }
0x25: {  	[simem:s6], [sflag:s4] =	dma.local [hbm:s3], $0xF7A  }
0x26: {  	[smem:$0x3F99] =	sst s1;
	(tag) =	ssettag s2;
	_ =	strace s9  }
0x27: {  	s1 =	sld [smem:$0x3FA9]  }
0x28: {  	s2 =	sld [smem:$0x3FAA]  }
0x29: {  	s4 =	sld [smem:$0x3FAC]  }
0x2a: {  	p0 =	seq.s32 s5, $0x0;
	s5 =	sld [smem:$0x3FAD]  }
0x2b: {  	s6 =	sld [smem:$0x3FAE]  }
0x2c: {  	s7 =	sld [smem:$0x3FAF]  }
0x2d: {  	s3 =	simm.s32 $0x108;
	s8 =	sld [smem:$0x3FB0]  }
0x2e: {  	s3 =	simm.s32 @!p0 $0x1082;
	s9 =	sld [smem:$0x3FB1]  }
0x2f: {  	lr =	sadd.s32 s0, s3;
	s0 =	sld [smem:$0x3FA8]  }
0x30: {  	s3 =	sld [smem:$0x3FAB]  }
0x31: {  	[smem:$0x3FB4] =	sst s10  }
0x32: {  	s10 =	sld [smem:$0x3FB2];
	_ =	sdelay $0x3  }
0x33: {  	p0 =	seq.s32 s10, $0x1;
	s10 =	sld [smem:$0x3FB4];
	_ =	sdelay $0x3  }
0x34: {  	[smem:$0x3FB4] =	sst s10  }
0x35: {  	s10 =	sld [smem:$0x3FB3];
	_ =	sdelay $0x3  }
0x36: {  	p1 =	seq.s32 s10, $0x1;
	s10 =	sld [smem:$0x3FB4];
	_ =	sdelay $0x3  }
0x37: {  	[smem:$0x3FB4] =	sst s10  }
0x38: {  	s10 =	sld [smem:$0x3FB5]  }
0x39: {  	_ = 	snop;
	(pc) =	sbr.ind lr, $3  }
0x3a: {  	_ = 	snop  }
0x3b: {  	_ = 	snop  }
0x3c: {  	p2 =	seq.s32 s10, $0x1;
	s10 =	sld [smem:$0x3FB4]  }
0x3d: {  	_ =	shalt  }
0x3e: {  	_ =	shalt  }
0x3f: {  	_ =	shalt  }
0x40: {  	_ =	shalt  }
0x41: {  	_ =	shalt  }
0x42: {  	_ =	shalt  }
0x43: {  	_ =	shalt  }
0x44: {  	_ =	shalt  }
0x45: {  	_ =	shalt  }
0x46: {  	_ =	shalt  }
0x47: {  	_ =	shalt  }
0x48: {  	_ =	shalt  }
0x49: {  	_ =	shalt  }
0x4a: {  	_ =	shalt  }
0x4b: {  	_ =	shalt  }
0x4c: {  	_ =	shalt  }
0x4d: {  	_ =	shalt  }
0x4e: {  	_ =	shalt  }
0x4f: {  	_ =	shalt  }
0x50: {  	_ =	shalt  }
0x51: {  	_ =	shalt  }
0x52: {  	_ =	shalt  }
0x53: {  	_ =	shalt  }
0x54: {  	_ =	shalt  }
0x55: {  	_ =	shalt  }
0x56: {  	_ =	shalt  }
0x57: {  	_ =	shalt  }
0x58: {  	_ =	shalt  }
0x59: {  	_ =	shalt  }
0x5a: {  	_ =	shalt  }
0x5b: {  	_ =	shalt  }
0x5c: {  	_ =	shalt  }
0x5d: {  	_ =	shalt  }
0x5e: {  	_ =	shalt  }
0x5f: {  	_ =	shalt  }
0x60: {  	_ =	shalt  }
0x61: {  	_ =	shalt  }
0x62: {  	_ =	shalt  }
0x63: {  	_ =	shalt  }
0x64: {  	_ =	shalt  }
0x65: {  	_ =	shalt  }
0x66: {  	_ =	shalt  }
0x67: {  	_ =	shalt  }
0x68: {  	_ =	shalt  }
0x69: {  	_ =	shalt  }
0x6a: {  	_ =	shalt  }
0x6b: {  	_ =	shalt  }
0x6c: {  	_ =	shalt  }
0x6d: {  	_ =	shalt  }
0x6e: {  	_ =	shalt  }
0x6f: {  	_ =	shalt  }
0x70: {  	_ =	shalt  }
0x71: {  	_ =	shalt  }
0x72: {  	_ =	shalt  }
0x73: {  	_ =	shalt  }
0x74: {  	_ =	shalt  }
0x75: {  	_ =	shalt  }
0x76: {  	_ =	shalt  }
0x77: {  	_ =	shalt  }
0x78: {  	_ =	shalt  }
0x79: {  	_ =	shalt  }
0x7a: {  	_ =	shalt  }
0x7b: {  	_ =	shalt  }
0x7c: {  	_ =	shalt  }
0x7d: {  	_ =	shalt  }
0x7e: {  	_ =	shalt  }
0x7f: {  	_ =	shalt  }
0x80: {  	_ =	shalt  }
0x81: {  	_ =	shalt  }
0x82: {  	_ =	shalt  }
0x83: {  	_ =	shalt  }
0x84: {  	_ =	shalt  }
0x85: {  	_ =	shalt  }
0x86: {  	_ =	shalt  }
0x87: {  	_ =	shalt  }
.Lfunc_end0:
.L_simem_size_0:
called_computation_lowered:
.L_overlay_start_0:
0x88: {  	s2 =	sld [smem:$0x3FD9]  }
0x89: {  	s3 =	sld [smem:$0x3FFE];
	_ =	sdelay $0x1  }
0x8a: {  	s1 =	srdreg.scid  }
0x8b: {  	s0 =	sand.u32 $0x1, s1  }
0x8c: {  	s14 =	sshll.u32 s0, $0xA;
	s2 =	sadd.s32 s3, s2  }
0x8d: {  	s2 =	sadd.s32 s2, s14  }
0x8e: {  	[smem:$0x3FC0] =	sst s2  }
0x8f: {  	_ = 	snop  }
0x90: {  	s2 =	sld [smem:$0x3FD0];
	_ =	sdelay $0x2  }
0x91: {  	s4 =	simm.s32 $0xA;
	s5 =	simm.s32 $0x10;
	s15 =	sld [smem:$0x3FC9]  }
0x92: {  	[smem:s5], [sflag:s4] =	dma.local [hbm:s2], $0x1  }
0x93: {  	_ =	swait.eq [sflag:s4], $0x1  }
0x94: {  	[sflag:s4] =	ssyncset.done $0x0  }
0x95: {  	[sflag:s4] =	ssyncadd.s32 $0xFFFFFFFF  }
0x96: {  	s16 =	sld [smem:$0x10];
	(tm) =	ssettm $0x1  }
0x97: {  	s17 =	sld [smem:$0x3FFB];
	_ =	sdelay $0x3  }
0x98: {  	_ =	strace s17  }
0x99: {  	s4 =	sld [smem:$0x3FFC];
	_ =	sdelay $0x3  }
0x9a: {  	_ =	strace s4  }
0x9b: {  	s4 =	sld [smem:$0x3FFD];
	_ =	sdelay $0x3  }
0x9c: {  	_ =	strace s4  }
0x9d: {  	_ =	strace $0x8FFFFFFF  }
0x9e: {  	s18 =	sld [smem:$0x3FDB];
	_ =	sdelay $0x1  }
0x9f: {  	s19 =	simm.s32 $_scs_section_size  }
0xa0: {  	s6 =	simm.s32 $_size__tile_overlayer_lowered;
	s7 =	simm.s32 $_tile_overlayer_lowered  }
0xa1: {  	s22 =	simm.s32 $0x1BFF;
	s21 =	sshll.u32 s7, $0x1;
	s4 =	sadd.s32 s19, s18  }
0xa2: {  	s8 =	simm.s32 $0x0;
	s20 =	sshll.u32 s6, $0x1;
	s6 =	sadd.s32 s21, s4  }
0xa3: {  	[timem:s8], [sflag:s22] =	dma.local [hbm:s6], s20  }
0xa4: {  	_ =	swait.ge [sflag:s22], s20  }
0xa5: {  	s5 =	ssub.s32 $0x0, s20;
	[sflag:s22] =	ssyncset.done $0x0  }
0xa6: {  	[sflag:s22] =	ssyncadd.s32 s5;
	_ =	sdelay $0x1  }
0xa7: {  	s23 =	simm.s32 $0x1B8B  }
0xa8: {  	_ =	swait.ge [sflag:s23], $0x1  }
0xa9: {  	[sflag:s23] =	ssyncset.done $0x0  }
0xaa: {  	s25 =	simm.s32 $0x1B8E;
	s24 =	sld [smem:$0x3FFE];
	[sflag:s23] =	ssyncadd.s32 $0xFFFFFFFF  }
0xab: {  	s26 =	simm.s32 $execute0_lowered;
	[smem:$0x3FD2] =	sst s25  }
0xac: {  	s6 =	sshll.u32 s26, $0x1;
	_ =	strace $0x80000046;
	[dreg:$0x1] =	wrdreg $0xFFFFFFFF  }
0xad: {  	s28 =	simm.s32 $_size_execute0_lowered;
	s4 =	sadd.s32 s4, s6;
	[dreg:$0x0] =	wrdreg $0x0  }
0xae: {  	s6 =	sshll.u32 s28, $0x1;
	[dreg:$0x2] =	wrdreg s4  }
0xaf: {  	[dreg:$0x3] =	wrdreg s6  }
0xb0: {  	[dreg:$0x4] =	wrdreg $0xC0  }
0xb1: {  	_ =	task [dreg:s8], $0x5FFFF  }
0xb2: {  	[dreg:$0x1] =	wrdreg $0xFFFFFFFF  }
0xb3: {  	[dreg:$0x0] =	wrdreg $0x60  }
0xb4: {  	[dreg:$0x2] =	wrdreg s15  }
0xb5: {  	[dreg:$0x3] =	wrdreg s24  }
0xb6: {  	[dreg:$0x4] =	wrdreg s16  }
0xb7: {  	[dreg:$0x5] =	wrdreg $0x9  }
0xb8: {  	_ =	task.clear_ibuf [dreg:s8], $0x6FFFF;
	_ =	strace $0x90000046  }
0xb9: {  	s29 =	simm.s32 $0x9;
	_ =	strace $0x80000048  }
0xba: {  	_ =	swait.ge [sflag:s29], $0x1  }
0xbb: {  	[sflag:s29] =	ssyncadd.s32 $0xFFFFFFFF  }
0xbc: {  	_ =	strace $0x90000048  }
0xbd: {  	_ =	sfence  }
0xbe: {  	s30 =	sld [smem:$0x0];
	_ =	sdelay $0x2  }
0xbf: {  	s31 =	sshll.u32 s1, $0xD;
	s1 =	sshrl.u32 s1, $0x2  }
0xc0: {  	s3 =	sand.u32 $0x4000, s31;
	s1 =	sadd.s32 s1, s30  }
0xc1: {  	s0 =	sor.u32 s3, s0;
	s1 =	sshll.u32 s1, $0x11  }
0xc2: {  	s0 =	sor.u32 s1, s0  }
0xc3: {  	s0 =	sadd.s32 $0x8F2B, s0  }
0xc4: {  	[sflag:s0] =	ssyncadd.remote.s32 $0x1  }
0xc5: {  	_ =	sfence.sel $0xFFFF  }
0xc6: {  	[dreg:$0x0] =	wrdreg $0xFFFFFFFF;
	(pc) =	sbr.abs _section_cstart, $3  }
0xc7: {  	[dreg:$0x1] =	wrdreg $0xFFFFFFFF  }
0xc8: {  	_ =	task.clear_ibuf [dreg:s8], $0x2FFFF;
	_ =	strace $0x9FFFFFFF  }
0xc9: {  	(tm) =	ssettm $0x7FFFFFFF  }
tec
execute0_lowered:
.L_overlay_start_1:
0x0: {  	(tag) =	ssettag $0x1  }
0x1: {  	s0 =	rddreg [dreg:$0x0]  }
0x2: {  	s4 =	rddreg [dreg:$0x1]  }
0x3: {  	s2 =	rddreg [dreg:$0x2]  }
0x4: {  	s5 =	srdreg.scid;
	s3 =	simm.s32 $0x0;
	s1 =	stileid.u32  }
0x5: {  	s19 =	simm.s32 $0x80;
	s21 =	simm.s32 $0x100;
	s22 =	simm.s32 $0x200  }
0x6: {  	s23 =	simm.s32 $0xA80;
	[smem:$0x7FF] =	sst s3;
	s8 =	sadd.s32 $0xE00, s4  }
0x7: {  	s13 =	sadd.s32 $0x1600, s4;
	_ =	strace $0x80000047;
	[dreg:$0x4] =	wrdreg s8  }
0x8: {  	s24 =	simm.s32 $0x1280;
	s25 =	simm.s32 $0x1A80;
	[dreg:$0x5] =	wrdreg s13  }
0x9: {  	s26 =	simm.s32 $0x2280;
	s9 =	simm.s32 $0x180;
	[dreg:$0xb] =	wrdreg s19  }
0xa: {  	s11 =	simm.s32 $0x3280;
	s12 =	simm.s32 $0x3A80;
	[dreg:$0xc] =	wrdreg s21  }
0xb: {  	s28 =	simm.s32 $0xB280;
	s29 =	simm.s32 $0xBA80;
	[dreg:$0xd] =	wrdreg s22  }
0xc: {  	s30 =	simm.s32 $0x1;
	s31 =	simm.s32 $0x40;
	[dreg:$0xe] =	wrdreg s23  }
0xd: {  	s5 =	sand.u32 $0x1, s5;
	s6 =	sshll.u32 s1, $0x4;
	[dreg:$0xf] =	wrdreg s24  }
0xe: {  	s7 =	sshll.u32 s5, $0x3;
	s5 =	ssub.s32 $0x2, s5;
	[dreg:$0x10] =	wrdreg s25  }
0xf: {  	s8 =	simm.s32 $0x280;
	[dreg:$0x11] =	wrdreg s26;
	s13 =	simm.s32 $0x4280  }
0x10: {  	s19 =	simm.s32 $0x7280;
	s21 =	simm.s32 $0x8280;
	s22 =	simm.s32 $0x8A80  }
0x11: {  	s23 =	simm.s32 $0x9280;
	s24 =	simm.s32 $0x9A80;
	s25 =	simm.s32 $0xA280  }
0x12: {  	s26 =	simm.s32 $0xAA80;
	s6 =	sor.u32 s7, s6;
	s18 =	sshrl.u32 s5, $0x1  }
0x13: {  	s7 =	simm.s32 $0x2;
	s4 =	sadd.s32 s6, s4;
	s6 =	smul.u32 $0x300, s6  }
0x14: {  	s20 =	ssub.s32 s5, s18;
	s5 =	sadd.s32 $0x200, s2;
	s14 =	sadd.s32 $0x1000, s4  }
0x15: {  	s18 =	simm.s32 $0x6A80;
	s15 =	sadd.s32 $0x1200, s4;
	[dreg:$0x6] =	wrdreg s14  }
0x16: {  	s16 =	sadd.s32 $0x1400, s4;
	s17 =	sadd.s32 $0x9600, s4;
	[dreg:$0x7] =	wrdreg s15  }
0x17: {  	s4 =	sadd.s32 $0x100, s2;
	[dreg:$0x8] =	wrdreg s16;
	s0 =	sadd.s32 s0, s6  }
0x18: {  	v2 =	vlaneseq.u32;
	[dreg:$0xa] =	wrdreg s17;
	s6 =	smax.u32 s20, $0x1;
	s14 =	simm.s32 $0x4A80  }
0x19: {  	vm0 =	vmmov $0x1;
	vm1 =	vmmov $0xffff;
	v1 =	vshrl.u32 v2, $0x3;
	s15 =	simm.s32 $0x5280;
	s16 =	simm.s32 $0x5A80;
	s17 =	simm.s32 $0x6280  }
0x1a: {  	v0 =	vand.u32 $0x7, v2;
	v2 =	vor.u32 $0x8, v2;
	v1 =	vmul.u32 $0x8, v1;
	s20 =	simm.s32 $0x7A80;
	[dreg:$0x9] =	wrdreg s0;
	s0 =	simm.s32 $0xC280  }
.LBB2_1:
0x1b: {  	s1 =	rddreg [dreg:$0x4]  }
0x1c: {  	[tilespmem:s3], [sflag:$0x2] =	stream.linear.gather [hbm4b:s1+s3], $0x80, $0x38;
	[tilespmem:$0xE280] =	vst v63  }
0x1d: {  	_ =	swait.ge [sflag:s7], $0x80  }
0x1e: {  	s1 =	rddreg [dreg:$0x6];
	[sflag:s7] =	ssyncset.done $0x0  }
0x1f: {  	s10 =	rddreg [dreg:$0xb];
	[sflag:s7] =	ssyncadd.s32 $0xFFFFFF80  }
0x20: {  	[tilespmem:s10], [sflag:$0x2] =	stream.linear.gather [hbm4b:s1+s3], $0x40, $0x38;
	[tilespmem:$0xE280] =	vst v63  }
0x21: {  	_ =	swait.ge [sflag:s7], $0x40  }
0x22: {  	s1 =	rddreg [dreg:$0x7];
	[sflag:s7] =	ssyncset.done $0x0  }
0x23: {  	s10 =	rddreg [dreg:$0xc];
	[sflag:s7] =	ssyncadd.s32 $0xFFFFFFC0  }
0x24: {  	[tilespmem:s10], [sflag:$0x2] =	stream.linear.gather [hbm4b:s1+s3], $0x40, $0x38;
	[tilespmem:$0xE280] =	vst v63  }
0x25: {  	_ =	swait.ge [sflag:s7], $0x40  }
0x26: {  	s1 =	rddreg [dreg:$0x8];
	[sflag:s7] =	ssyncset.done $0x0  }
0x27: {  	s10 =	rddreg [dreg:$0xd];
	[sflag:s7] =	ssyncadd.s32 $0xFFFFFFC0  }
0x28: {  	[tilespmem:s10], [sflag:$0x2] =	stream.linear.gather [hbm4b:s1+s3], $0x40, $0x38;
	[tilespmem:$0xE280] =	vst v63  }
0x29: {  	_ =	swait.ge [sflag:s7], $0x40  }
0x2a: {  	[sflag:s7] =	ssyncset.done $0x0  }
0x2b: {  	s10 =	rddreg [dreg:$0x9];
	[sflag:s7] =	ssyncadd.s32 $0xFFFFFFC0  }
0x2c: {  	[tilespmem:s8], [sflag:$0x2] =	stream.linear.gather [hbm4b:s10+s3], $0xC000, $0x38;
	[tilespmem:$0xE280] =	vst v63  }
0x2d: {  	_ =	swait.ge [sflag:s7], $0xC000  }
0x2e: {  	[sflag:s7] =	ssyncset.done $0x0  }
0x2f: {  	[sflag:s7] =	ssyncadd.s32 $0xFFFF4000  }
0x30: {  	v3 =	vld [tilespmem:$0x0]  }
0x31: {  	v4 =	vld [tilespmem:$0x80]  }
0x32: {  	v6 =	vld [tilespmem:$0x200]  }
0x33: {  	v5 =	vld [tilespmem:$0x100];
	_ =	sdelay $0x2  }
0x34: {  	v4 =	vperm.xlane v3, v4  }
0x35: {  	v52 =	vbroadcast v6, $0x1;
	v53 =	vnsel vm0, $0x0, v6  }
0x36: {  	v7 =	vbroadcast v6, $0x2;
	[tilespmem:$0xC280] =	vst v53;
	v4 =	vadd.s32 v4, v5  }
0x37: {  	v55 =	vbroadcast v6, $0x3;
	v54 =	vnsel vm0, $0x0, v52;
	[tilespmem:$0x180] =	vst v4  }
0x38: {  	v57 =	vbroadcast v6, $0x4;
	v56 =	vnsel vm0, $0x0, v7;
	[tilespmem:$0xC300] =	vst v54  }
0x39: {  	v8 =	vld [tilespmem:$0x90];
	v59 =	vbroadcast v6, $0x5;
	v10 =	vbroadcast v6, $0x8;
	v58 =	vnsel vm0, $0x0, v55;
	[tilespmem:$0xC380] =	vst v56  }
0x3a: {  	v50 =	vld [tilespmem:$0xA0];
	v61 =	vbroadcast v6, $0x6;
	v60 =	vnsel vm0, $0x0, v57;
	[tilespmem:$0xC400] =	vst v58  }
0x3b: {  	v63 =	vbroadcast v6, $0x7;
	v62 =	vnsel vm0, $0x0, v59;
	v13 =	vnsel vm0, $0x0, v10;
	v10 =	vld [tilespmem:$0x210];
	[tilespmem:$0xC480] =	vst v60  }
0x3c: {  	v12 =	vbroadcast v6, $0x9;
	v14 =	vbroadcast v6, $0xA;
	v9 =	vnsel vm0, $0x0, v61;
	[tilespmem:$0xC500] =	vst v62  }
0x3d: {  	v16 =	vbroadcast v6, $0xB;
	v18 =	vbroadcast v6, $0xC;
	v11 =	vnsel vm0, $0x0, v63;
	[tilespmem:$0xC580] =	vst v9  }
0x3e: {  	v20 =	vbroadcast v6, $0xD;
	v22 =	vbroadcast v6, $0xE;
	[tilespmem:$0xC600] =	vst v11  }
0x3f: {  	v24 =	vbroadcast v6, $0xF;
	v26 =	vperm.xlane v3, v8;
	v15 =	vnsel vm0, $0x0, v12;
	[tilespmem:$0xC680] =	vst v13  }
0x40: {  	v17 =	vnsel vm0, $0x0, v14;
	[tilespmem:$0xC700] =	vst v15;
	v62 =	vperm.xlane v3, v50;
	v29 =	vbroadcast v10, $0x1  }
0x41: {  	v19 =	vnsel vm0, $0x0, v16;
	[tilespmem:$0xC780] =	vst v17;
	v31 =	vbroadcast v10, $0x2;
	v33 =	vbroadcast v10, $0x3  }
0x42: {  	v53 =	vld [tilespmem:$0x120];
	v21 =	vnsel vm0, $0x0, v18;
	[tilespmem:$0xC800] =	vst v19;
	v35 =	vbroadcast v10, $0x4;
	v37 =	vbroadcast v10, $0x5  }
0x43: {  	v23 =	vnsel vm0, $0x0, v20;
	v9 =	vld [tilespmem:$0x110];
	[tilespmem:$0xC880] =	vst v21;
	v39 =	vbroadcast v10, $0x6;
	v41 =	vbroadcast v10, $0x7  }
0x44: {  	v25 =	vnsel vm0, $0x0, v22;
	[tilespmem:$0xC900] =	vst v23;
	v56 =	vld [tilespmem:$0x220];
	v43 =	vbroadcast v10, $0x8;
	v45 =	vbroadcast v10, $0x9  }
0x45: {  	v27 =	vnsel vm0, $0x0, v24;
	[tilespmem:$0xC980] =	vst v25;
	v47 =	vbroadcast v10, $0xA;
	v49 =	vbroadcast v10, $0xB  }
0x46: {  	[tilespmem:$0xCA00] =	vst v27;
	v30 =	vnsel vm0, $0x0, v10;
	v52 =	vbroadcast v10, $0xC;
	v55 =	vbroadcast v10, $0xD  }
0x47: {  	v58 =	vbroadcast v10, $0xE;
	v60 =	vbroadcast v10, $0xF;
	v10 =	vadd.s32 v62, v53;
	[tilespmem:$0xCA80] =	vst v30  }
0x48: {  	v28 =	vadd.s32 v26, v9;
	[tilespmem:$0x1A0] =	vst v10  }
0x49: {  	v12 =	vnsel vm0, $0x0, v56;
	[tilespmem:$0x190] =	vst v28  }
0x4a: {  	v32 =	vnsel vm0, $0x0, v29;
	[tilespmem:$0xD280] =	vst v12  }
0x4b: {  	v34 =	vnsel vm0, $0x0, v31;
	[tilespmem:$0xCB00] =	vst v32  }
0x4c: {  	v36 =	vnsel vm0, $0x0, v33;
	[tilespmem:$0xCB80] =	vst v34  }
0x4d: {  	v38 =	vnsel vm0, $0x0, v35;
	[tilespmem:$0xCC00] =	vst v36  }
0x4e: {  	v40 =	vnsel vm0, $0x0, v37;
	[tilespmem:$0xCC80] =	vst v38  }
0x4f: {  	v42 =	vnsel vm0, $0x0, v39;
	[tilespmem:$0xCD00] =	vst v40  }
0x50: {  	v44 =	vnsel vm0, $0x0, v41;
	[tilespmem:$0xCD80] =	vst v42  }
0x51: {  	v46 =	vnsel vm0, $0x0, v43;
	[tilespmem:$0xCE00] =	vst v44  }
0x52: {  	v48 =	vnsel vm0, $0x0, v45;
	[tilespmem:$0xCE80] =	vst v46  }
0x53: {  	v51 =	vnsel vm0, $0x0, v47;
	[tilespmem:$0xCF00] =	vst v48  }
0x54: {  	v54 =	vnsel vm0, $0x0, v49;
	[tilespmem:$0xCF80] =	vst v51  }
0x55: {  	v57 =	vnsel vm0, $0x0, v52;
	[tilespmem:$0xD000] =	vst v54  }
0x56: {  	v59 =	vnsel vm0, $0x0, v55;
	[tilespmem:$0xD080] =	vst v57  }
0x57: {  	v11 =	vbroadcast v56, $0x1;
	v61 =	vnsel vm0, $0x0, v58;
	[tilespmem:$0xD100] =	vst v59  }
0x58: {  	v13 =	vbroadcast v56, $0x2;
	v63 =	vnsel vm0, $0x0, v60;
	[tilespmem:$0xD180] =	vst v61  }
0x59: {  	v15 =	vbroadcast v56, $0x3;
	[tilespmem:$0xD200] =	vst v63;
	v14 =	vnsel vm0, $0x0, v11  }
0x5a: {  	v17 =	vbroadcast v56, $0x4;
	v16 =	vnsel vm0, $0x0, v13;
	[tilespmem:$0xD300] =	vst v14  }
0x5b: {  	v19 =	vbroadcast v56, $0x5;
	v18 =	vnsel vm0, $0x0, v15;
	[tilespmem:$0xD380] =	vst v16  }
0x5c: {  	v21 =	vbroadcast v56, $0x6;
	v20 =	vnsel vm0, $0x0, v17;
	[tilespmem:$0xD400] =	vst v18  }
0x5d: {  	v23 =	vbroadcast v56, $0x7;
	v22 =	vnsel vm0, $0x0, v19;
	[tilespmem:$0xD480] =	vst v20  }
0x5e: {  	v25 =	vbroadcast v56, $0x8;
	v24 =	vnsel vm0, $0x0, v21;
	[tilespmem:$0xD500] =	vst v22  }
0x5f: {  	v27 =	vbroadcast v56, $0x9;
	v26 =	vnsel vm0, $0x0, v23;
	[tilespmem:$0xD580] =	vst v24  }
0x60: {  	v29 =	vbroadcast v56, $0xA;
	v28 =	vnsel vm0, $0x0, v25;
	[tilespmem:$0xD600] =	vst v26  }
0x61: {  	v31 =	vbroadcast v56, $0xB;
	v30 =	vnsel vm0, $0x0, v27;
	v32 =	vld [tilespmem:$0xB0];
	[tilespmem:$0xD680] =	vst v28  }
0x62: {  	v35 =	vld [tilespmem:$0x130];
	v37 =	vbroadcast v56, $0xD;
	[tilespmem:$0xD700] =	vst v30;
	v33 =	vnsel vm0, $0x0, v29  }
0x63: {  	v34 =	vbroadcast v56, $0xC;
	v38 =	vld [tilespmem:$0x230];
	v36 =	vnsel vm0, $0x0, v31;
	[tilespmem:$0xD780] =	vst v33  }
0x64: {  	v40 =	vbroadcast v56, $0xE;
	v41 =	vnsel vm0, $0x0, v37;
	[tilespmem:$0xD800] =	vst v36  }
0x65: {  	v42 =	vbroadcast v56, $0xF;
	v39 =	vnsel vm0, $0x0, v34;
	[tilespmem:$0xD900] =	vst v41  }
0x66: {  	v43 =	vnsel vm0, $0x0, v40;
	[tilespmem:$0xD880] =	vst v39;
	v3 =	vperm.xlane v3, v32  }
0x67: {  	v44 =	vnsel vm0, $0x0, v42;
	[tilespmem:$0xD980] =	vst v43  }
0x68: {  	[tilespmem:$0xDA00] =	vst v44;
	v45 =	vbroadcast v38, $0x1;
	v3 =	vadd.s32 v3, v35  }
0x69: {  	v46 =	vbroadcast v38, $0x2;
	[tilespmem:$0x1B0] =	vst v3;
	v3 =	vnsel vm0, $0x0, v38  }
0x6a: {  	v47 =	vbroadcast v38, $0x3;
	[tilespmem:$0xDA80] =	vst v3;
	v3 =	vnsel vm0, $0x0, v45  }
0x6b: {  	v48 =	vbroadcast v38, $0x4;
	[tilespmem:$0xDB00] =	vst v3;
	v3 =	vnsel vm0, $0x0, v46  }
0x6c: {  	v49 =	vbroadcast v38, $0x5;
	[tilespmem:$0xDB80] =	vst v3;
	v3 =	vnsel vm0, $0x0, v47  }
0x6d: {  	v50 =	vbroadcast v38, $0x6;
	[tilespmem:$0xDC00] =	vst v3;
	v3 =	vnsel vm0, $0x0, v48  }
0x6e: {  	v51 =	vbroadcast v38, $0x7;
	[tilespmem:$0xDC80] =	vst v3;
	v3 =	vnsel vm0, $0x0, v49  }
0x6f: {  	v52 =	vbroadcast v38, $0x8;
	[tilespmem:$0xDD00] =	vst v3;
	v3 =	vnsel vm0, $0x0, v50  }
0x70: {  	v53 =	vbroadcast v38, $0x9;
	[tilespmem:$0xDD80] =	vst v3;
	v3 =	vnsel vm0, $0x0, v51  }
0x71: {  	v54 =	vbroadcast v38, $0xA;
	[tilespmem:$0xDE00] =	vst v3;
	v3 =	vnsel vm0, $0x0, v52  }
0x72: {  	v55 =	vbroadcast v38, $0xB;
	[tilespmem:$0xDE80] =	vst v3;
	v3 =	vnsel vm0, $0x0, v53  }
0x73: {  	v56 =	vbroadcast v38, $0xC;
	[tilespmem:$0xDF00] =	vst v3;
	v3 =	vnsel vm0, $0x0, v54  }
0x74: {  	v57 =	vbroadcast v38, $0xD;
	[tilespmem:$0xDF80] =	vst v3;
	v3 =	vnsel vm0, $0x0, v55  }
0x75: {  	v58 =	vbroadcast v38, $0xE;
	[tilespmem:$0xE000] =	vst v3;
	v3 =	vnsel vm0, $0x0, v56  }
0x76: {  	v59 =	vbroadcast v38, $0xF;
	[tilespmem:$0xE080] =	vst v3;
	v3 =	vnsel vm0, $0x0, v57  }
0x77: {  	[tilespmem:$0xE100] =	vst v3;
	v3 =	vnsel vm0, $0x0, v58  }
0x78: {  	[tilespmem:$0xE180] =	vst v3;
	v3 =	vnsel vm0, $0x0, v59  }
0x79: {  	s10 =	rddreg [dreg:$0xa];
	[tilespmem:$0xE200] =	vst v3  }
0x7a: {  	[hbm4b:s10+s3] =	stream.linear.scatter [tilespmem:s9], [sflag:$0x2], $0x40, $0x38;
	[tilespmem:$0xE280] =	vst v63  }
0x7b: {  	_ =	swait.ge [sflag:s7], $0x40  }
0x7c: {  	[sflag:s7] =	ssyncset.done $0x0  }
0x7d: {  	[sflag:s7] =	ssyncadd.s32 $0xFFFFFFC0  }
0x7e: {  	v3 =	vld [tilespmem:$0x180];
	_ =	sdelay $0x4  }
0x7f: {  	v60 =	vshrl.u32 v3, $0x3  }
0x80: {  	v4 =	vmul.u32 $0x30, v60  }
0x81: {  	v3 =	vand.u32 $0x7, v3  }
0x82: {  	v3 =	vor.u32 v3, v4  }
0x83: {  	v4 =	vperm.xlane v3, v0;
	_ =	sdelay $0x1  }
0x84: {  	v4 =	vadd.s32 v1, v4;
	_ =	sdelay $0x3  }
0x85: {  	v3 =	vperm.xlane v3, v2  }
0x86: {  	[hbm4b:s2+s3] =	stream.indirect_vreg.scatter [tilespmem:s8], [sflag:$0x1], $0x80, v4, vm1, $0xb8;
	[tilespmem:$0xE280] =	vst v63  }
0x87: {  	s1 =	rddreg [dreg:$0xe];
	v3 =	vadd.s32 v1, v3  }
0x88: {  	[hbm4b:s4+s3] =	stream.indirect_vreg.scatter [tilespmem:s1], [sflag:$0x1], $0x80, v4, vm1, $0xb8;
	[tilespmem:$0xE280] =	vst v63  }
0x89: {  	s10 =	rddreg [dreg:$0xf]  }
0x8a: {  	[hbm4b:s5+s3] =	stream.indirect_vreg.scatter [tilespmem:s10], [sflag:$0x1], $0x80, v4, vm1, $0xb8;
	[tilespmem:$0xE280] =	vst v63  }
0x8b: {  	s1 =	rddreg [dreg:$0x10]  }
0x8c: {  	[hbm4b:s2+s3] =	stream.indirect_vreg.scatter [tilespmem:s1], [sflag:$0x1], $0x80, v3, vm1, $0xb8;
	[tilespmem:$0xE280] =	vst v63  }
0x8d: {  	s10 =	rddreg [dreg:$0x11]  }
0x8e: {  	[hbm4b:s4+s3] =	stream.indirect_vreg.scatter [tilespmem:s10], [sflag:$0x1], $0x80, v3, vm1, $0xb8;
	[tilespmem:$0xE280] =	vst v63  }
0x8f: {  	s10 =	simm.s32 $0x2A80  }
0x90: {  	[hbm4b:s5+s3] =	stream.indirect_vreg.scatter [tilespmem:s10], [sflag:$0x1], $0x80, v3, vm1, $0xb8;
	[tilespmem:$0xE280] =	vst v63  }
0x91: {  	v3 =	vld [tilespmem:$0x190];
	_ =	sdelay $0x4  }
0x92: {  	v61 =	vshrl.u32 v3, $0x3  }
0x93: {  	v4 =	vmul.u32 $0x30, v61  }
0x94: {  	v3 =	vand.u32 $0x7, v3  }
0x95: {  	v3 =	vor.u32 v3, v4  }
0x96: {  	v4 =	vperm.xlane v3, v0;
	_ =	sdelay $0x1  }
0x97: {  	v4 =	vadd.s32 v1, v4;
	_ =	sdelay $0x3  }
0x98: {  	v3 =	vperm.xlane v3, v2  }
0x99: {  	[hbm4b:s2+s3] =	stream.indirect_vreg.scatter [tilespmem:s11], [sflag:$0x1], $0x80, v4, vm1, $0xb8;
	[tilespmem:$0xE280] =	vst v63  }
0x9a: {  	v3 =	vadd.s32 v1, v3  }
0x9b: {  	[hbm4b:s4+s3] =	stream.indirect_vreg.scatter [tilespmem:s12], [sflag:$0x1], $0x80, v4, vm1, $0xb8;
	[tilespmem:$0xE280] =	vst v63  }
0x9c: {  	_ = 	snop  }
0x9d: {  	[hbm4b:s5+s3] =	stream.indirect_vreg.scatter [tilespmem:s13], [sflag:$0x1], $0x80, v4, vm1, $0xb8;
	[tilespmem:$0xE280] =	vst v63  }
0x9e: {  	_ = 	snop  }
0x9f: {  	[hbm4b:s2+s3] =	stream.indirect_vreg.scatter [tilespmem:s14], [sflag:$0x1], $0x80, v3, vm1, $0xb8;
	[tilespmem:$0xE280] =	vst v63  }
0xa0: {  	_ = 	snop  }
0xa1: {  	[hbm4b:s4+s3] =	stream.indirect_vreg.scatter [tilespmem:s15], [sflag:$0x1], $0x80, v3, vm1, $0xb8;
	[tilespmem:$0xE280] =	vst v63  }
0xa2: {  	_ = 	snop  }
0xa3: {  	[hbm4b:s5+s3] =	stream.indirect_vreg.scatter [tilespmem:s16], [sflag:$0x1], $0x80, v3, vm1, $0xb8;
	[tilespmem:$0xE280] =	vst v63  }
0xa4: {  	v3 =	vld [tilespmem:$0x1A0];
	_ =	sdelay $0x4  }
0xa5: {  	v62 =	vshrl.u32 v3, $0x3  }
0xa6: {  	v4 =	vmul.u32 $0x30, v62  }
0xa7: {  	v3 =	vand.u32 $0x7, v3  }
0xa8: {  	v3 =	vor.u32 v3, v4  }
0xa9: {  	v4 =	vperm.xlane v3, v0;
	_ =	sdelay $0x1  }
0xaa: {  	v4 =	vadd.s32 v1, v4;
	_ =	sdelay $0x3  }
0xab: {  	v3 =	vperm.xlane v3, v2  }
0xac: {  	[hbm4b:s2+s3] =	stream.indirect_vreg.scatter [tilespmem:s17], [sflag:$0x1], $0x80, v4, vm1, $0xb8;
	[tilespmem:$0xE280] =	vst v63  }
0xad: {  	v3 =	vadd.s32 v1, v3  }
0xae: {  	[hbm4b:s4+s3] =	stream.indirect_vreg.scatter [tilespmem:s18], [sflag:$0x1], $0x80, v4, vm1, $0xb8;
	[tilespmem:$0xE280] =	vst v63  }
0xaf: {  	_ = 	snop  }
0xb0: {  	[hbm4b:s5+s3] =	stream.indirect_vreg.scatter [tilespmem:s19], [sflag:$0x1], $0x80, v4, vm1, $0xb8;
	[tilespmem:$0xE280] =	vst v63  }
0xb1: {  	_ = 	snop  }
0xb2: {  	[hbm4b:s2+s3] =	stream.indirect_vreg.scatter [tilespmem:s20], [sflag:$0x1], $0x80, v3, vm1, $0xb8;
	[tilespmem:$0xE280] =	vst v63  }
0xb3: {  	_ = 	snop  }
0xb4: {  	[hbm4b:s4+s3] =	stream.indirect_vreg.scatter [tilespmem:s21], [sflag:$0x1], $0x80, v3, vm1, $0xb8;
	[tilespmem:$0xE280] =	vst v63  }
0xb5: {  	_ = 	snop  }
0xb6: {  	[hbm4b:s5+s3] =	stream.indirect_vreg.scatter [tilespmem:s22], [sflag:$0x1], $0x80, v3, vm1, $0xb8;
	[tilespmem:$0xE280] =	vst v63  }
0xb7: {  	v3 =	vld [tilespmem:$0x1B0];
	_ =	sdelay $0x4  }
0xb8: {  	v63 =	vshrl.u32 v3, $0x3  }
0xb9: {  	v4 =	vmul.u32 $0x30, v63  }
0xba: {  	v3 =	vand.u32 $0x7, v3  }
0xbb: {  	v3 =	vor.u32 v3, v4  }
0xbc: {  	v4 =	vperm.xlane v3, v0;
	_ =	sdelay $0x1  }
0xbd: {  	v4 =	vadd.s32 v1, v4;
	_ =	sdelay $0x3  }
0xbe: {  	v3 =	vperm.xlane v3, v2  }
0xbf: {  	[hbm4b:s2+s3] =	stream.indirect_vreg.scatter [tilespmem:s23], [sflag:$0x1], $0x80, v4, vm1, $0xb8;
	[tilespmem:$0xE280] =	vst v63  }
0xc0: {  	v3 =	vadd.s32 v1, v3  }
0xc1: {  	[hbm4b:s4+s3] =	stream.indirect_vreg.scatter [tilespmem:s24], [sflag:$0x1], $0x80, v4, vm1, $0xb8;
	[tilespmem:$0xE280] =	vst v63  }
0xc2: {  	_ = 	snop  }
0xc3: {  	[hbm4b:s5+s3] =	stream.indirect_vreg.scatter [tilespmem:s25], [sflag:$0x1], $0x80, v4, vm1, $0xb8;
	[tilespmem:$0xE280] =	vst v63  }
0xc4: {  	_ = 	snop  }
0xc5: {  	[hbm4b:s2+s3] =	stream.indirect_vreg.scatter [tilespmem:s26], [sflag:$0x1], $0x80, v3, vm1, $0xb8;
	[tilespmem:$0xE280] =	vst v63  }
0xc6: {  	_ = 	snop  }
0xc7: {  	[hbm4b:s4+s3] =	stream.indirect_vreg.scatter [tilespmem:s28], [sflag:$0x1], $0x80, v3, vm1, $0xb8;
	[tilespmem:$0xE280] =	vst v63  }
0xc8: {  	_ = 	snop  }
0xc9: {  	[hbm4b:s5+s3] =	stream.indirect_vreg.scatter [tilespmem:s29], [sflag:$0x1], $0x80, v3, vm1, $0xb8;
	[tilespmem:$0xE280] =	vst v63  }
0xca: {  	_ =	swait.ge [sflag:s30], $0xC000  }
0xcb: {  	p0 =	sne.s32 s6, $0x1;
	[sflag:s30] =	ssyncset.done $0x0  }
.Ltmp0:
0xcc: {  	s10 =	rddreg [dreg:$0x5];
	[sflag:s30] =	ssyncadd.s32 $0xFFFF4000;
	(pc) =	sbr.rel @p0 .LBB2_1-.Ltmp0, $4  }
0xcd: {  	[hbm4b:s10+s31] =	stream.indirect.scatter [tilespmem:s0], [sflag:$0x1], $0x80, s9, s31, $0xb8;
	[tilespmem:$0xE280] =	vst v63  }
0xce: {  	_ =	swait.ge [sflag:s30], $0x2000  }
0xcf: {  	[sflag:s30] =	ssyncset.done $0x0  }
0xd0: {  	s6 =	sadd.s32 $0xFFFFFFFF, s6;
	[sflag:s30] =	ssyncadd.s32 $0xFFFFE000  }
0xd1: {  	_ =	sfence.sel $0x180000  }
0xd2: {  	[bflag:$0x0] =	sbarrier.arrive $0xFFFF  }
0xd3: {  	_ =	strace $0x90000047  }
0xd4: {  	s0 =	stileid.u32;
	[bflag:$0x2] =	sbarrier.arrive $0xFFFF  }
0xd5: {  	p0 =	sne.s32 s0, $0x0;
	s0 =	rddreg [dreg:$0x3]  }
0xd6: {  	s0 =	sadd.s32 @!p0 $0x100000, s0  }
0xd7: {  	[sflag:s0] =	ssyncadd.tile.s32 @!p0 $0x1;
	_ =	shalt  }
.Lfunc_end2:
_tile_overlayer_lowered:
.L_overlay_start_2:
0xd8: {  	(tag) =	ssettag $0x2  }
0xd9: {  	s0 =	rddreg [dreg:$0x0];
	s2 =	stileid.u32  }
0xda: {  	s1 =	rddreg [dreg:$0x1];
	p0 =	sne.s32 s2, $0x0  }
0xdb: {  	s3 =	rddreg [dreg:$0x2];
	[bflag:$0x3] =	sbarrier.arrive $0xFFFF;
	s2 =	simm.s32 @!p0 $0x1C02  }
0xdc: {  	[timem:s3], [sflag:s2] =	dma.local @!p0 [hbm:s0], s1  }
0xdd: {  	s0 =	simm.s32 @!p0 $0x2  }
0xde: {  	_ =	swait.ge @!p0 [sflag:s0], s1  }
0xdf: {  	s1 =	ssub.s32 @!p0 $0x0, s1;
	[sflag:s0] =	ssyncset.done @!p0 $0x0  }
0xe0: {  	[sflag:s0] =	ssyncadd.s32 @!p0 s1  }
0xe1: {  	[bflag:$0x3] =	sbarrier.arrive $0xFFFF  }
0xe2: {  	_ =	shalt  }

// kernel: kernel.9.cloned.1.call-start
scs
__scs_entry_jumppad:
0x0: {  	(pc) =	sbr.rel $0x88, $3  }
0x1: {  	(tag) =	ssettag $0x0;
	lr =	simm.s32 $0x1  }
0x2: {  	[smem:$0x3F99] =	sst lr;
	_ =	strace $0xD0000000  }
0x3: {  	_ = 	snop  }
0x4: {  	_ = 	snop  }
0x5: {  	_ = 	snop  }
0x6: {  	_ = 	snop  }
0x7: {  	_ = 	snop  }
__scs_overlays_trampoline_lowered:
0x8: {  	[smem:$0x3FA8] =	sst s0  }
0x9: {  	[smem:$0x3FA9] =	sst s1  }
0xa: {  	[smem:$0x3FAA] =	sst s2  }
0xb: {  	[smem:$0x3FAB] =	sst s3  }
0xc: {  	[smem:$0x3FAC] =	sst s4  }
0xd: {  	[smem:$0x3FAD] =	sst s5  }
0xe: {  	[smem:$0x3FAE] =	sst s6  }
0xf: {  	[smem:$0x3FAF] =	sst s7  }
0x10: {  	[smem:$0x3FB0] =	sst s8  }
0x11: {  	[smem:$0x3FB1] =	sst s9;
	s0 =	simm.s32 @!p0 $0x0  }
0x12: {  	s1 =	sld [smem:$0x3F97];
	s0 =	simm.s32 @p0 $0x1  }
0x13: {  	[smem:$0x3FB2] =	sst s0;
	s0 =	simm.s32 @!p1 $0x0  }
0x14: {  	s2 =	sld [smem:$0x3F96];
	s0 =	simm.s32 @p1 $0x1  }
0x15: {  	[smem:$0x3FB3] =	sst s0;
	s0 =	simm.s32 @!p2 $0x0  }
0x16: {  	s3 =	sld [smem:$0x3FDB];
	s0 =	simm.s32 @p2 $0x1  }
0x17: {  	s4 =	simm.s32 $0x1BF5;
	[smem:$0x3FB5] =	sst s0  }
0x18: {  	s0 =	sld [smem:$0x3F98];
	_ =	swait.ge [sflag:s4], $0x0  }
0x19: {  	s7 =	sld [smem:$0x3F99]  }
0x1a: {  	s8 =	sadd.s32 $0xFFFFE003, lr  }
0x1b: {  	s9 =	sadd.s32 $0xFFFFFEF7, lr;
	s5 =	simm.s32 $0xFFFFFFFF;
	p2 =	slt.u32 s8, $0xFFFFF086  }
0x1c: {  	p1 =	slt.u32 s9, $0xF7A;
	s5 =	simm.s32 @!p2 $0x0  }
0x1d: {  	s5 =	simm.s32 @p1 $0x1;
	p0 =	seq.s32 s7, s2  }
0x1e: {  	s7 =	smul.u32 @!p0 $0xF7A, s2;
	p2 =	seq.s32 @!p0 s5, $0x0  }
0x1f: {  	s9 =	smul.u32 $0xF7A, s1;
	s8 =	simm.s32 @!p0 $0x1BF5;
	p2 =	por !p2, p0  }
0x20: {  	[sflag:s8] =	ssyncset.s32 @!p0 $0xFFFFF086;
	s6 =	sadd.s32 @!p0 s3, s7;
	s7 =	simm.s32 @!p0 $0x108  }
0x21: {  	s3 =	sadd.s32 s3, s9;
	s6 =	sadd.s32 @!p0 $0x88, s6;
	s7 =	simm.s32 @p2 $0x1082  }
0x22: {  	[simem:s7], [sflag:s8] =	dma.local @!p0 [hbm:s6], $0xF7A  }
0x23: {  	s9 =	sor.u32 $0xD0000000, s2;
	s6 =	simm.s32 $0x108;
	_ =	swait.ge @!p0 [sflag:s8], $0x0  }
0x24: {  	s3 =	sadd.s32 $0x88, s3;
	s6 =	simm.s32 @!p1 $0x1082;
	[sflag:s4] =	ssyncset.s32 $0xFFFFF086  }
0x25: {  	[simem:s6], [sflag:s4] =	dma.local [hbm:s3], $0xF7A  }
0x26: {  	[smem:$0x3F99] =	sst s1;
	(tag) =	ssettag s2;
	_ =	strace s9  }
0x27: {  	s1 =	sld [smem:$0x3FA9]  }
0x28: {  	s2 =	sld [smem:$0x3FAA]  }
0x29: {  	s4 =	sld [smem:$0x3FAC]  }
0x2a: {  	p0 =	seq.s32 s5, $0x0;
	s5 =	sld [smem:$0x3FAD]  }
0x2b: {  	s6 =	sld [smem:$0x3FAE]  }
0x2c: {  	s7 =	sld [smem:$0x3FAF]  }
0x2d: {  	s3 =	simm.s32 $0x108;
	s8 =	sld [smem:$0x3FB0]  }
0x2e: {  	s3 =	simm.s32 @!p0 $0x1082;
	s9 =	sld [smem:$0x3FB1]  }
0x2f: {  	lr =	sadd.s32 s0, s3;
	s0 =	sld [smem:$0x3FA8]  }
0x30: {  	s3 =	sld [smem:$0x3FAB]  }
0x31: {  	[smem:$0x3FB4] =	sst s10  }
0x32: {  	s10 =	sld [smem:$0x3FB2];
	_ =	sdelay $0x3  }
0x33: {  	p0 =	seq.s32 s10, $0x1;
	s10 =	sld [smem:$0x3FB4];
	_ =	sdelay $0x3  }
0x34: {  	[smem:$0x3FB4] =	sst s10  }
0x35: {  	s10 =	sld [smem:$0x3FB3];
	_ =	sdelay $0x3  }
0x36: {  	p1 =	seq.s32 s10, $0x1;
	s10 =	sld [smem:$0x3FB4];
	_ =	sdelay $0x3  }
0x37: {  	[smem:$0x3FB4] =	sst s10  }
0x38: {  	s10 =	sld [smem:$0x3FB5]  }
0x39: {  	_ = 	snop;
	(pc) =	sbr.ind lr, $3  }
0x3a: {  	_ = 	snop  }
0x3b: {  	_ = 	snop  }
0x3c: {  	p2 =	seq.s32 s10, $0x1;
	s10 =	sld [smem:$0x3FB4]  }
0x3d: {  	_ =	shalt  }
0x3e: {  	_ =	shalt  }
0x3f: {  	_ =	shalt  }
0x40: {  	_ =	shalt  }
0x41: {  	_ =	shalt  }
0x42: {  	_ =	shalt  }
0x43: {  	_ =	shalt  }
0x44: {  	_ =	shalt  }
0x45: {  	_ =	shalt  }
0x46: {  	_ =	shalt  }
0x47: {  	_ =	shalt  }
0x48: {  	_ =	shalt  }
0x49: {  	_ =	shalt  }
0x4a: {  	_ =	shalt  }
0x4b: {  	_ =	shalt  }
0x4c: {  	_ =	shalt  }
0x4d: {  	_ =	shalt  }
0x4e: {  	_ =	shalt  }
0x4f: {  	_ =	shalt  }
0x50: {  	_ =	shalt  }
0x51: {  	_ =	shalt  }
0x52: {  	_ =	shalt  }
0x53: {  	_ =	shalt  }
0x54: {  	_ =	shalt  }
0x55: {  	_ =	shalt  }
0x56: {  	_ =	shalt  }
0x57: {  	_ =	shalt  }
0x58: {  	_ =	shalt  }
0x59: {  	_ =	shalt  }
0x5a: {  	_ =	shalt  }
0x5b: {  	_ =	shalt  }
0x5c: {  	_ =	shalt  }
0x5d: {  	_ =	shalt  }
0x5e: {  	_ =	shalt  }
0x5f: {  	_ =	shalt  }
0x60: {  	_ =	shalt  }
0x61: {  	_ =	shalt  }
0x62: {  	_ =	shalt  }
0x63: {  	_ =	shalt  }
0x64: {  	_ =	shalt  }
0x65: {  	_ =	shalt  }
0x66: {  	_ =	shalt  }
0x67: {  	_ =	shalt  }
0x68: {  	_ =	shalt  }
0x69: {  	_ =	shalt  }
0x6a: {  	_ =	shalt  }
0x6b: {  	_ =	shalt  }
0x6c: {  	_ =	shalt  }
0x6d: {  	_ =	shalt  }
0x6e: {  	_ =	shalt  }
0x6f: {  	_ =	shalt  }
0x70: {  	_ =	shalt  }
0x71: {  	_ =	shalt  }
0x72: {  	_ =	shalt  }
0x73: {  	_ =	shalt  }
0x74: {  	_ =	shalt  }
0x75: {  	_ =	shalt  }
0x76: {  	_ =	shalt  }
0x77: {  	_ =	shalt  }
0x78: {  	_ =	shalt  }
0x79: {  	_ =	shalt  }
0x7a: {  	_ =	shalt  }
0x7b: {  	_ =	shalt  }
0x7c: {  	_ =	shalt  }
0x7d: {  	_ =	shalt  }
0x7e: {  	_ =	shalt  }
0x7f: {  	_ =	shalt  }
0x80: {  	_ =	shalt  }
0x81: {  	_ =	shalt  }
0x82: {  	_ =	shalt  }
0x83: {  	_ =	shalt  }
0x84: {  	_ =	shalt  }
0x85: {  	_ =	shalt  }
0x86: {  	_ =	shalt  }
0x87: {  	_ =	shalt  }
.Lfunc_end0:
.L_simem_size_0:
called_computation.1_lowered:
.L_overlay_start_0:
0x88: {  	s2 =	sld [smem:$0x3FD9]  }
0x89: {  	s3 =	sld [smem:$0x3FFE];
	_ =	sdelay $0x1  }
0x8a: {  	s1 =	srdreg.scid  }
0x8b: {  	s0 =	sand.u32 $0x1, s1  }
0x8c: {  	s14 =	sshll.u32 s0, $0xA;
	s2 =	sadd.s32 s3, s2  }
0x8d: {  	s2 =	sadd.s32 s2, s14  }
0x8e: {  	[smem:$0x3FC0] =	sst s2  }
0x8f: {  	_ = 	snop  }
0x90: {  	s2 =	sld [smem:$0x3FD0];
	_ =	sdelay $0x2  }
0x91: {  	s15 =	simm.s32 $0xA;
	s4 =	simm.s32 $0x10  }
0x92: {  	[smem:s4], [sflag:s15] =	dma.local [hbm:s2], $0x1  }
0x93: {  	_ =	swait.eq [sflag:s15], $0x1  }
0x94: {  	[sflag:s15] =	ssyncset.done $0x0  }
0x95: {  	[sflag:s15] =	ssyncadd.s32 $0xFFFFFFFF  }
0x96: {  	s16 =	sld [smem:$0x10];
	(tm) =	ssettm $0x1  }
0x97: {  	s17 =	sld [smem:$0x3FFB];
	_ =	sdelay $0x3  }
0x98: {  	_ =	strace s17  }
0x99: {  	s3 =	sld [smem:$0x3FFC];
	_ =	sdelay $0x3  }
0x9a: {  	_ =	strace s3  }
0x9b: {  	s3 =	sld [smem:$0x3FFD];
	_ =	sdelay $0x3  }
0x9c: {  	_ =	strace s3  }
0x9d: {  	_ =	strace $0x8FFFFFFF  }
0x9e: {  	s18 =	sld [smem:$0x3FDB];
	_ =	sdelay $0x1  }
0x9f: {  	s19 =	simm.s32 $_scs_section_size  }
0xa0: {  	s5 =	simm.s32 $_size__tile_overlayer_lowered;
	s6 =	simm.s32 $_tile_overlayer_lowered  }
0xa1: {  	s22 =	simm.s32 $0x1BFF;
	s21 =	sshll.u32 s6, $0x1;
	s3 =	sadd.s32 s19, s18  }
0xa2: {  	s7 =	simm.s32 $0x0;
	s20 =	sshll.u32 s5, $0x1;
	s5 =	sadd.s32 s21, s3  }
0xa3: {  	[timem:s7], [sflag:s22] =	dma.local [hbm:s5], s20  }
0xa4: {  	_ =	swait.ge [sflag:s22], s20  }
0xa5: {  	s4 =	ssub.s32 $0x0, s20;
	[sflag:s22] =	ssyncset.done $0x0  }
0xa6: {  	[sflag:s22] =	ssyncadd.s32 s4;
	_ =	sdelay $0x1  }
0xa7: {  	s23 =	simm.s32 $0x1B8B  }
0xa8: {  	_ =	swait.ge [sflag:s23], $0x1  }
0xa9: {  	[sflag:s23] =	ssyncset.done $0x0  }
0xaa: {  	s25 =	simm.s32 $0x1B8E;
	s24 =	sld [smem:$0x3FFE];
	[sflag:s23] =	ssyncadd.s32 $0xFFFFFFFF  }
0xab: {  	s26 =	simm.s32 $execute0_lowered;
	[smem:$0x3FD2] =	sst s25  }
0xac: {  	s5 =	sshll.u32 s26, $0x1;
	_ =	strace $0x80000049;
	[dreg:$0x1] =	wrdreg $0xFFFFFFFF  }
0xad: {  	s28 =	simm.s32 $_size_execute0_lowered;
	s3 =	sadd.s32 s3, s5;
	[dreg:$0x0] =	wrdreg $0x0  }
0xae: {  	s5 =	sshll.u32 s28, $0x1;
	[dreg:$0x2] =	wrdreg s3  }
0xaf: {  	[dreg:$0x3] =	wrdreg s5  }
0xb0: {  	[dreg:$0x4] =	wrdreg $0xC0  }
0xb1: {  	_ =	task [dreg:s7], $0x5FFFF  }
0xb2: {  	[dreg:$0x1] =	wrdreg $0xFFFFFFFF  }
0xb3: {  	[dreg:$0x0] =	wrdreg $0x60  }
0xb4: {  	[dreg:$0x2] =	wrdreg s24  }
0xb5: {  	[dreg:$0x3] =	wrdreg s16  }
0xb6: {  	[dreg:$0x4] =	wrdreg $0x9  }
0xb7: {  	_ =	task.clear_ibuf [dreg:s7], $0x5FFFF;
	_ =	strace $0x90000049  }
0xb8: {  	s29 =	simm.s32 $0x9;
	_ =	strace $0x8000004B  }
0xb9: {  	_ =	swait.ge [sflag:s29], $0x1  }
0xba: {  	[sflag:s29] =	ssyncadd.s32 $0xFFFFFFFF  }
0xbb: {  	_ =	strace $0x9000004B  }
0xbc: {  	_ =	sfence  }
0xbd: {  	s30 =	sld [smem:$0x0];
	_ =	sdelay $0x2  }
0xbe: {  	s31 =	sshll.u32 s1, $0xD;
	s1 =	sshrl.u32 s1, $0x2  }
0xbf: {  	s3 =	sand.u32 $0x4000, s31;
	s1 =	sadd.s32 s1, s30  }
0xc0: {  	s0 =	sor.u32 s3, s0;
	s1 =	sshll.u32 s1, $0x11  }
0xc1: {  	s0 =	sor.u32 s1, s0  }
0xc2: {  	s0 =	sadd.s32 $0x8F2B, s0  }
0xc3: {  	[sflag:s0] =	ssyncadd.remote.s32 $0x1  }
0xc4: {  	_ =	sfence.sel $0xFFFF  }
0xc5: {  	[dreg:$0x0] =	wrdreg $0xFFFFFFFF;
	(pc) =	sbr.abs _section_cstart, $3  }
0xc6: {  	[dreg:$0x1] =	wrdreg $0xFFFFFFFF  }
0xc7: {  	_ =	task.clear_ibuf [dreg:s7], $0x2FFFF;
	_ =	strace $0x9FFFFFFF  }
0xc8: {  	(tm) =	ssettm $0x7FFFFFFF  }
0xc9: {  	_ =	shalt  }
tec
execute0_lowered:
.L_overlay_start_1:
0x0: {  	(tag) =	ssettag $0x1  }
0x1: {  	s0 =	rddreg [dreg:$0x0]  }
0x2: {  	s5 =	rddreg [dreg:$0x1];
	s3 =	srdreg.scid  }
0x3: {  	s2 =	simm.s32 $0x0;
	s1 =	stileid.u32;
	s26 =	simm.s32 $0x880  }
0x4: {  	s10 =	simm.s32 $0x1880;
	s11 =	simm.s32 $0x2080;
	s12 =	simm.s32 $0x2880  }
0x5: {  	s13 =	simm.s32 $0x3080;
	s14 =	simm.s32 $0x3880;
	s15 =	simm.s32 $0x4080  }
0x6: {  	s16 =	simm.s32 $0x4880;
	s17 =	simm.s32 $0x5080;
	s18 =	simm.s32 $0x5880  }
0x7: {  	s19 =	simm.s32 $0x6080;
	s20 =	simm.s32 $0x6880;
	s21 =	simm.s32 $0x7080  }
0x8: {  	s22 =	simm.s32 $0x7880;
	s28 =	simm.s32 $0xA080;
	s29 =	simm.s32 $0xA880  }
0x9: {  	s30 =	simm.s32 $0xB080;
	s31 =	simm.s32 $0xB880;
	s3 =	sand.u32 $0x1, s3  }
0xa: {  	[smem:$0x7FF] =	sst s2;
	s4 =	sshll.u32 s1, $0x4;
	s6 =	sshll.u32 s3, $0x3  }
0xb: {  	_ =	strace $0x8000004A;
	s23 =	ssub.s32 $0x2, s3;
	s3 =	sadd.s32 $0x9800, s0  }
0xc: {  	[dreg:$0x5] =	wrdreg s26;
	s26 =	simm.s32 $0x9880;
	s4 =	sor.u32 s6, s4  }
0xd: {  	s8 =	sshrl.u32 s23, $0x1;
	s7 =	sadd.s32 s4, s0;
	s9 =	smul.u32 $0x300, s4  }
0xe: {  	s6 =	ssub.s32 s23, s8;
	s4 =	sadd.s32 $0x9900, s0;
	s8 =	simm.s32 $0x80  }
0xf: {  	s23 =	simm.s32 $0x8080;
	s24 =	sadd.s32 $0x9600, s7;
	s6 =	smax.u32 s6, $0x1  }
0x10: {  	v2 =	vlaneseq.u32;
	s7 =	simm.s32 $0x2;
	[dreg:$0x3] =	wrdreg s24;
	s25 =	sadd.s32 s5, s9  }
0x11: {  	vm0 =	vmmov $0xffff;
	v1 =	vshrl.u32 v2, $0x3;
	s5 =	sadd.s32 $0x9A00, s0;
	s9 =	simm.s32 $0x1080;
	s24 =	simm.s32 $0x8880  }
0x12: {  	v0 =	vand.u32 $0x7, v2;
	v2 =	vor.u32 $0x8, v2;
	v1 =	vmul.u32 $0x8, v1;
	s0 =	simm.s32 $0x1;
	[dreg:$0x4] =	wrdreg s25;
	s25 =	simm.s32 $0x9080  }
.LBB2_1:
0x13: {  	s1 =	rddreg [dreg:$0x3]  }
0x14: {  	[tilespmem:s2], [sflag:$0x2] =	stream.linear.gather [hbm4b:s1+s2], $0x40, $0x38;
	[tilespmem:$0xC080] =	vst v63  }
0x15: {  	_ =	swait.ge [sflag:s7], $0x40  }
0x16: {  	[sflag:s7] =	ssyncset.done $0x0  }
0x17: {  	[sflag:s7] =	ssyncadd.s32 $0xFFFFFFC0  }
0x18: {  	v3 =	vld [tilespmem:$0x0];
	_ =	sdelay $0x4  }
0x19: {  	v4 =	vshrl.u32 v3, $0x3  }
0x1a: {  	v4 =	vmul.u32 $0x30, v4  }
0x1b: {  	v3 =	vand.u32 $0x7, v3  }
0x1c: {  	v3 =	vor.u32 v3, v4  }
0x1d: {  	v4 =	vperm.xlane v3, v0;
	_ =	sdelay $0x1  }
0x1e: {  	v4 =	vadd.s32 v1, v4;
	_ =	sdelay $0x3  }
0x1f: {  	v3 =	vperm.xlane v3, v2  }
0x20: {  	[tilespmem:s8], [sflag:$0x1] =	stream.indirect_vreg.gather [hbm4b:s3+s2], $0x80, v4, vm0, $0xb8;
	[tilespmem:$0xC080] =	vst v63  }
0x21: {  	s1 =	rddreg [dreg:$0x5];
	v3 =	vadd.s32 v1, v3  }
0x22: {  	[tilespmem:s1], [sflag:$0x1] =	stream.indirect_vreg.gather [hbm4b:s4+s2], $0x80, v4, vm0, $0xb8;
	[tilespmem:$0xC080] =	vst v63  }
0x23: {  	_ = 	snop  }
0x24: {  	[tilespmem:s9], [sflag:$0x1] =	stream.indirect_vreg.gather [hbm4b:s5+s2], $0x80, v4, vm0, $0xb8;
	[tilespmem:$0xC080] =	vst v63  }
0x25: {  	_ = 	snop  }
0x26: {  	[tilespmem:s10], [sflag:$0x1] =	stream.indirect_vreg.gather [hbm4b:s3+s2], $0x80, v3, vm0, $0xb8;
	[tilespmem:$0xC080] =	vst v63  }
0x27: {  	_ = 	snop  }
0x28: {  	[tilespmem:s11], [sflag:$0x1] =	stream.indirect_vreg.gather [hbm4b:s4+s2], $0x80, v3, vm0, $0xb8;
	[tilespmem:$0xC080] =	vst v63  }
0x29: {  	_ = 	snop  }
0x2a: {  	[tilespmem:s12], [sflag:$0x1] =	stream.indirect_vreg.gather [hbm4b:s5+s2], $0x80, v3, vm0, $0xb8;
	[tilespmem:$0xC080] =	vst v63  }
0x2b: {  	v3 =	vld [tilespmem:$0x10];
	_ =	sdelay $0x4  }
0x2c: {  	v61 =	vshrl.u32 v3, $0x3  }
0x2d: {  	v4 =	vmul.u32 $0x30, v61  }
0x2e: {  	v3 =	vand.u32 $0x7, v3  }
0x2f: {  	v3 =	vor.u32 v3, v4  }
0x30: {  	v4 =	vperm.xlane v3, v0;
	_ =	sdelay $0x1  }
0x31: {  	v4 =	vadd.s32 v1, v4;
	_ =	sdelay $0x3  }
0x32: {  	v3 =	vperm.xlane v3, v2  }
0x33: {  	[tilespmem:s13], [sflag:$0x1] =	stream.indirect_vreg.gather [hbm4b:s3+s2], $0x80, v4, vm0, $0xb8;
	[tilespmem:$0xC080] =	vst v63  }
0x34: {  	v3 =	vadd.s32 v1, v3  }
0x35: {  	[tilespmem:s14], [sflag:$0x1] =	stream.indirect_vreg.gather [hbm4b:s4+s2], $0x80, v4, vm0, $0xb8;
	[tilespmem:$0xC080] =	vst v63  }
0x36: {  	_ = 	snop  }
0x37: {  	[tilespmem:s15], [sflag:$0x1] =	stream.indirect_vreg.gather [hbm4b:s5+s2], $0x80, v4, vm0, $0xb8;
	[tilespmem:$0xC080] =	vst v63  }
0x38: {  	_ = 	snop  }
0x39: {  	[tilespmem:s16], [sflag:$0x1] =	stream.indirect_vreg.gather [hbm4b:s3+s2], $0x80, v3, vm0, $0xb8;
	[tilespmem:$0xC080] =	vst v63  }
0x3a: {  	_ = 	snop  }
0x3b: {  	[tilespmem:s17], [sflag:$0x1] =	stream.indirect_vreg.gather [hbm4b:s4+s2], $0x80, v3, vm0, $0xb8;
	[tilespmem:$0xC080] =	vst v63  }
0x3c: {  	_ = 	snop  }
0x3d: {  	[tilespmem:s18], [sflag:$0x1] =	stream.indirect_vreg.gather [hbm4b:s5+s2], $0x80, v3, vm0, $0xb8;
	[tilespmem:$0xC080] =	vst v63  }
0x3e: {  	v3 =	vld [tilespmem:$0x20];
	_ =	sdelay $0x4  }
0x3f: {  	v62 =	vshrl.u32 v3, $0x3  }
0x40: {  	v4 =	vmul.u32 $0x30, v62  }
0x41: {  	v3 =	vand.u32 $0x7, v3  }
0x42: {  	v3 =	vor.u32 v3, v4  }
0x43: {  	v4 =	vperm.xlane v3, v0;
	_ =	sdelay $0x1  }
0x44: {  	v4 =	vadd.s32 v1, v4;
	_ =	sdelay $0x3  }
0x45: {  	v3 =	vperm.xlane v3, v2  }
0x46: {  	[tilespmem:s19], [sflag:$0x1] =	stream.indirect_vreg.gather [hbm4b:s3+s2], $0x80, v4, vm0, $0xb8;
	[tilespmem:$0xC080] =	vst v63  }
0x47: {  	v3 =	vadd.s32 v1, v3  }
0x48: {  	[tilespmem:s20], [sflag:$0x1] =	stream.indirect_vreg.gather [hbm4b:s4+s2], $0x80, v4, vm0, $0xb8;
	[tilespmem:$0xC080] =	vst v63  }
0x49: {  	_ = 	snop  }
0x4a: {  	[tilespmem:s21], [sflag:$0x1] =	stream.indirect_vreg.gather [hbm4b:s5+s2], $0x80, v4, vm0, $0xb8;
	[tilespmem:$0xC080] =	vst v63  }
0x4b: {  	_ = 	snop  }
0x4c: {  	[tilespmem:s22], [sflag:$0x1] =	stream.indirect_vreg.gather [hbm4b:s3+s2], $0x80, v3, vm0, $0xb8;
	[tilespmem:$0xC080] =	vst v63  }
0x4d: {  	_ = 	snop  }
0x4e: {  	[tilespmem:s23], [sflag:$0x1] =	stream.indirect_vreg.gather [hbm4b:s4+s2], $0x80, v3, vm0, $0xb8;
	[tilespmem:$0xC080] =	vst v63  }
0x4f: {  	_ = 	snop  }
0x50: {  	[tilespmem:s24], [sflag:$0x1] =	stream.indirect_vreg.gather [hbm4b:s5+s2], $0x80, v3, vm0, $0xb8;
	[tilespmem:$0xC080] =	vst v63  }
0x51: {  	v3 =	vld [tilespmem:$0x30];
	_ =	sdelay $0x4  }
0x52: {  	v63 =	vshrl.u32 v3, $0x3  }
0x53: {  	v4 =	vmul.u32 $0x30, v63  }
0x54: {  	v3 =	vand.u32 $0x7, v3  }
0x55: {  	v3 =	vor.u32 v3, v4  }
0x56: {  	v4 =	vperm.xlane v3, v0;
	_ =	sdelay $0x1  }
0x57: {  	v4 =	vadd.s32 v1, v4;
	_ =	sdelay $0x3  }
0x58: {  	v3 =	vperm.xlane v3, v2  }
0x59: {  	[tilespmem:s25], [sflag:$0x1] =	stream.indirect_vreg.gather [hbm4b:s3+s2], $0x80, v4, vm0, $0xb8;
	[tilespmem:$0xC080] =	vst v63  }
0x5a: {  	v3 =	vadd.s32 v1, v3  }
0x5b: {  	[tilespmem:s26], [sflag:$0x1] =	stream.indirect_vreg.gather [hbm4b:s4+s2], $0x80, v4, vm0, $0xb8;
	[tilespmem:$0xC080] =	vst v63  }
0x5c: {  	_ = 	snop  }
0x5d: {  	[tilespmem:s28], [sflag:$0x1] =	stream.indirect_vreg.gather [hbm4b:s5+s2], $0x80, v4, vm0, $0xb8;
	[tilespmem:$0xC080] =	vst v63  }
0x5e: {  	_ = 	snop  }
0x5f: {  	[tilespmem:s29], [sflag:$0x1] =	stream.indirect_vreg.gather [hbm4b:s3+s2], $0x80, v3, vm0, $0xb8;
	[tilespmem:$0xC080] =	vst v63  }
0x60: {  	_ = 	snop  }
0x61: {  	[tilespmem:s30], [sflag:$0x1] =	stream.indirect_vreg.gather [hbm4b:s4+s2], $0x80, v3, vm0, $0xb8;
	[tilespmem:$0xC080] =	vst v63  }
0x62: {  	_ = 	snop  }
0x63: {  	[tilespmem:s31], [sflag:$0x1] =	stream.indirect_vreg.gather [hbm4b:s5+s2], $0x80, v3, vm0, $0xb8;
	[tilespmem:$0xC080] =	vst v63  }
0x64: {  	_ =	swait.ge [sflag:s0], $0xC000  }
0x65: {  	p0 =	sne.s32 s6, $0x1;
	[sflag:s0] =	ssyncset.done $0x0  }
.Ltmp0:
0x66: {  	s1 =	rddreg [dreg:$0x4];
	[sflag:s0] =	ssyncadd.s32 $0xFFFF4000;
	(pc) =	sbr.rel @p0 .LBB2_1-.Ltmp0, $4  }
0x67: {  	[hbm4b:s1+s2] =	stream.linear.scatter [tilespmem:s8], [sflag:$0x2], $0xC000, $0x38;
	[tilespmem:$0xC080] =	vst v63  }
0x68: {  	_ =	swait.ge [sflag:s7], $0xC000  }
0x69: {  	[sflag:s7] =	ssyncset.done $0x0  }
0x6a: {  	s6 =	sadd.s32 $0xFFFFFFFF, s6;
	[sflag:s7] =	ssyncadd.s32 $0xFFFF4000  }
0x6b: {  	_ =	sfence.sel $0x180000  }
0x6c: {  	[bflag:$0x0] =	sbarrier.arrive $0xFFFF  }
0x6d: {  	_ =	strace $0x9000004A  }
0x6e: {  	s0 =	stileid.u32;
	[bflag:$0x2] =	sbarrier.arrive $0xFFFF  }
0x6f: {  	p0 =	sne.s32 s0, $0x0;
	s0 =	rddreg [dreg:$0x2]  }
0x70: {  	s0 =	sadd.s32 @!p0 $0x100000, s0  }
0x71: {  	[sflag:s0] =	ssyncadd.tile.s32 @!p0 $0x1;
	_ =	shalt  }
.Lfunc_end2:
_tile_overlayer_lowered:
.L_overlay_start_2:
0x72: {  	(tag) =	ssettag $0x2  }
0x73: {  	s0 =	rddreg [dreg:$0x0];
	s2 =	stileid.u32  }
0x74: {  	s1 =	rddreg [dreg:$0x1];
	p0 =	sne.s32 s2, $0x0  }
0x75: {  	s3 =	rddreg [dreg:$0x2];
	[bflag:$0x3] =	sbarrier.arrive $0xFFFF;
	s2 =	simm.s32 @!p0 $0x1C02  }
0x76: {  	[timem:s3], [sflag:s2] =	dma.local @!p0 [hbm:s0], s1  }
0x77: {  	s0 =	simm.s32 @!p0 $0x2  }
0x78: {  	_ =	swait.ge @!p0 [sflag:s0], s1  }
0x79: {  	s1 =	ssub.s32 @!p0 $0x0, s1;
	[sflag:s0] =	ssyncset.done @!p0 $0x0  }
0x7a: {  	[sflag:s0] =	ssyncadd.s32 @!p0 s1  }
0x7b: {  	[bflag:$0x3] =	sbarrier.arrive $0xFFFF  }
0x7c: {  	_ =	shalt  }

</sc_bundles>
